<compile_context>
chip_gen: v7x
topology: tpu7x:2x2x1
jax: 0.10.2.dev20260603
libtpu: 0.0.44.dev20260713+nightly
codegen_flags: <defaults>
</compile_context>

<pallas_src>
import functools

import jax
import jax.numpy as jnp
from jax import lax
from jax.experimental import pallas as pl
from jax.experimental.pallas import tpu as pltpu
from jax.experimental.pallas import tpu_sc as plsc

_L = 16
_NC = 2
_NS = 16
_NW = _NC * _NS
_GROWS = 32
_NGATHER = 8
_NOUT = 4
_CHUNK = _GROWS * _NGATHER


def _pos_enc(length, d):
    dim_idx = jnp.arange(d, dtype=jnp.float32)
    pos = jnp.arange(length, dtype=jnp.float32)[:, None]
    angle = pos / (10000.0 ** (2.0 * dim_idx / d))
    odd_mask = (jnp.ones((d,), dtype=jnp.float32) - jnp.power(-1.0, dim_idx)) / 2.0
    even_mask = jnp.ones((d,), dtype=jnp.float32) - odd_mask
    return jnp.sin(angle) * even_mask + jnp.cos(angle) * odd_mask


def _gather16(v, idx):
    dnums = lax.GatherDimensionNumbers(
        offset_dims=(), collapsed_slice_dims=(0,), start_index_map=(0,))
    return lax.gather(v, idx[:, None], dnums, (1,),
                      mode=lax.GatherScatterMode.PROMISE_IN_BOUNDS)


def _allsum16(v):
    lanes = jnp.arange(_L, dtype=jnp.int32)
    for k in (1, 2, 4, 8):
        v = v + _gather16(v, lanes ^ k)
    return v


def _rsqrt16(v):
    bits = lax.bitcast_convert_type(v, jnp.int32)
    y = lax.bitcast_convert_type(
        jnp.int32(0x5F3759DF) - lax.shift_right_logical(bits, 1), jnp.float32)
    h = v * 0.5
    for _ in range(1):
        y = y * (1.5 - h * y * y)
    return y


def _make_sc_kernel(n_rows, seq, d):
    assert d == 4 * _L
    n_chunks = n_rows // _CHUNK
    assert n_chunks % _NW == 0
    iters = n_chunks // _NW
    assert iters % 2 == 0
    mesh = plsc.VectorSubcoreMesh(core_axis_name="c", subcore_axis_name="s")

    @functools.partial(
        pl.kernel,
        out_type=jax.ShapeDtypeStruct((n_rows, 2 * d), jnp.float32),
        mesh=mesh,
        scratch_types=[
            pltpu.VMEM((_NGATHER, _GROWS), jnp.int32),
            pltpu.VMEM((_NGATHER, _GROWS), jnp.int32),
            pltpu.VMEM((_CHUNK, d), jnp.float32),
            pltpu.VMEM((_CHUNK, d), jnp.float32),
            pltpu.VMEM((_CHUNK, d), jnp.float32),
            pltpu.VMEM((_CHUNK, d), jnp.float32),
            pltpu.VMEM((seq, d), jnp.float32),
            pltpu.VMEM((d,), jnp.float32),
            pltpu.VMEM((d,), jnp.float32),
            pltpu.SemaphoreType.DMA,
            pltpu.SemaphoreType.DMA,
            pltpu.SemaphoreType.DMA,
            pltpu.SemaphoreType.DMA,
        ],
        compiler_params=pltpu.CompilerParams(use_tc_tiling_on_sc=False),
    )
    def sc_kernel(x_hbm, table_hbm, pe_hbm, g_hbm, b_hbm, out_hbm,
                  idx0, idx1, rows0, rows1, orows0, orows1, pe_v, g_v, b_v,
                  gsem0, gsem1, osem0, osem1):
        wid = lax.axis_index("s") * _NC + lax.axis_index("c")
        base = wid * iters
        pltpu.sync_copy(pe_hbm, pe_v)
        pltpu.sync_copy(g_hbm, g_v)
        pltpu.sync_copy(b_hbm, b_v)
        g = [g_v[i * _L:(i + 1) * _L] for i in range(4)]
        b = [b_v[i * _L:(i + 1) * _L] for i in range(4)]
        idxs, rows = [idx0, idx1], [rows0, rows1]
        orows_b = [orows0, orows1]
        gsems, osems = [gsem0, gsem1], [osem0, osem1]

        def fire_gather(c_dyn, s):
            pltpu.sync_copy(x_hbm.at[pl.ds(c_dyn * _NGATHER, _NGATHER)],
                            idxs[s])
            for j in range(_NGATHER):
                pltpu.async_copy(table_hbm.at[idxs[s].at[j]],
                                 rows[s].at[pl.ds(j * _GROWS, _GROWS)],
                                 gsems[s])

        def wait_gather(s):
            for j in range(_NGATHER):
                pltpu.make_async_copy(table_hbm.at[idxs[s].at[j]],
                                      rows[s].at[pl.ds(j * _GROWS, _GROWS)],
                                      gsems[s]).wait()

        orows = _CHUNK // _NOUT

        def fire_out(c_dyn, s):
            for k in range(_NOUT):
                pltpu.async_copy(
                    orows_b[s].at[pl.ds(k * orows, orows)],
                    out_hbm.at[pl.ds(c_dyn * _CHUNK + k * orows, orows),
                               pl.ds(0, d)],
                    osems[s])

        def wait_out(s):
            for k in range(_NOUT):
                pltpu.make_async_copy(
                    orows_b[s].at[pl.ds(k * orows, orows)],
                    out_hbm.at[pl.ds(k * orows, orows), pl.ds(0, d)],
                    osems[s]).wait()

        def compute(s, c_dyn):
            buf = rows[s]
            obuf = orows_b[s]
            start_mod = lax.rem(c_dyn * _CHUNK, seq)

            @plsc.parallel_loop(0, _CHUNK, 1, unroll=4)
            def _row_body(r):
                lpos = lax.rem(start_mod + r, seq)
                h = [buf[r, i * _L:(i + 1) * _L]
                     + pe_v[lpos, i * _L:(i + 1) * _L] for i in range(4)]
                s_ = (h[0] + h[1]) + (h[2] + h[3])
                q = (h[0] * h[0] + h[1] * h[1]) + (h[2] * h[2] + h[3] * h[3])
                mean_v = _allsum16(s_) * (1.0 / d)
                ex2_v = _allsum16(q) * (1.0 / d)
                var_v = ex2_v - mean_v * mean_v
                rinv = _rsqrt16(var_v + 1e-5)
                for i in range(4):
                    a = rinv * g[i]
                    obuf[r, i * _L:(i + 1) * _L] = (
                        h[i] * a + (b[i] - mean_v * a))

        fire_gather(base, 0)

        def outer(g_i, carry):
            c0 = base + 2 * g_i
            wait_gather(0)
            fire_gather(c0 + 1, 1)

            @pl.when(g_i > 0)
            def _():
                wait_out(0)

            compute(0, c0)
            fire_out(c0, 0)
            wait_gather(1)

            @pl.when(g_i < iters // 2 - 1)
            def _():
                fire_gather(c0 + 2, 0)

            @pl.when(g_i > 0)
            def _():
                wait_out(1)

            compute(1, c0 + 1)
            fire_out(c0 + 1, 1)
            return carry

        lax.fori_loop(0, iters // 2, outer, 0)
        wait_out(0)
        wait_out(1)

    return sc_kernel


def kernel(x, table, gamma, beta):
    bsz, seq = x.shape
    d = table.shape[1]
    n_rows = bsz * seq
    table2 = jnp.pad(table, ((0, 0), (0, d))).reshape(-1, d)
    x2d = (x.astype(jnp.int32) * 2).reshape(n_rows // _GROWS, _GROWS)
    pe = _pos_enc(seq, d)
    out = _make_sc_kernel(n_rows, seq, d)(x2d, table2, pe, gamma, beta)
    return out.reshape(bsz, seq, 2 * d)[:, :, :d]

# --- scband reference (transcript-rebuilt; emitter-appended) ---
"""Pipeline reference for scband-embedding-29523605193133 (READ-ONLY COPY).

The authoritative reference and input builder live on the scoring server;
editing this copy changes nothing except your own understanding.
"""

import jax, jax.numpy as jnp
import numpy as np

EMBED_DIM = 64
VOCAB = 1000000
BATCH = 4096
SEQ = 200


def _positional_encoding(length, d):
    dim_idx = jnp.arange(d, dtype=jnp.float32)
    pos = jnp.arange(length, dtype=jnp.float32)[:, None]
    angle = pos / (10000.0 ** (2.0 * dim_idx / d))
    odd_mask = (jnp.ones((d,), dtype=jnp.float32) - jnp.power(-1.0, dim_idx)) / 2.0
    even_mask = jnp.ones((d,), dtype=jnp.float32) - odd_mask
    return jnp.sin(angle) * even_mask + jnp.cos(angle) * odd_mask


def setup_inputs(seed: int = 0) -> dict:
    key = jax.random.key(seed)
    k1, k2 = jax.random.split(key)
    x = jax.random.randint(k1, (BATCH, SEQ), 0, VOCAB, dtype=jnp.int64 if jax.config.jax_enable_x64 else jnp.int32)
    table = jax.random.normal(k2, (VOCAB, EMBED_DIM), dtype=jnp.float32)
    gamma = jnp.ones((EMBED_DIM,), dtype=jnp.float32)
    beta = jnp.zeros((EMBED_DIM,), dtype=jnp.float32)
    return {"x": x, "table": table, "gamma": gamma, "beta": beta}


def reference(x, table, gamma, beta):
    # embedding lookup
    emb = jnp.take(table, x, axis=0)  # [B, L, D]
    # positional encoding, broadcast over batch (torch stacks [pe] * B)
    pe = _positional_encoding(emb.shape[1], emb.shape[2])  # [L, D]
    h = emb + pe[None, :, :]
    # layer norm over last dim, eps=1e-5 (torch default)
    mean = jnp.mean(h, axis=-1, keepdims=True)
    var = jnp.mean((h - mean) ** 2, axis=-1, keepdims=True)
    normed = (h - mean) / jnp.sqrt(var + 1e-5)
    return normed * gamma + beta

if __name__ == "__main__":
    import jax
    _d = setup_inputs()
    print(jax.jit(kernel)(*tuple(_d.values())))

</pallas_src>

<mosaic_0001>
#map = affine_map<(d0, d1) -> (0, 0)>
#map1 = affine_map<(d0, d1) -> (0)>
module attributes {stable_mosaic.version = 14 : i64} {
  func.func @sc_kernel(%arg0: i32, %arg1: i32, %arg2: memref<25600x32xi32, #tpu.memory_space<hbm>>, %arg3: memref<2000000x64xf32, #tpu.memory_space<hbm>>, %arg4: memref<200x64xf32, #tpu.memory_space<hbm>>, %arg5: memref<64xf32, #tpu.memory_space<hbm>>, %arg6: memref<64xf32, #tpu.memory_space<hbm>>, %arg7: memref<819200x128xf32, #tpu.memory_space<hbm>>, %arg8: memref<8x32xi32, #tpu.memory_space<vmem>>, %arg9: memref<8x32xi32, #tpu.memory_space<vmem>>, %arg10: memref<256x64xf32, #tpu.memory_space<vmem>>, %arg11: memref<256x64xf32, #tpu.memory_space<vmem>>, %arg12: memref<256x64xf32, #tpu.memory_space<vmem>>, %arg13: memref<256x64xf32, #tpu.memory_space<vmem>>, %arg14: memref<200x64xf32, #tpu.memory_space<vmem>>, %arg15: memref<64xf32, #tpu.memory_space<vmem>>, %arg16: memref<64xf32, #tpu.memory_space<vmem>>, %arg17: memref<!tpu.dma_semaphore, #tpu.memory_space<semaphore_mem>>, %arg18: memref<!tpu.dma_semaphore, #tpu.memory_space<semaphore_mem>>, %arg19: memref<!tpu.dma_semaphore, #tpu.memory_space<semaphore_mem>>, %arg20: memref<!tpu.dma_semaphore, #tpu.memory_space<semaphore_mem>>) attributes {dimension_semantics = [#tpu.dimension_semantics<core_parallel>, #tpu.dimension_semantics<subcore_parallel>], iteration_bounds = array<i64: 2, 16>, scalar_prefetch = 0 : i64, scratch_operands = 13 : i64, tpu.core_type = #tpu.core_type<sc_vector_subcore>, window_params = [{transform_indices = #map}, {transform_indices = #map}, {transform_indices = #map}, {transform_indices = #map1}, {transform_indices = #map1}, {transform_indices = #map}]} {
    %mul3A = arith.constant 2 : i32
    %mul3A_0 = arith.muli %arg1, %mul3A : i32
    %add3A = arith.addi %mul3A_0, %arg0 : i32
    %mul3A_1 = arith.constant 100 : i32
    %mul3A_2 = arith.muli %add3A, %mul3A_1 : i32
    "tpu.region"() ({
      %run_scoped3A = tpu.sem_alloc : memref<!tpu.dma_semaphore, #tpu.memory_space<semaphore_mem>>
      tpu.enqueue_dma source(%arg4 : memref<200x64xf32, #tpu.memory_space<hbm>>) target(%arg14 : memref<200x64xf32, #tpu.memory_space<vmem>>) target_semaphore(%run_scoped3A : memref<!tpu.dma_semaphore, #tpu.memory_space<semaphore_mem>>)
      tpu.wait_dma2 semaphore(%run_scoped3A : memref<!tpu.dma_semaphore, #tpu.memory_space<semaphore_mem>>) src(%arg4 : memref<200x64xf32, #tpu.memory_space<hbm>>) dst(%arg14 : memref<200x64xf32, #tpu.memory_space<vmem>>)
      tpu.yield
    }) : () -> ()
    "tpu.region"() ({
      %run_scoped3A = tpu.sem_alloc : memref<!tpu.dma_semaphore, #tpu.memory_space<semaphore_mem>>
      tpu.enqueue_dma source(%arg5 : memref<64xf32, #tpu.memory_space<hbm>>) target(%arg15 : memref<64xf32, #tpu.memory_space<vmem>>) target_semaphore(%run_scoped3A : memref<!tpu.dma_semaphore, #tpu.memory_space<semaphore_mem>>)
      tpu.wait_dma2 semaphore(%run_scoped3A : memref<!tpu.dma_semaphore, #tpu.memory_space<semaphore_mem>>) src(%arg5 : memref<64xf32, #tpu.memory_space<hbm>>) dst(%arg15 : memref<64xf32, #tpu.memory_space<vmem>>)
      tpu.yield
    }) : () -> ()
    "tpu.region"() ({
      %run_scoped3A = tpu.sem_alloc : memref<!tpu.dma_semaphore, #tpu.memory_space<semaphore_mem>>
      tpu.enqueue_dma source(%arg6 : memref<64xf32, #tpu.memory_space<hbm>>) target(%arg16 : memref<64xf32, #tpu.memory_space<vmem>>) target_semaphore(%run_scoped3A : memref<!tpu.dma_semaphore, #tpu.memory_space<semaphore_mem>>)
      tpu.wait_dma2 semaphore(%run_scoped3A : memref<!tpu.dma_semaphore, #tpu.memory_space<semaphore_mem>>) src(%arg6 : memref<64xf32, #tpu.memory_space<hbm>>) dst(%arg16 : memref<64xf32, #tpu.memory_space<vmem>>)
      tpu.yield
    }) : () -> ()
    %get3A = arith.constant 0 : index
    %get3A_3 = tpu.vector_load %arg15[%get3A] {strides = array<i32>} : memref<64xf32, #tpu.memory_space<vmem>>, vector<16xf32>,
    %get3A_4 = vector.shape_cast %get3A_3 : vector<16xf32> to vector<16xf32>
    %get3A_5 = arith.constant 16 : index
    %get3A_6 = tpu.vector_load %arg15[%get3A_5] {strides = array<i32>} : memref<64xf32, #tpu.memory_space<vmem>>, vector<16xf32>,
    %get3A_7 = vector.shape_cast %get3A_6 : vector<16xf32> to vector<16xf32>
    %get3A_8 = arith.constant 32 : index
    %get3A_9 = tpu.vector_load %arg15[%get3A_8] {strides = array<i32>} : memref<64xf32, #tpu.memory_space<vmem>>, vector<16xf32>,
    %get3A_10 = vector.shape_cast %get3A_9 : vector<16xf32> to vector<16xf32>
    %get3A_11 = arith.constant 48 : index
    %get3A_12 = tpu.vector_load %arg15[%get3A_11] {strides = array<i32>} : memref<64xf32, #tpu.memory_space<vmem>>, vector<16xf32>,
    %get3A_13 = vector.shape_cast %get3A_12 : vector<16xf32> to vector<16xf32>
    %get3A_14 = arith.constant 0 : index
    %get3A_15 = tpu.vector_load %arg16[%get3A_14] {strides = array<i32>} : memref<64xf32, #tpu.memory_space<vmem>>, vector<16xf32>,
    %get3A_16 = vector.shape_cast %get3A_15 : vector<16xf32> to vector<16xf32>
    %get3A_17 = arith.constant 16 : index
    %get3A_18 = tpu.vector_load %arg16[%get3A_17] {strides = array<i32>} : memref<64xf32, #tpu.memory_space<vmem>>, vector<16xf32>,
    %get3A_19 = vector.shape_cast %get3A_18 : vector<16xf32> to vector<16xf32>
    %get3A_20 = arith.constant 32 : index
    %get3A_21 = tpu.vector_load %arg16[%get3A_20] {strides = array<i32>} : memref<64xf32, #tpu.memory_space<vmem>>, vector<16xf32>,
    %get3A_22 = vector.shape_cast %get3A_21 : vector<16xf32> to vector<16xf32>
    %get3A_23 = arith.constant 48 : index
    %get3A_24 = tpu.vector_load %arg16[%get3A_23] {strides = array<i32>} : memref<64xf32, #tpu.memory_space<vmem>>, vector<16xf32>,
    %get3A_25 = vector.shape_cast %get3A_24 : vector<16xf32> to vector<16xf32>
    %mul3A_26 = arith.constant 8 : i32
    %mul3A_27 = arith.muli %mul3A_2, %mul3A_26 : i32
    "tpu.region"() ({
      %run_scoped3A = tpu.sem_alloc : memref<!tpu.dma_semaphore, #tpu.memory_space<semaphore_mem>>
      %dma_start3A_207 = arith.constant 0 : i32
      %dma_start3A_208 = tpu.memref_slice %arg2[%mul3A_27, %dma_start3A_207] : memref<25600x32xi32, #tpu.memory_space<hbm>> -> memref<8x32xi32, #tpu.memory_space<hbm>>
      %dma_start3A_209 = arith.constant 0 : i32
      %dma_start3A_210 = tpu.memref_slice %arg2[%mul3A_27, %dma_start3A_209] : memref<25600x32xi32, #tpu.memory_space<hbm>> -> memref<8x32xi32, #tpu.memory_space<hbm>>
      tpu.enqueue_dma source(%dma_start3A_210 : memref<8x32xi32, #tpu.memory_space<hbm>>) target(%arg8 : memref<8x32xi32, #tpu.memory_space<vmem>>) target_semaphore(%run_scoped3A : memref<!tpu.dma_semaphore, #tpu.memory_space<semaphore_mem>>)
      %dma_wait3A_211 = arith.constant 0 : i32
      %dma_wait3A_212 = tpu.memref_slice %arg2[%mul3A_27, %dma_wait3A_211] : memref<25600x32xi32, #tpu.memory_space<hbm>> -> memref<8x32xi32, #tpu.memory_space<hbm>>
      %dma_wait3A_213 = arith.constant 0 : i32
      %dma_wait3A_214 = tpu.memref_slice %arg2[%mul3A_27, %dma_wait3A_213] : memref<25600x32xi32, #tpu.memory_space<hbm>> -> memref<8x32xi32, #tpu.memory_space<hbm>>
      tpu.wait_dma2 semaphore(%run_scoped3A : memref<!tpu.dma_semaphore, #tpu.memory_space<semaphore_mem>>) src(%dma_wait3A_214 : memref<8x32xi32, #tpu.memory_space<hbm>>) dst(%arg8 : memref<8x32xi32, #tpu.memory_space<vmem>>)
      tpu.yield
    }) : () -> ()
    %dma_start3A = arith.constant 0 : i32
    %dma_start3A_28 = arith.constant 0 : i32
    %dma_start3A_29 = arith.constant 0 : i32
    %dma_start3A_30 = tpu.memref_slice %arg10[%dma_start3A_28, %dma_start3A_29] : memref<256x64xf32, #tpu.memory_space<vmem>> -> memref<32x64xf32, #tpu.memory_space<vmem>>
    %dma_start3A_31 = arith.constant 0 : i32
    %dma_start3A_32 = tpu.memref_slice %arg8[%dma_start3A, %dma_start3A_31] : memref<8x32xi32, #tpu.memory_space<vmem>> -> memref<1x32xi32, #tpu.memory_space<vmem>>
    %dma_start3A_33 = tpu.memref_squeeze %dma_start3A_32 : memref<1x32xi32, #tpu.memory_space<vmem>> -> memref<32xi32, #tpu.memory_space<vmem>>
    %dma_start3A_34 = arith.constant 0 : i32
    %dma_start3A_35 = arith.constant 0 : i32
    %dma_start3A_36 = tpu.memref_slice %arg3[%dma_start3A_34, %dma_start3A_35] : memref<2000000x64xf32, #tpu.memory_space<hbm>> -> memref<2000000x64xf32, #tpu.memory_space<hbm>>
    tpu.enqueue_indirect_dma source(%dma_start3A_36 : memref<2000000x64xf32, #tpu.memory_space<hbm>>) target(%dma_start3A_30 : memref<32x64xf32, #tpu.memory_space<vmem>>) offsets(%dma_start3A_33 : memref<32xi32, #tpu.memory_space<vmem>>) semaphore(%arg17 : memref<!tpu.dma_semaphore, #tpu.memory_space<semaphore_mem>>)
    %dma_start3A_37 = arith.constant 1 : i32
    %dma_start3A_38 = arith.constant 32 : i32
    %dma_start3A_39 = arith.constant 0 : i32
    %dma_start3A_40 = tpu.memref_slice %arg10[%dma_start3A_38, %dma_start3A_39] : memref<256x64xf32, #tpu.memory_space<vmem>> -> memref<32x64xf32, #tpu.memory_space<vmem>>
    %dma_start3A_41 = arith.constant 0 : i32
    %dma_start3A_42 = tpu.memref_slice %arg8[%dma_start3A_37, %dma_start3A_41] : memref<8x32xi32, #tpu.memory_space<vmem>> -> memref<1x32xi32, #tpu.memory_space<vmem>>
    %dma_start3A_43 = tpu.memref_squeeze %dma_start3A_42 : memref<1x32xi32, #tpu.memory_space<vmem>> -> memref<32xi32, #tpu.memory_space<vmem>>
    %dma_start3A_44 = arith.constant 0 : i32
    %dma_start3A_45 = arith.constant 0 : i32
    %dma_start3A_46 = tpu.memref_slice %arg3[%dma_start3A_44, %dma_start3A_45] : memref<2000000x64xf32, #tpu.memory_space<hbm>> -> memref<2000000x64xf32, #tpu.memory_space<hbm>>
    tpu.enqueue_indirect_dma source(%dma_start3A_46 : memref<2000000x64xf32, #tpu.memory_space<hbm>>) target(%dma_start3A_40 : memref<32x64xf32, #tpu.memory_space<vmem>>) offsets(%dma_start3A_43 : memref<32xi32, #tpu.memory_space<vmem>>) semaphore(%arg17 : memref<!tpu.dma_semaphore, #tpu.memory_space<semaphore_mem>>)
    %dma_start3A_47 = arith.constant 2 : i32
    %dma_start3A_48 = arith.constant 64 : i32
    %dma_start3A_49 = arith.constant 0 : i32
    %dma_start3A_50 = tpu.memref_slice %arg10[%dma_start3A_48, %dma_start3A_49] : memref<256x64xf32, #tpu.memory_space<vmem>> -> memref<32x64xf32, #tpu.memory_space<vmem>>
    %dma_start3A_51 = arith.constant 0 : i32
    %dma_start3A_52 = tpu.memref_slice %arg8[%dma_start3A_47, %dma_start3A_51] : memref<8x32xi32, #tpu.memory_space<vmem>> -> memref<1x32xi32, #tpu.memory_space<vmem>>
    %dma_start3A_53 = tpu.memref_squeeze %dma_start3A_52 : memref<1x32xi32, #tpu.memory_space<vmem>> -> memref<32xi32, #tpu.memory_space<vmem>>
    %dma_start3A_54 = arith.constant 0 : i32
    %dma_start3A_55 = arith.constant 0 : i32
    %dma_start3A_56 = tpu.memref_slice %arg3[%dma_start3A_54, %dma_start3A_55] : memref<2000000x64xf32, #tpu.memory_space<hbm>> -> memref<2000000x64xf32, #tpu.memory_space<hbm>>
    tpu.enqueue_indirect_dma source(%dma_start3A_56 : memref<2000000x64xf32, #tpu.memory_space<hbm>>) target(%dma_start3A_50 : memref<32x64xf32, #tpu.memory_space<vmem>>) offsets(%dma_start3A_53 : memref<32xi32, #tpu.memory_space<vmem>>) semaphore(%arg17 : memref<!tpu.dma_semaphore, #tpu.memory_space<semaphore_mem>>)
    %dma_start3A_57 = arith.constant 3 : i32
    %dma_start3A_58 = arith.constant 96 : i32
    %dma_start3A_59 = arith.constant 0 : i32
    %dma_start3A_60 = tpu.memref_slice %arg10[%dma_start3A_58, %dma_start3A_59] : memref<256x64xf32, #tpu.memory_space<vmem>> -> memref<32x64xf32, #tpu.memory_space<vmem>>
    %dma_start3A_61 = arith.constant 0 : i32
    %dma_start3A_62 = tpu.memref_slice %arg8[%dma_start3A_57, %dma_start3A_61] : memref<8x32xi32, #tpu.memory_space<vmem>> -> memref<1x32xi32, #tpu.memory_space<vmem>>
    %dma_start3A_63 = tpu.memref_squeeze %dma_start3A_62 : memref<1x32xi32, #tpu.memory_space<vmem>> -> memref<32xi32, #tpu.memory_space<vmem>>
    %dma_start3A_64 = arith.constant 0 : i32
    %dma_start3A_65 = arith.constant 0 : i32
    %dma_start3A_66 = tpu.memref_slice %arg3[%dma_start3A_64, %dma_start3A_65] : memref<2000000x64xf32, #tpu.memory_space<hbm>> -> memref<2000000x64xf32, #tpu.memory_space<hbm>>
    tpu.enqueue_indirect_dma source(%dma_start3A_66 : memref<2000000x64xf32, #tpu.memory_space<hbm>>) target(%dma_start3A_60 : memref<32x64xf32, #tpu.memory_space<vmem>>) offsets(%dma_start3A_63 : memref<32xi32, #tpu.memory_space<vmem>>) semaphore(%arg17 : memref<!tpu.dma_semaphore, #tpu.memory_space<semaphore_mem>>)
    %dma_start3A_67 = arith.constant 4 : i32
    %dma_start3A_68 = arith.constant 128 : i32
    %dma_start3A_69 = arith.constant 0 : i32
    %dma_start3A_70 = tpu.memref_slice %arg10[%dma_start3A_68, %dma_start3A_69] : memref<256x64xf32, #tpu.memory_space<vmem>> -> memref<32x64xf32, #tpu.memory_space<vmem>>
    %dma_start3A_71 = arith.constant 0 : i32
    %dma_start3A_72 = tpu.memref_slice %arg8[%dma_start3A_67, %dma_start3A_71] : memref<8x32xi32, #tpu.memory_space<vmem>> -> memref<1x32xi32, #tpu.memory_space<vmem>>
    %dma_start3A_73 = tpu.memref_squeeze %dma_start3A_72 : memref<1x32xi32, #tpu.memory_space<vmem>> -> memref<32xi32, #tpu.memory_space<vmem>>
    %dma_start3A_74 = arith.constant 0 : i32
    %dma_start3A_75 = arith.constant 0 : i32
    %dma_start3A_76 = tpu.memref_slice %arg3[%dma_start3A_74, %dma_start3A_75] : memref<2000000x64xf32, #tpu.memory_space<hbm>> -> memref<2000000x64xf32, #tpu.memory_space<hbm>>
    tpu.enqueue_indirect_dma source(%dma_start3A_76 : memref<2000000x64xf32, #tpu.memory_space<hbm>>) target(%dma_start3A_70 : memref<32x64xf32, #tpu.memory_space<vmem>>) offsets(%dma_start3A_73 : memref<32xi32, #tpu.memory_space<vmem>>) semaphore(%arg17 : memref<!tpu.dma_semaphore, #tpu.memory_space<semaphore_mem>>)
    %dma_start3A_77 = arith.constant 5 : i32
    %dma_start3A_78 = arith.constant 160 : i32
    %dma_start3A_79 = arith.constant 0 : i32
    %dma_start3A_80 = tpu.memref_slice %arg10[%dma_start3A_78, %dma_start3A_79] : memref<256x64xf32, #tpu.memory_space<vmem>> -> memref<32x64xf32, #tpu.memory_space<vmem>>
    %dma_start3A_81 = arith.constant 0 : i32
    %dma_start3A_82 = tpu.memref_slice %arg8[%dma_start3A_77, %dma_start3A_81] : memref<8x32xi32, #tpu.memory_space<vmem>> -> memref<1x32xi32, #tpu.memory_space<vmem>>
    %dma_start3A_83 = tpu.memref_squeeze %dma_start3A_82 : memref<1x32xi32, #tpu.memory_space<vmem>> -> memref<32xi32, #tpu.memory_space<vmem>>
    %dma_start3A_84 = arith.constant 0 : i32
    %dma_start3A_85 = arith.constant 0 : i32
    %dma_start3A_86 = tpu.memref_slice %arg3[%dma_start3A_84, %dma_start3A_85] : memref<2000000x64xf32, #tpu.memory_space<hbm>> -> memref<2000000x64xf32, #tpu.memory_space<hbm>>
    tpu.enqueue_indirect_dma source(%dma_start3A_86 : memref<2000000x64xf32, #tpu.memory_space<hbm>>) target(%dma_start3A_80 : memref<32x64xf32, #tpu.memory_space<vmem>>) offsets(%dma_start3A_83 : memref<32xi32, #tpu.memory_space<vmem>>) semaphore(%arg17 : memref<!tpu.dma_semaphore, #tpu.memory_space<semaphore_mem>>)
    %dma_start3A_87 = arith.constant 6 : i32
    %dma_start3A_88 = arith.constant 192 : i32
    %dma_start3A_89 = arith.constant 0 : i32
    %dma_start3A_90 = tpu.memref_slice %arg10[%dma_start3A_88, %dma_start3A_89] : memref<256x64xf32, #tpu.memory_space<vmem>> -> memref<32x64xf32, #tpu.memory_space<vmem>>
    %dma_start3A_91 = arith.constant 0 : i32
    %dma_start3A_92 = tpu.memref_slice %arg8[%dma_start3A_87, %dma_start3A_91] : memref<8x32xi32, #tpu.memory_space<vmem>> -> memref<1x32xi32, #tpu.memory_space<vmem>>
    %dma_start3A_93 = tpu.memref_squeeze %dma_start3A_92 : memref<1x32xi32, #tpu.memory_space<vmem>> -> memref<32xi32, #tpu.memory_space<vmem>>
    %dma_start3A_94 = arith.constant 0 : i32
    %dma_start3A_95 = arith.constant 0 : i32
    %dma_start3A_96 = tpu.memref_slice %arg3[%dma_start3A_94, %dma_start3A_95] : memref<2000000x64xf32, #tpu.memory_space<hbm>> -> memref<2000000x64xf32, #tpu.memory_space<hbm>>
    tpu.enqueue_indirect_dma source(%dma_start3A_96 : memref<2000000x64xf32, #tpu.memory_space<hbm>>) target(%dma_start3A_90 : memref<32x64xf32, #tpu.memory_space<vmem>>) offsets(%dma_start3A_93 : memref<32xi32, #tpu.memory_space<vmem>>) semaphore(%arg17 : memref<!tpu.dma_semaphore, #tpu.memory_space<semaphore_mem>>)
    %dma_start3A_97 = arith.constant 7 : i32
    %dma_start3A_98 = arith.constant 224 : i32
    %dma_start3A_99 = arith.constant 0 : i32
    %dma_start3A_100 = tpu.memref_slice %arg10[%dma_start3A_98, %dma_start3A_99] : memref<256x64xf32, #tpu.memory_space<vmem>> -> memref<32x64xf32, #tpu.memory_space<vmem>>
    %dma_start3A_101 = arith.constant 0 : i32
    %dma_start3A_102 = tpu.memref_slice %arg8[%dma_start3A_97, %dma_start3A_101] : memref<8x32xi32, #tpu.memory_space<vmem>> -> memref<1x32xi32, #tpu.memory_space<vmem>>
    %dma_start3A_103 = tpu.memref_squeeze %dma_start3A_102 : memref<1x32xi32, #tpu.memory_space<vmem>> -> memref<32xi32, #tpu.memory_space<vmem>>
    %dma_start3A_104 = arith.constant 0 : i32
    %dma_start3A_105 = arith.constant 0 : i32
    %dma_start3A_106 = tpu.memref_slice %arg3[%dma_start3A_104, %dma_start3A_105] : memref<2000000x64xf32, #tpu.memory_space<hbm>> -> memref<2000000x64xf32, #tpu.memory_space<hbm>>
    tpu.enqueue_indirect_dma source(%dma_start3A_106 : memref<2000000x64xf32, #tpu.memory_space<hbm>>) target(%dma_start3A_100 : memref<32x64xf32, #tpu.memory_space<vmem>>) offsets(%dma_start3A_103 : memref<32xi32, #tpu.memory_space<vmem>>) semaphore(%arg17 : memref<!tpu.dma_semaphore, #tpu.memory_space<semaphore_mem>>)
    %scan3A = arith.constant 0 : i32
    %scan3A_107 = arith.constant 0 : i32
    %scan3A_108 = arith.constant 50 : i32
    %scan3A_109 = arith.addi %scan3A_107, %scan3A_108 : i32
    %scan3A_110 = arith.constant 1 : i32
    scf.for %scan3A_207 = %scan3A_107 to %scan3A_109 step %scan3A_110  : i32 {
      %mul3A_208 = arith.constant 2 : i32
      %mul3A_209 = arith.muli %mul3A_208, %scan3A_207 : i32
      %add3A_210 = arith.addi %mul3A_2, %mul3A_209 : i32
      %dma_wait3A_211 = arith.constant 0 : i32
      %dma_wait3A_212 = arith.constant 0 : i32
      %dma_wait3A_213 = arith.constant 0 : i32
      %dma_wait3A_214 = tpu.memref_slice %arg10[%dma_wait3A_212, %dma_wait3A_213] : memref<256x64xf32, #tpu.memory_space<vmem>> -> memref<32x64xf32, #tpu.memory_space<vmem>>
      %dma_wait3A_215 = arith.constant 0 : i32
      %dma_wait3A_216 = tpu.memref_slice %arg8[%dma_wait3A_211, %dma_wait3A_215] : memref<8x32xi32, #tpu.memory_space<vmem>> -> memref<1x32xi32, #tpu.memory_space<vmem>>
      %dma_wait3A_217 = tpu.memref_squeeze %dma_wait3A_216 : memref<1x32xi32, #tpu.memory_space<vmem>> -> memref<32xi32, #tpu.memory_space<vmem>>
      %dma_wait3A_218 = arith.constant 0 : i32
      %dma_wait3A_219 = arith.constant 0 : i32
      %dma_wait3A_220 = tpu.memref_slice %arg3[%dma_wait3A_218, %dma_wait3A_219] : memref<2000000x64xf32, #tpu.memory_space<hbm>> -> memref<2000000x64xf32, #tpu.memory_space<hbm>>
      tpu.wait_indirect_dma semaphore(%arg17 : memref<!tpu.dma_semaphore, #tpu.memory_space<semaphore_mem>>) src(%dma_wait3A_220 : memref<2000000x64xf32, #tpu.memory_space<hbm>>) dst(%dma_wait3A_214 : memref<32x64xf32, #tpu.memory_space<vmem>>)
      %dma_wait3A_221 = arith.constant 1 : i32
      %dma_wait3A_222 = arith.constant 32 : i32
      %dma_wait3A_223 = arith.constant 0 : i32
      %dma_wait3A_224 = tpu.memref_slice %arg10[%dma_wait3A_222, %dma_wait3A_223] : memref<256x64xf32, #tpu.memory_space<vmem>> -> memref<32x64xf32, #tpu.memory_space<vmem>>
      %dma_wait3A_225 = arith.constant 0 : i32
      %dma_wait3A_226 = tpu.memref_slice %arg8[%dma_wait3A_221, %dma_wait3A_225] : memref<8x32xi32, #tpu.memory_space<vmem>> -> memref<1x32xi32, #tpu.memory_space<vmem>>
      %dma_wait3A_227 = tpu.memref_squeeze %dma_wait3A_226 : memref<1x32xi32, #tpu.memory_space<vmem>> -> memref<32xi32, #tpu.memory_space<vmem>>
      %dma_wait3A_228 = arith.constant 0 : i32
      %dma_wait3A_229 = arith.constant 0 : i32
      %dma_wait3A_230 = tpu.memref_slice %arg3[%dma_wait3A_228, %dma_wait3A_229] : memref<2000000x64xf32, #tpu.memory_space<hbm>> -> memref<2000000x64xf32, #tpu.memory_space<hbm>>
      tpu.wait_indirect_dma semaphore(%arg17 : memref<!tpu.dma_semaphore, #tpu.memory_space<semaphore_mem>>) src(%dma_wait3A_230 : memref<2000000x64xf32, #tpu.memory_space<hbm>>) dst(%dma_wait3A_224 : memref<32x64xf32, #tpu.memory_space<vmem>>)
      %dma_wait3A_231 = arith.constant 2 : i32
      %dma_wait3A_232 = arith.constant 64 : i32
      %dma_wait3A_233 = arith.constant 0 : i32
      %dma_wait3A_234 = tpu.memref_slice %arg10[%dma_wait3A_232, %dma_wait3A_233] : memref<256x64xf32, #tpu.memory_space<vmem>> -> memref<32x64xf32, #tpu.memory_space<vmem>>
      %dma_wait3A_235 = arith.constant 0 : i32
      %dma_wait3A_236 = tpu.memref_slice %arg8[%dma_wait3A_231, %dma_wait3A_235] : memref<8x32xi32, #tpu.memory_space<vmem>> -> memref<1x32xi32, #tpu.memory_space<vmem>>
      %dma_wait3A_237 = tpu.memref_squeeze %dma_wait3A_236 : memref<1x32xi32, #tpu.memory_space<vmem>> -> memref<32xi32, #tpu.memory_space<vmem>>
      %dma_wait3A_238 = arith.constant 0 : i32
      %dma_wait3A_239 = arith.constant 0 : i32
      %dma_wait3A_240 = tpu.memref_slice %arg3[%dma_wait3A_238, %dma_wait3A_239] : memref<2000000x64xf32, #tpu.memory_space<hbm>> -> memref<2000000x64xf32, #tpu.memory_space<hbm>>
      tpu.wait_indirect_dma semaphore(%arg17 : memref<!tpu.dma_semaphore, #tpu.memory_space<semaphore_mem>>) src(%dma_wait3A_240 : memref<2000000x64xf32, #tpu.memory_space<hbm>>) dst(%dma_wait3A_234 : memref<32x64xf32, #tpu.memory_space<vmem>>)
      %dma_wait3A_241 = arith.constant 3 : i32
      %dma_wait3A_242 = arith.constant 96 : i32
      %dma_wait3A_243 = arith.constant 0 : i32
      %dma_wait3A_244 = tpu.memref_slice %arg10[%dma_wait3A_242, %dma_wait3A_243] : memref<256x64xf32, #tpu.memory_space<vmem>> -> memref<32x64xf32, #tpu.memory_space<vmem>>
      %dma_wait3A_245 = arith.constant 0 : i32
      %dma_wait3A_246 = tpu.memref_slice %arg8[%dma_wait3A_241, %dma_wait3A_245] : memref<8x32xi32, #tpu.memory_space<vmem>> -> memref<1x32xi32, #tpu.memory_space<vmem>>
      %dma_wait3A_247 = tpu.memref_squeeze %dma_wait3A_246 : memref<1x32xi32, #tpu.memory_space<vmem>> -> memref<32xi32, #tpu.memory_space<vmem>>
      %dma_wait3A_248 = arith.constant 0 : i32
      %dma_wait3A_249 = arith.constant 0 : i32
      %dma_wait3A_250 = tpu.memref_slice %arg3[%dma_wait3A_248, %dma_wait3A_249] : memref<2000000x64xf32, #tpu.memory_space<hbm>> -> memref<2000000x64xf32, #tpu.memory_space<hbm>>
      tpu.wait_indirect_dma semaphore(%arg17 : memref<!tpu.dma_semaphore, #tpu.memory_space<semaphore_mem>>) src(%dma_wait3A_250 : memref<2000000x64xf32, #tpu.memory_space<hbm>>) dst(%dma_wait3A_244 : memref<32x64xf32, #tpu.memory_space<vmem>>)
      %dma_wait3A_251 = arith.constant 4 : i32
      %dma_wait3A_252 = arith.constant 128 : i32
      %dma_wait3A_253 = arith.constant 0 : i32
      %dma_wait3A_254 = tpu.memref_slice %arg10[%dma_wait3A_252, %dma_wait3A_253] : memref<256x64xf32, #tpu.memory_space<vmem>> -> memref<32x64xf32, #tpu.memory_space<vmem>>
      %dma_wait3A_255 = arith.constant 0 : i32
      %dma_wait3A_256 = tpu.memref_slice %arg8[%dma_wait3A_251, %dma_wait3A_255] : memref<8x32xi32, #tpu.memory_space<vmem>> -> memref<1x32xi32, #tpu.memory_space<vmem>>
      %dma_wait3A_257 = tpu.memref_squeeze %dma_wait3A_256 : memref<1x32xi32, #tpu.memory_space<vmem>> -> memref<32xi32, #tpu.memory_space<vmem>>
      %dma_wait3A_258 = arith.constant 0 : i32
      %dma_wait3A_259 = arith.constant 0 : i32
      %dma_wait3A_260 = tpu.memref_slice %arg3[%dma_wait3A_258, %dma_wait3A_259] : memref<2000000x64xf32, #tpu.memory_space<hbm>> -> memref<2000000x64xf32, #tpu.memory_space<hbm>>
      tpu.wait_indirect_dma semaphore(%arg17 : memref<!tpu.dma_semaphore, #tpu.memory_space<semaphore_mem>>) src(%dma_wait3A_260 : memref<2000000x64xf32, #tpu.memory_space<hbm>>) dst(%dma_wait3A_254 : memref<32x64xf32, #tpu.memory_space<vmem>>)
      %dma_wait3A_261 = arith.constant 5 : i32
      %dma_wait3A_262 = arith.constant 160 : i32
      %dma_wait3A_263 = arith.constant 0 : i32
      %dma_wait3A_264 = tpu.memref_slice %arg10[%dma_wait3A_262, %dma_wait3A_263] : memref<256x64xf32, #tpu.memory_space<vmem>> -> memref<32x64xf32, #tpu.memory_space<vmem>>
      %dma_wait3A_265 = arith.constant 0 : i32
      %dma_wait3A_266 = tpu.memref_slice %arg8[%dma_wait3A_261, %dma_wait3A_265] : memref<8x32xi32, #tpu.memory_space<vmem>> -> memref<1x32xi32, #tpu.memory_space<vmem>>
      %dma_wait3A_267 = tpu.memref_squeeze %dma_wait3A_266 : memref<1x32xi32, #tpu.memory_space<vmem>> -> memref<32xi32, #tpu.memory_space<vmem>>
      %dma_wait3A_268 = arith.constant 0 : i32
      %dma_wait3A_269 = arith.constant 0 : i32
      %dma_wait3A_270 = tpu.memref_slice %arg3[%dma_wait3A_268, %dma_wait3A_269] : memref<2000000x64xf32, #tpu.memory_space<hbm>> -> memref<2000000x64xf32, #tpu.memory_space<hbm>>
      tpu.wait_indirect_dma semaphore(%arg17 : memref<!tpu.dma_semaphore, #tpu.memory_space<semaphore_mem>>) src(%dma_wait3A_270 : memref<2000000x64xf32, #tpu.memory_space<hbm>>) dst(%dma_wait3A_264 : memref<32x64xf32, #tpu.memory_space<vmem>>)
      %dma_wait3A_271 = arith.constant 6 : i32
      %dma_wait3A_272 = arith.constant 192 : i32
      %dma_wait3A_273 = arith.constant 0 : i32
      %dma_wait3A_274 = tpu.memref_slice %arg10[%dma_wait3A_272, %dma_wait3A_273] : memref<256x64xf32, #tpu.memory_space<vmem>> -> memref<32x64xf32, #tpu.memory_space<vmem>>
      %dma_wait3A_275 = arith.constant 0 : i32
      %dma_wait3A_276 = tpu.memref_slice %arg8[%dma_wait3A_271, %dma_wait3A_275] : memref<8x32xi32, #tpu.memory_space<vmem>> -> memref<1x32xi32, #tpu.memory_space<vmem>>
      %dma_wait3A_277 = tpu.memref_squeeze %dma_wait3A_276 : memref<1x32xi32, #tpu.memory_space<vmem>> -> memref<32xi32, #tpu.memory_space<vmem>>
      %dma_wait3A_278 = arith.constant 0 : i32
      %dma_wait3A_279 = arith.constant 0 : i32
      %dma_wait3A_280 = tpu.memref_slice %arg3[%dma_wait3A_278, %dma_wait3A_279] : memref<2000000x64xf32, #tpu.memory_space<hbm>> -> memref<2000000x64xf32, #tpu.memory_space<hbm>>
      tpu.wait_indirect_dma semaphore(%arg17 : memref<!tpu.dma_semaphore, #tpu.memory_space<semaphore_mem>>) src(%dma_wait3A_280 : memref<2000000x64xf32, #tpu.memory_space<hbm>>) dst(%dma_wait3A_274 : memref<32x64xf32, #tpu.memory_space<vmem>>)
      %dma_wait3A_281 = arith.constant 7 : i32
      %dma_wait3A_282 = arith.constant 224 : i32
      %dma_wait3A_283 = arith.constant 0 : i32
      %dma_wait3A_284 = tpu.memref_slice %arg10[%dma_wait3A_282, %dma_wait3A_283] : memref<256x64xf32, #tpu.memory_space<vmem>> -> memref<32x64xf32, #tpu.memory_space<vmem>>
      %dma_wait3A_285 = arith.constant 0 : i32
      %dma_wait3A_286 = tpu.memref_slice %arg8[%dma_wait3A_281, %dma_wait3A_285] : memref<8x32xi32, #tpu.memory_space<vmem>> -> memref<1x32xi32, #tpu.memory_space<vmem>>
      %dma_wait3A_287 = tpu.memref_squeeze %dma_wait3A_286 : memref<1x32xi32, #tpu.memory_space<vmem>> -> memref<32xi32, #tpu.memory_space<vmem>>
      %dma_wait3A_288 = arith.constant 0 : i32
      %dma_wait3A_289 = arith.constant 0 : i32
      %dma_wait3A_290 = tpu.memref_slice %arg3[%dma_wait3A_288, %dma_wait3A_289] : memref<2000000x64xf32, #tpu.memory_space<hbm>> -> memref<2000000x64xf32, #tpu.memory_space<hbm>>
      tpu.wait_indirect_dma semaphore(%arg17 : memref<!tpu.dma_semaphore, #tpu.memory_space<semaphore_mem>>) src(%dma_wait3A_290 : memref<2000000x64xf32, #tpu.memory_space<hbm>>) dst(%dma_wait3A_284 : memref<32x64xf32, #tpu.memory_space<vmem>>)
      %add3A_291 = arith.constant 1 : i32
      %add3A_292 = arith.addi %add3A_210, %add3A_291 : i32
      %mul3A_293 = arith.constant 8 : i32
      %mul3A_294 = arith.muli %add3A_292, %mul3A_293 : i32
      "tpu.region"() ({
        %run_scoped3A = tpu.sem_alloc : memref<!tpu.dma_semaphore, #tpu.memory_space<semaphore_mem>>
        %dma_start3A_594 = arith.constant 0 : i32
        %dma_start3A_595 = tpu.memref_slice %arg2[%mul3A_294, %dma_start3A_594] : memref<25600x32xi32, #tpu.memory_space<hbm>> -> memref<8x32xi32, #tpu.memory_space<hbm>>
        %dma_start3A_596 = arith.constant 0 : i32
        %dma_start3A_597 = tpu.memref_slice %arg2[%mul3A_294, %dma_start3A_596] : memref<25600x32xi32, #tpu.memory_space<hbm>> -> memref<8x32xi32, #tpu.memory_space<hbm>>
        tpu.enqueue_dma source(%dma_start3A_597 : memref<8x32xi32, #tpu.memory_space<hbm>>) target(%arg9 : memref<8x32xi32, #tpu.memory_space<vmem>>) target_semaphore(%run_scoped3A : memref<!tpu.dma_semaphore, #tpu.memory_space<semaphore_mem>>)
        %dma_wait3A_598 = arith.constant 0 : i32
        %dma_wait3A_599 = tpu.memref_slice %arg2[%mul3A_294, %dma_wait3A_598] : memref<25600x32xi32, #tpu.memory_space<hbm>> -> memref<8x32xi32, #tpu.memory_space<hbm>>
        %dma_wait3A_600 = arith.constant 0 : i32
        %dma_wait3A_601 = tpu.memref_slice %arg2[%mul3A_294, %dma_wait3A_600] : memref<25600x32xi32, #tpu.memory_space<hbm>> -> memref<8x32xi32, #tpu.memory_space<hbm>>
        tpu.wait_dma2 semaphore(%run_scoped3A : memref<!tpu.dma_semaphore, #tpu.memory_space<semaphore_mem>>) src(%dma_wait3A_601 : memref<8x32xi32, #tpu.memory_space<hbm>>) dst(%arg9 : memref<8x32xi32, #tpu.memory_space<vmem>>)
        tpu.yield
      }) : () -> ()
      %dma_start3A_295 = arith.constant 0 : i32
      %dma_start3A_296 = arith.constant 0 : i32
      %dma_start3A_297 = arith.constant 0 : i32
      %dma_start3A_298 = tpu.memref_slice %arg11[%dma_start3A_296, %dma_start3A_297] : memref<256x64xf32, #tpu.memory_space<vmem>> -> memref<32x64xf32, #tpu.memory_space<vmem>>
      %dma_start3A_299 = arith.constant 0 : i32
      %dma_start3A_300 = tpu.memref_slice %arg9[%dma_start3A_295, %dma_start3A_299] : memref<8x32xi32, #tpu.memory_space<vmem>> -> memref<1x32xi32, #tpu.memory_space<vmem>>
      %dma_start3A_301 = tpu.memref_squeeze %dma_start3A_300 : memref<1x32xi32, #tpu.memory_space<vmem>> -> memref<32xi32, #tpu.memory_space<vmem>>
      %dma_start3A_302 = arith.constant 0 : i32
      %dma_start3A_303 = arith.constant 0 : i32
      %dma_start3A_304 = tpu.memref_slice %arg3[%dma_start3A_302, %dma_start3A_303] : memref<2000000x64xf32, #tpu.memory_space<hbm>> -> memref<2000000x64xf32, #tpu.memory_space<hbm>>
      tpu.enqueue_indirect_dma source(%dma_start3A_304 : memref<2000000x64xf32, #tpu.memory_space<hbm>>) target(%dma_start3A_298 : memref<32x64xf32, #tpu.memory_space<vmem>>) offsets(%dma_start3A_301 : memref<32xi32, #tpu.memory_space<vmem>>) semaphore(%arg18 : memref<!tpu.dma_semaphore, #tpu.memory_space<semaphore_mem>>)
      %dma_start3A_305 = arith.constant 1 : i32
      %dma_start3A_306 = arith.constant 32 : i32
      %dma_start3A_307 = arith.constant 0 : i32
      %dma_start3A_308 = tpu.memref_slice %arg11[%dma_start3A_306, %dma_start3A_307] : memref<256x64xf32, #tpu.memory_space<vmem>> -> memref<32x64xf32, #tpu.memory_space<vmem>>
      %dma_start3A_309 = arith.constant 0 : i32
      %dma_start3A_310 = tpu.memref_slice %arg9[%dma_start3A_305, %dma_start3A_309] : memref<8x32xi32, #tpu.memory_space<vmem>> -> memref<1x32xi32, #tpu.memory_space<vmem>>
      %dma_start3A_311 = tpu.memref_squeeze %dma_start3A_310 : memref<1x32xi32, #tpu.memory_space<vmem>> -> memref<32xi32, #tpu.memory_space<vmem>>
      %dma_start3A_312 = arith.constant 0 : i32
      %dma_start3A_313 = arith.constant 0 : i32
      %dma_start3A_314 = tpu.memref_slice %arg3[%dma_start3A_312, %dma_start3A_313] : memref<2000000x64xf32, #tpu.memory_space<hbm>> -> memref<2000000x64xf32, #tpu.memory_space<hbm>>
      tpu.enqueue_indirect_dma source(%dma_start3A_314 : memref<2000000x64xf32, #tpu.memory_space<hbm>>) target(%dma_start3A_308 : memref<32x64xf32, #tpu.memory_space<vmem>>) offsets(%dma_start3A_311 : memref<32xi32, #tpu.memory_space<vmem>>) semaphore(%arg18 : memref<!tpu.dma_semaphore, #tpu.memory_space<semaphore_mem>>)
      %dma_start3A_315 = arith.constant 2 : i32
      %dma_start3A_316 = arith.constant 64 : i32
      %dma_start3A_317 = arith.constant 0 : i32
      %dma_start3A_318 = tpu.memref_slice %arg11[%dma_start3A_316, %dma_start3A_317] : memref<256x64xf32, #tpu.memory_space<vmem>> -> memref<32x64xf32, #tpu.memory_space<vmem>>
      %dma_start3A_319 = arith.constant 0 : i32
      %dma_start3A_320 = tpu.memref_slice %arg9[%dma_start3A_315, %dma_start3A_319] : memref<8x32xi32, #tpu.memory_space<vmem>> -> memref<1x32xi32, #tpu.memory_space<vmem>>
      %dma_start3A_321 = tpu.memref_squeeze %dma_start3A_320 : memref<1x32xi32, #tpu.memory_space<vmem>> -> memref<32xi32, #tpu.memory_space<vmem>>
      %dma_start3A_322 = arith.constant 0 : i32
      %dma_start3A_323 = arith.constant 0 : i32
      %dma_start3A_324 = tpu.memref_slice %arg3[%dma_start3A_322, %dma_start3A_323] : memref<2000000x64xf32, #tpu.memory_space<hbm>> -> memref<2000000x64xf32, #tpu.memory_space<hbm>>
      tpu.enqueue_indirect_dma source(%dma_start3A_324 : memref<2000000x64xf32, #tpu.memory_space<hbm>>) target(%dma_start3A_318 : memref<32x64xf32, #tpu.memory_space<vmem>>) offsets(%dma_start3A_321 : memref<32xi32, #tpu.memory_space<vmem>>) semaphore(%arg18 : memref<!tpu.dma_semaphore, #tpu.memory_space<semaphore_mem>>)
      %dma_start3A_325 = arith.constant 3 : i32
      %dma_start3A_326 = arith.constant 96 : i32
      %dma_start3A_327 = arith.constant 0 : i32
      %dma_start3A_328 = tpu.memref_slice %arg11[%dma_start3A_326, %dma_start3A_327] : memref<256x64xf32, #tpu.memory_space<vmem>> -> memref<32x64xf32, #tpu.memory_space<vmem>>
      %dma_start3A_329 = arith.constant 0 : i32
      %dma_start3A_330 = tpu.memref_slice %arg9[%dma_start3A_325, %dma_start3A_329] : memref<8x32xi32, #tpu.memory_space<vmem>> -> memref<1x32xi32, #tpu.memory_space<vmem>>
      %dma_start3A_331 = tpu.memref_squeeze %dma_start3A_330 : memref<1x32xi32, #tpu.memory_space<vmem>> -> memref<32xi32, #tpu.memory_space<vmem>>
      %dma_start3A_332 = arith.constant 0 : i32
      %dma_start3A_333 = arith.constant 0 : i32
      %dma_start3A_334 = tpu.memref_slice %arg3[%dma_start3A_332, %dma_start3A_333] : memref<2000000x64xf32, #tpu.memory_space<hbm>> -> memref<2000000x64xf32, #tpu.memory_space<hbm>>
      tpu.enqueue_indirect_dma source(%dma_start3A_334 : memref<2000000x64xf32, #tpu.memory_space<hbm>>) target(%dma_start3A_328 : memref<32x64xf32, #tpu.memory_space<vmem>>) offsets(%dma_start3A_331 : memref<32xi32, #tpu.memory_space<vmem>>) semaphore(%arg18 : memref<!tpu.dma_semaphore, #tpu.memory_space<semaphore_mem>>)
      %dma_start3A_335 = arith.constant 4 : i32
      %dma_start3A_336 = arith.constant 128 : i32
      %dma_start3A_337 = arith.constant 0 : i32
      %dma_start3A_338 = tpu.memref_slice %arg11[%dma_start3A_336, %dma_start3A_337] : memref<256x64xf32, #tpu.memory_space<vmem>> -> memref<32x64xf32, #tpu.memory_space<vmem>>
      %dma_start3A_339 = arith.constant 0 : i32
      %dma_start3A_340 = tpu.memref_slice %arg9[%dma_start3A_335, %dma_start3A_339] : memref<8x32xi32, #tpu.memory_space<vmem>> -> memref<1x32xi32, #tpu.memory_space<vmem>>
      %dma_start3A_341 = tpu.memref_squeeze %dma_start3A_340 : memref<1x32xi32, #tpu.memory_space<vmem>> -> memref<32xi32, #tpu.memory_space<vmem>>
      %dma_start3A_342 = arith.constant 0 : i32
      %dma_start3A_343 = arith.constant 0 : i32
      %dma_start3A_344 = tpu.memref_slice %arg3[%dma_start3A_342, %dma_start3A_343] : memref<2000000x64xf32, #tpu.memory_space<hbm>> -> memref<2000000x64xf32, #tpu.memory_space<hbm>>
      tpu.enqueue_indirect_dma source(%dma_start3A_344 : memref<2000000x64xf32, #tpu.memory_space<hbm>>) target(%dma_start3A_338 : memref<32x64xf32, #tpu.memory_space<vmem>>) offsets(%dma_start3A_341 : memref<32xi32, #tpu.memory_space<vmem>>) semaphore(%arg18 : memref<!tpu.dma_semaphore, #tpu.memory_space<semaphore_mem>>)
      %dma_start3A_345 = arith.constant 5 : i32
      %dma_start3A_346 = arith.constant 160 : i32
      %dma_start3A_347 = arith.constant 0 : i32
      %dma_start3A_348 = tpu.memref_slice %arg11[%dma_start3A_346, %dma_start3A_347] : memref<256x64xf32, #tpu.memory_space<vmem>> -> memref<32x64xf32, #tpu.memory_space<vmem>>
      %dma_start3A_349 = arith.constant 0 : i32
      %dma_start3A_350 = tpu.memref_slice %arg9[%dma_start3A_345, %dma_start3A_349] : memref<8x32xi32, #tpu.memory_space<vmem>> -> memref<1x32xi32, #tpu.memory_space<vmem>>
      %dma_start3A_351 = tpu.memref_squeeze %dma_start3A_350 : memref<1x32xi32, #tpu.memory_space<vmem>> -> memref<32xi32, #tpu.memory_space<vmem>>
      %dma_start3A_352 = arith.constant 0 : i32
      %dma_start3A_353 = arith.constant 0 : i32
      %dma_start3A_354 = tpu.memref_slice %arg3[%dma_start3A_352, %dma_start3A_353] : memref<2000000x64xf32, #tpu.memory_space<hbm>> -> memref<2000000x64xf32, #tpu.memory_space<hbm>>
      tpu.enqueue_indirect_dma source(%dma_start3A_354 : memref<2000000x64xf32, #tpu.memory_space<hbm>>) target(%dma_start3A_348 : memref<32x64xf32, #tpu.memory_space<vmem>>) offsets(%dma_start3A_351 : memref<32xi32, #tpu.memory_space<vmem>>) semaphore(%arg18 : memref<!tpu.dma_semaphore, #tpu.memory_space<semaphore_mem>>)
      %dma_start3A_355 = arith.constant 6 : i32
      %dma_start3A_356 = arith.constant 192 : i32
      %dma_start3A_357 = arith.constant 0 : i32
      %dma_start3A_358 = tpu.memref_slice %arg11[%dma_start3A_356, %dma_start3A_357] : memref<256x64xf32, #tpu.memory_space<vmem>> -> memref<32x64xf32, #tpu.memory_space<vmem>>
      %dma_start3A_359 = arith.constant 0 : i32
      %dma_start3A_360 = tpu.memref_slice %arg9[%dma_start3A_355, %dma_start3A_359] : memref<8x32xi32, #tpu.memory_space<vmem>> -> memref<1x32xi32, #tpu.memory_space<vmem>>
      %dma_start3A_361 = tpu.memref_squeeze %dma_start3A_360 : memref<1x32xi32, #tpu.memory_space<vmem>> -> memref<32xi32, #tpu.memory_space<vmem>>
      %dma_start3A_362 = arith.constant 0 : i32
      %dma_start3A_363 = arith.constant 0 : i32
      %dma_start3A_364 = tpu.memref_slice %arg3[%dma_start3A_362, %dma_start3A_363] : memref<2000000x64xf32, #tpu.memory_space<hbm>> -> memref<2000000x64xf32, #tpu.memory_space<hbm>>
      tpu.enqueue_indirect_dma source(%dma_start3A_364 : memref<2000000x64xf32, #tpu.memory_space<hbm>>) target(%dma_start3A_358 : memref<32x64xf32, #tpu.memory_space<vmem>>) offsets(%dma_start3A_361 : memref<32xi32, #tpu.memory_space<vmem>>) semaphore(%arg18 : memref<!tpu.dma_semaphore, #tpu.memory_space<semaphore_mem>>)
      %dma_start3A_365 = arith.constant 7 : i32
      %dma_start3A_366 = arith.constant 224 : i32
      %dma_start3A_367 = arith.constant 0 : i32
      %dma_start3A_368 = tpu.memref_slice %arg11[%dma_start3A_366, %dma_start3A_367] : memref<256x64xf32, #tpu.memory_space<vmem>> -> memref<32x64xf32, #tpu.memory_space<vmem>>
      %dma_start3A_369 = arith.constant 0 : i32
      %dma_start3A_370 = tpu.memref_slice %arg9[%dma_start3A_365, %dma_start3A_369] : memref<8x32xi32, #tpu.memory_space<vmem>> -> memref<1x32xi32, #tpu.memory_space<vmem>>
      %dma_start3A_371 = tpu.memref_squeeze %dma_start3A_370 : memref<1x32xi32, #tpu.memory_space<vmem>> -> memref<32xi32, #tpu.memory_space<vmem>>
      %dma_start3A_372 = arith.constant 0 : i32
      %dma_start3A_373 = arith.constant 0 : i32
      %dma_start3A_374 = tpu.memref_slice %arg3[%dma_start3A_372, %dma_start3A_373] : memref<2000000x64xf32, #tpu.memory_space<hbm>> -> memref<2000000x64xf32, #tpu.memory_space<hbm>>
      tpu.enqueue_indirect_dma source(%dma_start3A_374 : memref<2000000x64xf32, #tpu.memory_space<hbm>>) target(%dma_start3A_368 : memref<32x64xf32, #tpu.memory_space<vmem>>) offsets(%dma_start3A_371 : memref<32xi32, #tpu.memory_space<vmem>>) semaphore(%arg18 : memref<!tpu.dma_semaphore, #tpu.memory_space<semaphore_mem>>)
      %gt3A = arith.constant 0 : i32
      %gt3A_375 = arith.cmpi sgt, %scan3A_207, %gt3A : i32
      %convert_element_type3A = arith.extui %gt3A_375 : i1 to i32
      %cond3A = arith.constant 0 : i32
      %cond3A_376 = arith.cmpi ne, %convert_element_type3A, %cond3A : i32
      scf.if %cond3A_376 {
        %dma_wait3A_594 = arith.constant 0 : i32
        %dma_wait3A_595 = arith.constant 0 : i32
        %dma_wait3A_596 = tpu.memref_slice %arg12[%dma_wait3A_594, %dma_wait3A_595] : memref<256x64xf32, #tpu.memory_space<vmem>> -> memref<64x64xf32, #tpu.memory_space<vmem>>
        %dma_wait3A_597 = arith.constant 0 : i32
        %dma_wait3A_598 = arith.constant 0 : i32
        %dma_wait3A_599 = tpu.memref_slice %arg7[%dma_wait3A_597, %dma_wait3A_598] : memref<819200x128xf32, #tpu.memory_space<hbm>> -> memref<64x64xf32, #tpu.memory_space<hbm>>
        %dma_wait3A_600 = arith.constant 0 : i32
        %dma_wait3A_601 = arith.constant 0 : i32
        %dma_wait3A_602 = tpu.memref_slice %arg7[%dma_wait3A_600, %dma_wait3A_601] : memref<819200x128xf32, #tpu.memory_space<hbm>> -> memref<64x64xf32, #tpu.memory_space<hbm>>
        %dma_wait3A_603 = arith.constant 0 : i32
        %dma_wait3A_604 = arith.constant 0 : i32
        %dma_wait3A_605 = tpu.memref_slice %arg12[%dma_wait3A_603, %dma_wait3A_604] : memref<256x64xf32, #tpu.memory_space<vmem>> -> memref<64x64xf32, #tpu.memory_space<vmem>>
        tpu.wait_dma2 semaphore(%arg19 : memref<!tpu.dma_semaphore, #tpu.memory_space<semaphore_mem>>) src(%dma_wait3A_605 : memref<64x64xf32, #tpu.memory_space<vmem>>) dst(%dma_wait3A_602 : memref<64x64xf32, #tpu.memory_space<hbm>>)
        %dma_wait3A_606 = arith.constant 64 : i32
        %dma_wait3A_607 = arith.constant 0 : i32
        %dma_wait3A_608 = tpu.memref_slice %arg12[%dma_wait3A_606, %dma_wait3A_607] : memref<256x64xf32, #tpu.memory_space<vmem>> -> memref<64x64xf32, #tpu.memory_space<vmem>>
        %dma_wait3A_609 = arith.constant 64 : i32
        %dma_wait3A_610 = arith.constant 0 : i32
        %dma_wait3A_611 = tpu.memref_slice %arg7[%dma_wait3A_609, %dma_wait3A_610] : memref<819200x128xf32, #tpu.memory_space<hbm>> -> memref<64x64xf32, #tpu.memory_space<hbm>>
        %dma_wait3A_612 = arith.constant 64 : i32
        %dma_wait3A_613 = arith.constant 0 : i32
        %dma_wait3A_614 = tpu.memref_slice %arg7[%dma_wait3A_612, %dma_wait3A_613] : memref<819200x128xf32, #tpu.memory_space<hbm>> -> memref<64x64xf32, #tpu.memory_space<hbm>>
        %dma_wait3A_615 = arith.constant 64 : i32
        %dma_wait3A_616 = arith.constant 0 : i32
        %dma_wait3A_617 = tpu.memref_slice %arg12[%dma_wait3A_615, %dma_wait3A_616] : memref<256x64xf32, #tpu.memory_space<vmem>> -> memref<64x64xf32, #tpu.memory_space<vmem>>
        tpu.wait_dma2 semaphore(%arg19 : memref<!tpu.dma_semaphore, #tpu.memory_space<semaphore_mem>>) src(%dma_wait3A_617 : memref<64x64xf32, #tpu.memory_space<vmem>>) dst(%dma_wait3A_614 : memref<64x64xf32, #tpu.memory_space<hbm>>)
        %dma_wait3A_618 = arith.constant 128 : i32
        %dma_wait3A_619 = arith.constant 0 : i32
        %dma_wait3A_620 = tpu.memref_slice %arg12[%dma_wait3A_618, %dma_wait3A_619] : memref<256x64xf32, #tpu.memory_space<vmem>> -> memref<64x64xf32, #tpu.memory_space<vmem>>
        %dma_wait3A_621 = arith.constant 128 : i32
        %dma_wait3A_622 = arith.constant 0 : i32
        %dma_wait3A_623 = tpu.memref_slice %arg7[%dma_wait3A_621, %dma_wait3A_622] : memref<819200x128xf32, #tpu.memory_space<hbm>> -> memref<64x64xf32, #tpu.memory_space<hbm>>
        %dma_wait3A_624 = arith.constant 128 : i32
        %dma_wait3A_625 = arith.constant 0 : i32
        %dma_wait3A_626 = tpu.memref_slice %arg7[%dma_wait3A_624, %dma_wait3A_625] : memref<819200x128xf32, #tpu.memory_space<hbm>> -> memref<64x64xf32, #tpu.memory_space<hbm>>
        %dma_wait3A_627 = arith.constant 128 : i32
        %dma_wait3A_628 = arith.constant 0 : i32
        %dma_wait3A_629 = tpu.memref_slice %arg12[%dma_wait3A_627, %dma_wait3A_628] : memref<256x64xf32, #tpu.memory_space<vmem>> -> memref<64x64xf32, #tpu.memory_space<vmem>>
        tpu.wait_dma2 semaphore(%arg19 : memref<!tpu.dma_semaphore, #tpu.memory_space<semaphore_mem>>) src(%dma_wait3A_629 : memref<64x64xf32, #tpu.memory_space<vmem>>) dst(%dma_wait3A_626 : memref<64x64xf32, #tpu.memory_space<hbm>>)
        %dma_wait3A_630 = arith.constant 192 : i32
        %dma_wait3A_631 = arith.constant 0 : i32
        %dma_wait3A_632 = tpu.memref_slice %arg12[%dma_wait3A_630, %dma_wait3A_631] : memref<256x64xf32, #tpu.memory_space<vmem>> -> memref<64x64xf32, #tpu.memory_space<vmem>>
        %dma_wait3A_633 = arith.constant 192 : i32
        %dma_wait3A_634 = arith.constant 0 : i32
        %dma_wait3A_635 = tpu.memref_slice %arg7[%dma_wait3A_633, %dma_wait3A_634] : memref<819200x128xf32, #tpu.memory_space<hbm>> -> memref<64x64xf32, #tpu.memory_space<hbm>>
        %dma_wait3A_636 = arith.constant 192 : i32
        %dma_wait3A_637 = arith.constant 0 : i32
        %dma_wait3A_638 = tpu.memref_slice %arg7[%dma_wait3A_636, %dma_wait3A_637] : memref<819200x128xf32, #tpu.memory_space<hbm>> -> memref<64x64xf32, #tpu.memory_space<hbm>>
        %dma_wait3A_639 = arith.constant 192 : i32
        %dma_wait3A_640 = arith.constant 0 : i32
        %dma_wait3A_641 = tpu.memref_slice %arg12[%dma_wait3A_639, %dma_wait3A_640] : memref<256x64xf32, #tpu.memory_space<vmem>> -> memref<64x64xf32, #tpu.memory_space<vmem>>
        tpu.wait_dma2 semaphore(%arg19 : memref<!tpu.dma_semaphore, #tpu.memory_space<semaphore_mem>>) src(%dma_wait3A_641 : memref<64x64xf32, #tpu.memory_space<vmem>>) dst(%dma_wait3A_638 : memref<64x64xf32, #tpu.memory_space<hbm>>)
      } else {
      }
      %mul3A_377 = arith.constant 256 : i32
      %mul3A_378 = arith.muli %add3A_210, %mul3A_377 : i32
      %rem3A = arith.constant 200 : i32
      %rem3A_379 = arith.remsi %mul3A_378, %rem3A : i32
      %parallel_loop3A = arith.constant 0 : i32
      %parallel_loop3A_380 = arith.constant 256 : i32
      %parallel_loop3A_381 = arith.constant 1 : i32
      scf.for %parallel_loop3A_594 = %parallel_loop3A to %parallel_loop3A_380 step %parallel_loop3A_381  : i32 {
        %parallel_loop3A_595 = arith.addi %rem3A_379, %parallel_loop3A_594 : i32
        %parallel_loop3A_596 = arith.constant 200 : i32
        %parallel_loop3A_597 = arith.remsi %parallel_loop3A_595, %parallel_loop3A_596 : i32
        %parallel_loop3A_598 = arith.index_cast %parallel_loop3A_594 : i32 to index
        %parallel_loop3A_599 = arith.constant 0 : index
        %parallel_loop3A_600 = tpu.vector_load %arg10[%parallel_loop3A_598, %parallel_loop3A_599] {strides = array<i32>} : memref<256x64xf32, #tpu.memory_space<vmem>>, vector<1x16xf32>,
        %parallel_loop3A_601 = vector.shape_cast %parallel_loop3A_600 : vector<1x16xf32> to vector<16xf32>
        %parallel_loop3A_602 = arith.index_cast %parallel_loop3A_597 : i32 to index
        %parallel_loop3A_603 = arith.constant 0 : index
        %parallel_loop3A_604 = tpu.vector_load %arg14[%parallel_loop3A_602, %parallel_loop3A_603] {strides = array<i32>} : memref<200x64xf32, #tpu.memory_space<vmem>>, vector<1x16xf32>,
        %parallel_loop3A_605 = vector.shape_cast %parallel_loop3A_604 : vector<1x16xf32> to vector<16xf32>
        %parallel_loop3A_606 = arith.addf %parallel_loop3A_601, %parallel_loop3A_605 : vector<16xf32>
        %parallel_loop3A_607 = arith.index_cast %parallel_loop3A_594 : i32 to index
        %parallel_loop3A_608 = arith.constant 16 : index
        %parallel_loop3A_609 = tpu.vector_load %arg10[%parallel_loop3A_607, %parallel_loop3A_608] {strides = array<i32>} : memref<256x64xf32, #tpu.memory_space<vmem>>, vector<1x16xf32>,
        %parallel_loop3A_610 = vector.shape_cast %parallel_loop3A_609 : vector<1x16xf32> to vector<16xf32>
        %parallel_loop3A_611 = arith.index_cast %parallel_loop3A_597 : i32 to index
        %parallel_loop3A_612 = arith.constant 16 : index
        %parallel_loop3A_613 = tpu.vector_load %arg14[%parallel_loop3A_611, %parallel_loop3A_612] {strides = array<i32>} : memref<200x64xf32, #tpu.memory_space<vmem>>, vector<1x16xf32>,
        %parallel_loop3A_614 = vector.shape_cast %parallel_loop3A_613 : vector<1x16xf32> to vector<16xf32>
        %parallel_loop3A_615 = arith.addf %parallel_loop3A_610, %parallel_loop3A_614 : vector<16xf32>
        %parallel_loop3A_616 = arith.index_cast %parallel_loop3A_594 : i32 to index
        %parallel_loop3A_617 = arith.constant 32 : index
        %parallel_loop3A_618 = tpu.vector_load %arg10[%parallel_loop3A_616, %parallel_loop3A_617] {strides = array<i32>} : memref<256x64xf32, #tpu.memory_space<vmem>>, vector<1x16xf32>,
        %parallel_loop3A_619 = vector.shape_cast %parallel_loop3A_618 : vector<1x16xf32> to vector<16xf32>
        %parallel_loop3A_620 = arith.index_cast %parallel_loop3A_597 : i32 to index
        %parallel_loop3A_621 = arith.constant 32 : index
        %parallel_loop3A_622 = tpu.vector_load %arg14[%parallel_loop3A_620, %parallel_loop3A_621] {strides = array<i32>} : memref<200x64xf32, #tpu.memory_space<vmem>>, vector<1x16xf32>,
        %parallel_loop3A_623 = vector.shape_cast %parallel_loop3A_622 : vector<1x16xf32> to vector<16xf32>
        %parallel_loop3A_624 = arith.addf %parallel_loop3A_619, %parallel_loop3A_623 : vector<16xf32>
        %parallel_loop3A_625 = arith.index_cast %parallel_loop3A_594 : i32 to index
        %parallel_loop3A_626 = arith.constant 48 : index
        %parallel_loop3A_627 = tpu.vector_load %arg10[%parallel_loop3A_625, %parallel_loop3A_626] {strides = array<i32>} : memref<256x64xf32, #tpu.memory_space<vmem>>, vector<1x16xf32>,
        %parallel_loop3A_628 = vector.shape_cast %parallel_loop3A_627 : vector<1x16xf32> to vector<16xf32>
        %parallel_loop3A_629 = arith.index_cast %parallel_loop3A_597 : i32 to index
        %parallel_loop3A_630 = arith.constant 48 : index
        %parallel_loop3A_631 = tpu.vector_load %arg14[%parallel_loop3A_629, %parallel_loop3A_630] {strides = array<i32>} : memref<200x64xf32, #tpu.memory_space<vmem>>, vector<1x16xf32>,
        %parallel_loop3A_632 = vector.shape_cast %parallel_loop3A_631 : vector<1x16xf32> to vector<16xf32>
        %parallel_loop3A_633 = arith.addf %parallel_loop3A_628, %parallel_loop3A_632 : vector<16xf32>
        %parallel_loop3A_634 = arith.addf %parallel_loop3A_606, %parallel_loop3A_615 : vector<16xf32>
        %parallel_loop3A_635 = arith.addf %parallel_loop3A_624, %parallel_loop3A_633 : vector<16xf32>
        %parallel_loop3A_636 = arith.addf %parallel_loop3A_634, %parallel_loop3A_635 : vector<16xf32>
        %parallel_loop3A_637 = arith.mulf %parallel_loop3A_606, %parallel_loop3A_606 : vector<16xf32>
        %parallel_loop3A_638 = arith.mulf %parallel_loop3A_615, %parallel_loop3A_615 : vector<16xf32>
        %parallel_loop3A_639 = arith.addf %parallel_loop3A_637, %parallel_loop3A_638 : vector<16xf32>
        %parallel_loop3A_640 = arith.mulf %parallel_loop3A_624, %parallel_loop3A_624 : vector<16xf32>
        %parallel_loop3A_641 = arith.mulf %parallel_loop3A_633, %parallel_loop3A_633 : vector<16xf32>
        %parallel_loop3A_642 = arith.addf %parallel_loop3A_640, %parallel_loop3A_641 : vector<16xf32>
        %parallel_loop3A_643 = arith.addf %parallel_loop3A_639, %parallel_loop3A_642 : vector<16xf32>
        %parallel_loop3A_644 = tpu.iota {dimensions = array<i32: 0>} : vector<16xi32>
        %parallel_loop3A_645 = arith.constant 1 : i32
        %parallel_loop3A_646 = vector.broadcast %parallel_loop3A_645 : i32 to vector<16xi32>
        %parallel_loop3A_647 = arith.xori %parallel_loop3A_644, %parallel_loop3A_646 : vector<16xi32>
        %parallel_loop3A_648 = vector.shape_cast %parallel_loop3A_647 : vector<16xi32> to vector<16x1xi32>
        %parallel_loop3A_649 = vector.shape_cast %parallel_loop3A_648 : vector<16x1xi32> to vector<16xi32>
        %parallel_loop3A_650 = tpu.dynamic_gather %parallel_loop3A_636[%parallel_loop3A_649] in [0] : vector<16xf32>, vector<16xi32> -> vector<16xf32>
        %parallel_loop3A_651 = arith.addf %parallel_loop3A_636, %parallel_loop3A_650 : vector<16xf32>
        %parallel_loop3A_652 = arith.constant 2 : i32
        %parallel_loop3A_653 = vector.broadcast %parallel_loop3A_652 : i32 to vector<16xi32>
        %parallel_loop3A_654 = arith.xori %parallel_loop3A_644, %parallel_loop3A_653 : vector<16xi32>
        %parallel_loop3A_655 = vector.shape_cast %parallel_loop3A_654 : vector<16xi32> to vector<16x1xi32>
        %parallel_loop3A_656 = vector.shape_cast %parallel_loop3A_655 : vector<16x1xi32> to vector<16xi32>
        %parallel_loop3A_657 = tpu.dynamic_gather %parallel_loop3A_651[%parallel_loop3A_656] in [0] : vector<16xf32>, vector<16xi32> -> vector<16xf32>
        %parallel_loop3A_658 = arith.addf %parallel_loop3A_651, %parallel_loop3A_657 : vector<16xf32>
        %parallel_loop3A_659 = arith.constant 4 : i32
        %parallel_loop3A_660 = vector.broadcast %parallel_loop3A_659 : i32 to vector<16xi32>
        %parallel_loop3A_661 = arith.xori %parallel_loop3A_644, %parallel_loop3A_660 : vector<16xi32>
        %parallel_loop3A_662 = vector.shape_cast %parallel_loop3A_661 : vector<16xi32> to vector<16x1xi32>
        %parallel_loop3A_663 = vector.shape_cast %parallel_loop3A_662 : vector<16x1xi32> to vector<16xi32>
        %parallel_loop3A_664 = tpu.dynamic_gather %parallel_loop3A_658[%parallel_loop3A_663] in [0] : vector<16xf32>, vector<16xi32> -> vector<16xf32>
        %parallel_loop3A_665 = arith.addf %parallel_loop3A_658, %parallel_loop3A_664 : vector<16xf32>
        %parallel_loop3A_666 = arith.constant 8 : i32
        %parallel_loop3A_667 = vector.broadcast %parallel_loop3A_666 : i32 to vector<16xi32>
        %parallel_loop3A_668 = arith.xori %parallel_loop3A_644, %parallel_loop3A_667 : vector<16xi32>
        %parallel_loop3A_669 = vector.shape_cast %parallel_loop3A_668 : vector<16xi32> to vector<16x1xi32>
        %parallel_loop3A_670 = vector.shape_cast %parallel_loop3A_669 : vector<16x1xi32> to vector<16xi32>
        %parallel_loop3A_671 = tpu.dynamic_gather %parallel_loop3A_665[%parallel_loop3A_670] in [0] : vector<16xf32>, vector<16xi32> -> vector<16xf32>
        %parallel_loop3A_672 = arith.addf %parallel_loop3A_665, %parallel_loop3A_671 : vector<16xf32>
        %parallel_loop3A_673 = arith.constant 1.562500e-02 : f32
        %parallel_loop3A_674 = vector.broadcast %parallel_loop3A_673 : f32 to vector<16xf32>
        %parallel_loop3A_675 = arith.mulf %parallel_loop3A_672, %parallel_loop3A_674 : vector<16xf32>
        %parallel_loop3A_676 = tpu.iota {dimensions = array<i32: 0>} : vector<16xi32>
        %parallel_loop3A_677 = arith.constant 1 : i32
        %parallel_loop3A_678 = vector.broadcast %parallel_loop3A_677 : i32 to vector<16xi32>
        %parallel_loop3A_679 = arith.xori %parallel_loop3A_676, %parallel_loop3A_678 : vector<16xi32>
        %parallel_loop3A_680 = vector.shape_cast %parallel_loop3A_679 : vector<16xi32> to vector<16x1xi32>
        %parallel_loop3A_681 = vector.shape_cast %parallel_loop3A_680 : vector<16x1xi32> to vector<16xi32>
        %parallel_loop3A_682 = tpu.dynamic_gather %parallel_loop3A_643[%parallel_loop3A_681] in [0] : vector<16xf32>, vector<16xi32> -> vector<16xf32>
        %parallel_loop3A_683 = arith.addf %parallel_loop3A_643, %parallel_loop3A_682 : vector<16xf32>
        %parallel_loop3A_684 = arith.constant 2 : i32
        %parallel_loop3A_685 = vector.broadcast %parallel_loop3A_684 : i32 to vector<16xi32>
        %parallel_loop3A_686 = arith.xori %parallel_loop3A_676, %parallel_loop3A_685 : vector<16xi32>
        %parallel_loop3A_687 = vector.shape_cast %parallel_loop3A_686 : vector<16xi32> to vector<16x1xi32>
        %parallel_loop3A_688 = vector.shape_cast %parallel_loop3A_687 : vector<16x1xi32> to vector<16xi32>
        %parallel_loop3A_689 = tpu.dynamic_gather %parallel_loop3A_683[%parallel_loop3A_688] in [0] : vector<16xf32>, vector<16xi32> -> vector<16xf32>
        %parallel_loop3A_690 = arith.addf %parallel_loop3A_683, %parallel_loop3A_689 : vector<16xf32>
        %parallel_loop3A_691 = arith.constant 4 : i32
        %parallel_loop3A_692 = vector.broadcast %parallel_loop3A_691 : i32 to vector<16xi32>
        %parallel_loop3A_693 = arith.xori %parallel_loop3A_676, %parallel_loop3A_692 : vector<16xi32>
        %parallel_loop3A_694 = vector.shape_cast %parallel_loop3A_693 : vector<16xi32> to vector<16x1xi32>
        %parallel_loop3A_695 = vector.shape_cast %parallel_loop3A_694 : vector<16x1xi32> to vector<16xi32>
        %parallel_loop3A_696 = tpu.dynamic_gather %parallel_loop3A_690[%parallel_loop3A_695] in [0] : vector<16xf32>, vector<16xi32> -> vector<16xf32>
        %parallel_loop3A_697 = arith.addf %parallel_loop3A_690, %parallel_loop3A_696 : vector<16xf32>
        %parallel_loop3A_698 = arith.constant 8 : i32
        %parallel_loop3A_699 = vector.broadcast %parallel_loop3A_698 : i32 to vector<16xi32>
        %parallel_loop3A_700 = arith.xori %parallel_loop3A_676, %parallel_loop3A_699 : vector<16xi32>
        %parallel_loop3A_701 = vector.shape_cast %parallel_loop3A_700 : vector<16xi32> to vector<16x1xi32>
        %parallel_loop3A_702 = vector.shape_cast %parallel_loop3A_701 : vector<16x1xi32> to vector<16xi32>
        %parallel_loop3A_703 = tpu.dynamic_gather %parallel_loop3A_697[%parallel_loop3A_702] in [0] : vector<16xf32>, vector<16xi32> -> vector<16xf32>
        %parallel_loop3A_704 = arith.addf %parallel_loop3A_697, %parallel_loop3A_703 : vector<16xf32>
        %parallel_loop3A_705 = arith.constant 1.562500e-02 : f32
        %parallel_loop3A_706 = vector.broadcast %parallel_loop3A_705 : f32 to vector<16xf32>
        %parallel_loop3A_707 = arith.mulf %parallel_loop3A_704, %parallel_loop3A_706 : vector<16xf32>
        %parallel_loop3A_708 = arith.mulf %parallel_loop3A_675, %parallel_loop3A_675 : vector<16xf32>
        %parallel_loop3A_709 = arith.subf %parallel_loop3A_707, %parallel_loop3A_708 : vector<16xf32>
        %parallel_loop3A_710 = arith.constant 9.99999974E-6 : f32
        %parallel_loop3A_711 = vector.broadcast %parallel_loop3A_710 : f32 to vector<16xf32>
        %parallel_loop3A_712 = arith.addf %parallel_loop3A_709, %parallel_loop3A_711 : vector<16xf32>
        %parallel_loop3A_713 = tpu.bitcast %parallel_loop3A_712 : vector<16xf32> -> vector<16xi32>
        %parallel_loop3A_714 = arith.constant 1 : i32
        %parallel_loop3A_715 = vector.broadcast %parallel_loop3A_714 : i32 to vector<16xi32>
        %parallel_loop3A_716 = arith.shrui %parallel_loop3A_713, %parallel_loop3A_715 : vector<16xi32>
        %parallel_loop3A_717 = arith.constant 1597463007 : i32
        %parallel_loop3A_718 = vector.broadcast %parallel_loop3A_717 : i32 to vector<16xi32>
        %parallel_loop3A_719 = arith.subi %parallel_loop3A_718, %parallel_loop3A_716 : vector<16xi32>
        %parallel_loop3A_720 = tpu.bitcast %parallel_loop3A_719 : vector<16xi32> -> vector<16xf32>
        %parallel_loop3A_721 = arith.constant 5.000000e-01 : f32
        %parallel_loop3A_722 = vector.broadcast %parallel_loop3A_721 : f32 to vector<16xf32>
        %parallel_loop3A_723 = arith.mulf %parallel_loop3A_712, %parallel_loop3A_722 : vector<16xf32>
        %parallel_loop3A_724 = arith.mulf %parallel_loop3A_723, %parallel_loop3A_720 : vector<16xf32>
        %parallel_loop3A_725 = arith.mulf %parallel_loop3A_724, %parallel_loop3A_720 : vector<16xf32>
        %parallel_loop3A_726 = arith.constant 1.500000e+00 : f32
        %parallel_loop3A_727 = vector.broadcast %parallel_loop3A_726 : f32 to vector<16xf32>
        %parallel_loop3A_728 = arith.subf %parallel_loop3A_727, %parallel_loop3A_725 : vector<16xf32>
        %parallel_loop3A_729 = arith.mulf %parallel_loop3A_720, %parallel_loop3A_728 : vector<16xf32>
        %parallel_loop3A_730 = arith.mulf %parallel_loop3A_729, %get3A_4 : vector<16xf32>
        %parallel_loop3A_731 = arith.mulf %parallel_loop3A_606, %parallel_loop3A_730 : vector<16xf32>
        %parallel_loop3A_732 = arith.mulf %parallel_loop3A_675, %parallel_loop3A_730 : vector<16xf32>
        %parallel_loop3A_733 = arith.subf %get3A_16, %parallel_loop3A_732 : vector<16xf32>
        %parallel_loop3A_734 = arith.addf %parallel_loop3A_731, %parallel_loop3A_733 : vector<16xf32>
        %parallel_loop3A_735 = arith.index_cast %parallel_loop3A_594 : i32 to index
        %parallel_loop3A_736 = arith.constant 0 : index
        %parallel_loop3A_737 = tpu.vector_load %arg12[%parallel_loop3A_735, %parallel_loop3A_736] {strides = array<i32>} : memref<256x64xf32, #tpu.memory_space<vmem>>, vector<1x16xf32>,
        %parallel_loop3A_738 = vector.shape_cast %parallel_loop3A_737 : vector<1x16xf32> to vector<16xf32>
        %parallel_loop3A_739 = vector.shape_cast %parallel_loop3A_734 : vector<16xf32> to vector<1x16xf32>
        tpu.vector_store %arg12[%parallel_loop3A_735, %parallel_loop3A_736], %parallel_loop3A_739 {strides = array<i32>} : memref<256x64xf32, #tpu.memory_space<vmem>>, vector<1x16xf32>,
        %parallel_loop3A_740 = arith.mulf %parallel_loop3A_729, %get3A_7 : vector<16xf32>
        %parallel_loop3A_741 = arith.mulf %parallel_loop3A_615, %parallel_loop3A_740 : vector<16xf32>
        %parallel_loop3A_742 = arith.mulf %parallel_loop3A_675, %parallel_loop3A_740 : vector<16xf32>
        %parallel_loop3A_743 = arith.subf %get3A_19, %parallel_loop3A_742 : vector<16xf32>
        %parallel_loop3A_744 = arith.addf %parallel_loop3A_741, %parallel_loop3A_743 : vector<16xf32>
        %parallel_loop3A_745 = arith.index_cast %parallel_loop3A_594 : i32 to index
        %parallel_loop3A_746 = arith.constant 16 : index
        %parallel_loop3A_747 = tpu.vector_load %arg12[%parallel_loop3A_745, %parallel_loop3A_746] {strides = array<i32>} : memref<256x64xf32, #tpu.memory_space<vmem>>, vector<1x16xf32>,
        %parallel_loop3A_748 = vector.shape_cast %parallel_loop3A_747 : vector<1x16xf32> to vector<16xf32>
        %parallel_loop3A_749 = vector.shape_cast %parallel_loop3A_744 : vector<16xf32> to vector<1x16xf32>
        tpu.vector_store %arg12[%parallel_loop3A_745, %parallel_loop3A_746], %parallel_loop3A_749 {strides = array<i32>} : memref<256x64xf32, #tpu.memory_space<vmem>>, vector<1x16xf32>,
        %parallel_loop3A_750 = arith.mulf %parallel_loop3A_729, %get3A_10 : vector<16xf32>
        %parallel_loop3A_751 = arith.mulf %parallel_loop3A_624, %parallel_loop3A_750 : vector<16xf32>
        %parallel_loop3A_752 = arith.mulf %parallel_loop3A_675, %parallel_loop3A_750 : vector<16xf32>
        %parallel_loop3A_753 = arith.subf %get3A_22, %parallel_loop3A_752 : vector<16xf32>
        %parallel_loop3A_754 = arith.addf %parallel_loop3A_751, %parallel_loop3A_753 : vector<16xf32>
        %parallel_loop3A_755 = arith.index_cast %parallel_loop3A_594 : i32 to index
        %parallel_loop3A_756 = arith.constant 32 : index
        %parallel_loop3A_757 = tpu.vector_load %arg12[%parallel_loop3A_755, %parallel_loop3A_756] {strides = array<i32>} : memref<256x64xf32, #tpu.memory_space<vmem>>, vector<1x16xf32>,
        %parallel_loop3A_758 = vector.shape_cast %parallel_loop3A_757 : vector<1x16xf32> to vector<16xf32>
        %parallel_loop3A_759 = vector.shape_cast %parallel_loop3A_754 : vector<16xf32> to vector<1x16xf32>
        tpu.vector_store %arg12[%parallel_loop3A_755, %parallel_loop3A_756], %parallel_loop3A_759 {strides = array<i32>} : memref<256x64xf32, #tpu.memory_space<vmem>>, vector<1x16xf32>,
        %parallel_loop3A_760 = arith.mulf %parallel_loop3A_729, %get3A_13 : vector<16xf32>
        %parallel_loop3A_761 = arith.mulf %parallel_loop3A_633, %parallel_loop3A_760 : vector<16xf32>
        %parallel_loop3A_762 = arith.mulf %parallel_loop3A_675, %parallel_loop3A_760 : vector<16xf32>
        %parallel_loop3A_763 = arith.subf %get3A_25, %parallel_loop3A_762 : vector<16xf32>
        %parallel_loop3A_764 = arith.addf %parallel_loop3A_761, %parallel_loop3A_763 : vector<16xf32>
        %parallel_loop3A_765 = arith.index_cast %parallel_loop3A_594 : i32 to index
        %parallel_loop3A_766 = arith.constant 48 : index
        %parallel_loop3A_767 = tpu.vector_load %arg12[%parallel_loop3A_765, %parallel_loop3A_766] {strides = array<i32>} : memref<256x64xf32, #tpu.memory_space<vmem>>, vector<1x16xf32>,
        %parallel_loop3A_768 = vector.shape_cast %parallel_loop3A_767 : vector<1x16xf32> to vector<16xf32>
        %parallel_loop3A_769 = vector.shape_cast %parallel_loop3A_764 : vector<16xf32> to vector<1x16xf32>
        tpu.vector_store %arg12[%parallel_loop3A_765, %parallel_loop3A_766], %parallel_loop3A_769 {strides = array<i32>} : memref<256x64xf32, #tpu.memory_space<vmem>>, vector<1x16xf32>,
      } {sc.loop_unroll_factor = 4 : i64, sc.parallel_access}
      %mul3A_382 = arith.constant 256 : i32
      %mul3A_383 = arith.muli %add3A_210, %mul3A_382 : i32
      %add3A_384 = arith.constant 0 : i32
      %add3A_385 = arith.addi %mul3A_383, %add3A_384 : i32
      %dma_start3A_386 = arith.constant 0 : i32
      %dma_start3A_387 = arith.constant 0 : i32
      %dma_start3A_388 = tpu.memref_slice %arg12[%dma_start3A_386, %dma_start3A_387] : memref<256x64xf32, #tpu.memory_space<vmem>> -> memref<64x64xf32, #tpu.memory_space<vmem>>
      %dma_start3A_389 = arith.constant 0 : i32
      %dma_start3A_390 = tpu.memref_slice %arg7[%add3A_385, %dma_start3A_389] : memref<819200x128xf32, #tpu.memory_space<hbm>> -> memref<64x64xf32, #tpu.memory_space<hbm>>
      %dma_start3A_391 = arith.constant 0 : i32
      %dma_start3A_392 = tpu.memref_slice %arg7[%add3A_385, %dma_start3A_391] : memref<819200x128xf32, #tpu.memory_space<hbm>> -> memref<64x64xf32, #tpu.memory_space<hbm>>
      %dma_start3A_393 = arith.constant 0 : i32
      %dma_start3A_394 = arith.constant 0 : i32
      %dma_start3A_395 = tpu.memref_slice %arg12[%dma_start3A_393, %dma_start3A_394] : memref<256x64xf32, #tpu.memory_space<vmem>> -> memref<64x64xf32, #tpu.memory_space<vmem>>
      tpu.enqueue_dma source(%dma_start3A_395 : memref<64x64xf32, #tpu.memory_space<vmem>>) target(%dma_start3A_392 : memref<64x64xf32, #tpu.memory_space<hbm>>) target_semaphore(%arg19 : memref<!tpu.dma_semaphore, #tpu.memory_space<semaphore_mem>>)
      %mul3A_396 = arith.constant 256 : i32
      %mul3A_397 = arith.muli %add3A_210, %mul3A_396 : i32
      %add3A_398 = arith.constant 64 : i32
      %add3A_399 = arith.addi %mul3A_397, %add3A_398 : i32
      %dma_start3A_400 = arith.constant 64 : i32
      %dma_start3A_401 = arith.constant 0 : i32
      %dma_start3A_402 = tpu.memref_slice %arg12[%dma_start3A_400, %dma_start3A_401] : memref<256x64xf32, #tpu.memory_space<vmem>> -> memref<64x64xf32, #tpu.memory_space<vmem>>
      %dma_start3A_403 = arith.constant 0 : i32
      %dma_start3A_404 = tpu.memref_slice %arg7[%add3A_399, %dma_start3A_403] : memref<819200x128xf32, #tpu.memory_space<hbm>> -> memref<64x64xf32, #tpu.memory_space<hbm>>
      %dma_start3A_405 = arith.constant 0 : i32
      %dma_start3A_406 = tpu.memref_slice %arg7[%add3A_399, %dma_start3A_405] : memref<819200x128xf32, #tpu.memory_space<hbm>> -> memref<64x64xf32, #tpu.memory_space<hbm>>
      %dma_start3A_407 = arith.constant 64 : i32
      %dma_start3A_408 = arith.constant 0 : i32
      %dma_start3A_409 = tpu.memref_slice %arg12[%dma_start3A_407, %dma_start3A_408] : memref<256x64xf32, #tpu.memory_space<vmem>> -> memref<64x64xf32, #tpu.memory_space<vmem>>
      tpu.enqueue_dma source(%dma_start3A_409 : memref<64x64xf32, #tpu.memory_space<vmem>>) target(%dma_start3A_406 : memref<64x64xf32, #tpu.memory_space<hbm>>) target_semaphore(%arg19 : memref<!tpu.dma_semaphore, #tpu.memory_space<semaphore_mem>>)
      %mul3A_410 = arith.constant 256 : i32
      %mul3A_411 = arith.muli %add3A_210, %mul3A_410 : i32
      %add3A_412 = arith.constant 128 : i32
      %add3A_413 = arith.addi %mul3A_411, %add3A_412 : i32
      %dma_start3A_414 = arith.constant 128 : i32
      %dma_start3A_415 = arith.constant 0 : i32
      %dma_start3A_416 = tpu.memref_slice %arg12[%dma_start3A_414, %dma_start3A_415] : memref<256x64xf32, #tpu.memory_space<vmem>> -> memref<64x64xf32, #tpu.memory_space<vmem>>
      %dma_start3A_417 = arith.constant 0 : i32
      %dma_start3A_418 = tpu.memref_slice %arg7[%add3A_413, %dma_start3A_417] : memref<819200x128xf32, #tpu.memory_space<hbm>> -> memref<64x64xf32, #tpu.memory_space<hbm>>
      %dma_start3A_419 = arith.constant 0 : i32
      %dma_start3A_420 = tpu.memref_slice %arg7[%add3A_413, %dma_start3A_419] : memref<819200x128xf32, #tpu.memory_space<hbm>> -> memref<64x64xf32, #tpu.memory_space<hbm>>
      %dma_start3A_421 = arith.constant 128 : i32
      %dma_start3A_422 = arith.constant 0 : i32
      %dma_start3A_423 = tpu.memref_slice %arg12[%dma_start3A_421, %dma_start3A_422] : memref<256x64xf32, #tpu.memory_space<vmem>> -> memref<64x64xf32, #tpu.memory_space<vmem>>
      tpu.enqueue_dma source(%dma_start3A_423 : memref<64x64xf32, #tpu.memory_space<vmem>>) target(%dma_start3A_420 : memref<64x64xf32, #tpu.memory_space<hbm>>) target_semaphore(%arg19 : memref<!tpu.dma_semaphore, #tpu.memory_space<semaphore_mem>>)
      %mul3A_424 = arith.constant 256 : i32
      %mul3A_425 = arith.muli %add3A_210, %mul3A_424 : i32
      %add3A_426 = arith.constant 192 : i32
      %add3A_427 = arith.addi %mul3A_425, %add3A_426 : i32
      %dma_start3A_428 = arith.constant 192 : i32
      %dma_start3A_429 = arith.constant 0 : i32
      %dma_start3A_430 = tpu.memref_slice %arg12[%dma_start3A_428, %dma_start3A_429] : memref<256x64xf32, #tpu.memory_space<vmem>> -> memref<64x64xf32, #tpu.memory_space<vmem>>
      %dma_start3A_431 = arith.constant 0 : i32
      %dma_start3A_432 = tpu.memref_slice %arg7[%add3A_427, %dma_start3A_431] : memref<819200x128xf32, #tpu.memory_space<hbm>> -> memref<64x64xf32, #tpu.memory_space<hbm>>
      %dma_start3A_433 = arith.constant 0 : i32
      %dma_start3A_434 = tpu.memref_slice %arg7[%add3A_427, %dma_start3A_433] : memref<819200x128xf32, #tpu.memory_space<hbm>> -> memref<64x64xf32, #tpu.memory_space<hbm>>
      %dma_start3A_435 = arith.constant 192 : i32
      %dma_start3A_436 = arith.constant 0 : i32
      %dma_start3A_437 = tpu.memref_slice %arg12[%dma_start3A_435, %dma_start3A_436] : memref<256x64xf32, #tpu.memory_space<vmem>> -> memref<64x64xf32, #tpu.memory_space<vmem>>
      tpu.enqueue_dma source(%dma_start3A_437 : memref<64x64xf32, #tpu.memory_space<vmem>>) target(%dma_start3A_434 : memref<64x64xf32, #tpu.memory_space<hbm>>) target_semaphore(%arg19 : memref<!tpu.dma_semaphore, #tpu.memory_space<semaphore_mem>>)
      %dma_wait3A_438 = arith.constant 0 : i32
      %dma_wait3A_439 = arith.constant 0 : i32
      %dma_wait3A_440 = arith.constant 0 : i32
      %dma_wait3A_441 = tpu.memref_slice %arg11[%dma_wait3A_439, %dma_wait3A_440] : memref<256x64xf32, #tpu.memory_space<vmem>> -> memref<32x64xf32, #tpu.memory_space<vmem>>
      %dma_wait3A_442 = arith.constant 0 : i32
      %dma_wait3A_443 = tpu.memref_slice %arg9[%dma_wait3A_438, %dma_wait3A_442] : memref<8x32xi32, #tpu.memory_space<vmem>> -> memref<1x32xi32, #tpu.memory_space<vmem>>
      %dma_wait3A_444 = tpu.memref_squeeze %dma_wait3A_443 : memref<1x32xi32, #tpu.memory_space<vmem>> -> memref<32xi32, #tpu.memory_space<vmem>>
      %dma_wait3A_445 = arith.constant 0 : i32
      %dma_wait3A_446 = arith.constant 0 : i32
      %dma_wait3A_447 = tpu.memref_slice %arg3[%dma_wait3A_445, %dma_wait3A_446] : memref<2000000x64xf32, #tpu.memory_space<hbm>> -> memref<2000000x64xf32, #tpu.memory_space<hbm>>
      tpu.wait_indirect_dma semaphore(%arg18 : memref<!tpu.dma_semaphore, #tpu.memory_space<semaphore_mem>>) src(%dma_wait3A_447 : memref<2000000x64xf32, #tpu.memory_space<hbm>>) dst(%dma_wait3A_441 : memref<32x64xf32, #tpu.memory_space<vmem>>)
      %dma_wait3A_448 = arith.constant 1 : i32
      %dma_wait3A_449 = arith.constant 32 : i32
      %dma_wait3A_450 = arith.constant 0 : i32
      %dma_wait3A_451 = tpu.memref_slice %arg11[%dma_wait3A_449, %dma_wait3A_450] : memref<256x64xf32, #tpu.memory_space<vmem>> -> memref<32x64xf32, #tpu.memory_space<vmem>>
      %dma_wait3A_452 = arith.constant 0 : i32
      %dma_wait3A_453 = tpu.memref_slice %arg9[%dma_wait3A_448, %dma_wait3A_452] : memref<8x32xi32, #tpu.memory_space<vmem>> -> memref<1x32xi32, #tpu.memory_space<vmem>>
      %dma_wait3A_454 = tpu.memref_squeeze %dma_wait3A_453 : memref<1x32xi32, #tpu.memory_space<vmem>> -> memref<32xi32, #tpu.memory_space<vmem>>
      %dma_wait3A_455 = arith.constant 0 : i32
      %dma_wait3A_456 = arith.constant 0 : i32
      %dma_wait3A_457 = tpu.memref_slice %arg3[%dma_wait3A_455, %dma_wait3A_456] : memref<2000000x64xf32, #tpu.memory_space<hbm>> -> memref<2000000x64xf32, #tpu.memory_space<hbm>>
      tpu.wait_indirect_dma semaphore(%arg18 : memref<!tpu.dma_semaphore, #tpu.memory_space<semaphore_mem>>) src(%dma_wait3A_457 : memref<2000000x64xf32, #tpu.memory_space<hbm>>) dst(%dma_wait3A_451 : memref<32x64xf32, #tpu.memory_space<vmem>>)
      %dma_wait3A_458 = arith.constant 2 : i32
      %dma_wait3A_459 = arith.constant 64 : i32
      %dma_wait3A_460 = arith.constant 0 : i32
      %dma_wait3A_461 = tpu.memref_slice %arg11[%dma_wait3A_459, %dma_wait3A_460] : memref<256x64xf32, #tpu.memory_space<vmem>> -> memref<32x64xf32, #tpu.memory_space<vmem>>
      %dma_wait3A_462 = arith.constant 0 : i32
      %dma_wait3A_463 = tpu.memref_slice %arg9[%dma_wait3A_458, %dma_wait3A_462] : memref<8x32xi32, #tpu.memory_space<vmem>> -> memref<1x32xi32, #tpu.memory_space<vmem>>
      %dma_wait3A_464 = tpu.memref_squeeze %dma_wait3A_463 : memref<1x32xi32, #tpu.memory_space<vmem>> -> memref<32xi32, #tpu.memory_space<vmem>>
      %dma_wait3A_465 = arith.constant 0 : i32
      %dma_wait3A_466 = arith.constant 0 : i32
      %dma_wait3A_467 = tpu.memref_slice %arg3[%dma_wait3A_465, %dma_wait3A_466] : memref<2000000x64xf32, #tpu.memory_space<hbm>> -> memref<2000000x64xf32, #tpu.memory_space<hbm>>
      tpu.wait_indirect_dma semaphore(%arg18 : memref<!tpu.dma_semaphore, #tpu.memory_space<semaphore_mem>>) src(%dma_wait3A_467 : memref<2000000x64xf32, #tpu.memory_space<hbm>>) dst(%dma_wait3A_461 : memref<32x64xf32, #tpu.memory_space<vmem>>)
      %dma_wait3A_468 = arith.constant 3 : i32
      %dma_wait3A_469 = arith.constant 96 : i32
      %dma_wait3A_470 = arith.constant 0 : i32
      %dma_wait3A_471 = tpu.memref_slice %arg11[%dma_wait3A_469, %dma_wait3A_470] : memref<256x64xf32, #tpu.memory_space<vmem>> -> memref<32x64xf32, #tpu.memory_space<vmem>>
      %dma_wait3A_472 = arith.constant 0 : i32
      %dma_wait3A_473 = tpu.memref_slice %arg9[%dma_wait3A_468, %dma_wait3A_472] : memref<8x32xi32, #tpu.memory_space<vmem>> -> memref<1x32xi32, #tpu.memory_space<vmem>>
      %dma_wait3A_474 = tpu.memref_squeeze %dma_wait3A_473 : memref<1x32xi32, #tpu.memory_space<vmem>> -> memref<32xi32, #tpu.memory_space<vmem>>
      %dma_wait3A_475 = arith.constant 0 : i32
      %dma_wait3A_476 = arith.constant 0 : i32
      %dma_wait3A_477 = tpu.memref_slice %arg3[%dma_wait3A_475, %dma_wait3A_476] : memref<2000000x64xf32, #tpu.memory_space<hbm>> -> memref<2000000x64xf32, #tpu.memory_space<hbm>>
      tpu.wait_indirect_dma semaphore(%arg18 : memref<!tpu.dma_semaphore, #tpu.memory_space<semaphore_mem>>) src(%dma_wait3A_477 : memref<2000000x64xf32, #tpu.memory_space<hbm>>) dst(%dma_wait3A_471 : memref<32x64xf32, #tpu.memory_space<vmem>>)
      %dma_wait3A_478 = arith.constant 4 : i32
      %dma_wait3A_479 = arith.constant 128 : i32
      %dma_wait3A_480 = arith.constant 0 : i32
      %dma_wait3A_481 = tpu.memref_slice %arg11[%dma_wait3A_479, %dma_wait3A_480] : memref<256x64xf32, #tpu.memory_space<vmem>> -> memref<32x64xf32, #tpu.memory_space<vmem>>
      %dma_wait3A_482 = arith.constant 0 : i32
      %dma_wait3A_483 = tpu.memref_slice %arg9[%dma_wait3A_478, %dma_wait3A_482] : memref<8x32xi32, #tpu.memory_space<vmem>> -> memref<1x32xi32, #tpu.memory_space<vmem>>
      %dma_wait3A_484 = tpu.memref_squeeze %dma_wait3A_483 : memref<1x32xi32, #tpu.memory_space<vmem>> -> memref<32xi32, #tpu.memory_space<vmem>>
      %dma_wait3A_485 = arith.constant 0 : i32
      %dma_wait3A_486 = arith.constant 0 : i32
      %dma_wait3A_487 = tpu.memref_slice %arg3[%dma_wait3A_485, %dma_wait3A_486] : memref<2000000x64xf32, #tpu.memory_space<hbm>> -> memref<2000000x64xf32, #tpu.memory_space<hbm>>
      tpu.wait_indirect_dma semaphore(%arg18 : memref<!tpu.dma_semaphore, #tpu.memory_space<semaphore_mem>>) src(%dma_wait3A_487 : memref<2000000x64xf32, #tpu.memory_space<hbm>>) dst(%dma_wait3A_481 : memref<32x64xf32, #tpu.memory_space<vmem>>)
      %dma_wait3A_488 = arith.constant 5 : i32
      %dma_wait3A_489 = arith.constant 160 : i32
      %dma_wait3A_490 = arith.constant 0 : i32
      %dma_wait3A_491 = tpu.memref_slice %arg11[%dma_wait3A_489, %dma_wait3A_490] : memref<256x64xf32, #tpu.memory_space<vmem>> -> memref<32x64xf32, #tpu.memory_space<vmem>>
      %dma_wait3A_492 = arith.constant 0 : i32
      %dma_wait3A_493 = tpu.memref_slice %arg9[%dma_wait3A_488, %dma_wait3A_492] : memref<8x32xi32, #tpu.memory_space<vmem>> -> memref<1x32xi32, #tpu.memory_space<vmem>>
      %dma_wait3A_494 = tpu.memref_squeeze %dma_wait3A_493 : memref<1x32xi32, #tpu.memory_space<vmem>> -> memref<32xi32, #tpu.memory_space<vmem>>
      %dma_wait3A_495 = arith.constant 0 : i32
      %dma_wait3A_496 = arith.constant 0 : i32
      %dma_wait3A_497 = tpu.memref_slice %arg3[%dma_wait3A_495, %dma_wait3A_496] : memref<2000000x64xf32, #tpu.memory_space<hbm>> -> memref<2000000x64xf32, #tpu.memory_space<hbm>>
      tpu.wait_indirect_dma semaphore(%arg18 : memref<!tpu.dma_semaphore, #tpu.memory_space<semaphore_mem>>) src(%dma_wait3A_497 : memref<2000000x64xf32, #tpu.memory_space<hbm>>) dst(%dma_wait3A_491 : memref<32x64xf32, #tpu.memory_space<vmem>>)
      %dma_wait3A_498 = arith.constant 6 : i32
      %dma_wait3A_499 = arith.constant 192 : i32
      %dma_wait3A_500 = arith.constant 0 : i32
      %dma_wait3A_501 = tpu.memref_slice %arg11[%dma_wait3A_499, %dma_wait3A_500] : memref<256x64xf32, #tpu.memory_space<vmem>> -> memref<32x64xf32, #tpu.memory_space<vmem>>
      %dma_wait3A_502 = arith.constant 0 : i32
      %dma_wait3A_503 = tpu.memref_slice %arg9[%dma_wait3A_498, %dma_wait3A_502] : memref<8x32xi32, #tpu.memory_space<vmem>> -> memref<1x32xi32, #tpu.memory_space<vmem>>
      %dma_wait3A_504 = tpu.memref_squeeze %dma_wait3A_503 : memref<1x32xi32, #tpu.memory_space<vmem>> -> memref<32xi32, #tpu.memory_space<vmem>>
      %dma_wait3A_505 = arith.constant 0 : i32
      %dma_wait3A_506 = arith.constant 0 : i32
      %dma_wait3A_507 = tpu.memref_slice %arg3[%dma_wait3A_505, %dma_wait3A_506] : memref<2000000x64xf32, #tpu.memory_space<hbm>> -> memref<2000000x64xf32, #tpu.memory_space<hbm>>
      tpu.wait_indirect_dma semaphore(%arg18 : memref<!tpu.dma_semaphore, #tpu.memory_space<semaphore_mem>>) src(%dma_wait3A_507 : memref<2000000x64xf32, #tpu.memory_space<hbm>>) dst(%dma_wait3A_501 : memref<32x64xf32, #tpu.memory_space<vmem>>)
      %dma_wait3A_508 = arith.constant 7 : i32
      %dma_wait3A_509 = arith.constant 224 : i32
      %dma_wait3A_510 = arith.constant 0 : i32
      %dma_wait3A_511 = tpu.memref_slice %arg11[%dma_wait3A_509, %dma_wait3A_510] : memref<256x64xf32, #tpu.memory_space<vmem>> -> memref<32x64xf32, #tpu.memory_space<vmem>>
      %dma_wait3A_512 = arith.constant 0 : i32
      %dma_wait3A_513 = tpu.memref_slice %arg9[%dma_wait3A_508, %dma_wait3A_512] : memref<8x32xi32, #tpu.memory_space<vmem>> -> memref<1x32xi32, #tpu.memory_space<vmem>>
      %dma_wait3A_514 = tpu.memref_squeeze %dma_wait3A_513 : memref<1x32xi32, #tpu.memory_space<vmem>> -> memref<32xi32, #tpu.memory_space<vmem>>
      %dma_wait3A_515 = arith.constant 0 : i32
      %dma_wait3A_516 = arith.constant 0 : i32
      %dma_wait3A_517 = tpu.memref_slice %arg3[%dma_wait3A_515, %dma_wait3A_516] : memref<2000000x64xf32, #tpu.memory_space<hbm>> -> memref<2000000x64xf32, #tpu.memory_space<hbm>>
      tpu.wait_indirect_dma semaphore(%arg18 : memref<!tpu.dma_semaphore, #tpu.memory_space<semaphore_mem>>) src(%dma_wait3A_517 : memref<2000000x64xf32, #tpu.memory_space<hbm>>) dst(%dma_wait3A_511 : memref<32x64xf32, #tpu.memory_space<vmem>>)
      %lt3A = arith.constant 49 : i32
      %lt3A_518 = arith.cmpi slt, %scan3A_207, %lt3A : i32
      %convert_element_type3A_519 = arith.extui %lt3A_518 : i1 to i32
      %cond3A_520 = arith.constant 0 : i32
      %cond3A_521 = arith.cmpi ne, %convert_element_type3A_519, %cond3A_520 : i32
      scf.if %cond3A_521 {
        %add3A_594 = arith.constant 2 : i32
        %add3A_595 = arith.addi %add3A_210, %add3A_594 : i32
        %mul3A_596 = arith.constant 8 : i32
        %mul3A_597 = arith.muli %add3A_595, %mul3A_596 : i32
        "tpu.region"() ({
          %run_scoped3A = tpu.sem_alloc : memref<!tpu.dma_semaphore, #tpu.memory_space<semaphore_mem>>
          %dma_start3A_678 = arith.constant 0 : i32
          %dma_start3A_679 = tpu.memref_slice %arg2[%mul3A_597, %dma_start3A_678] : memref<25600x32xi32, #tpu.memory_space<hbm>> -> memref<8x32xi32, #tpu.memory_space<hbm>>
          %dma_start3A_680 = arith.constant 0 : i32
          %dma_start3A_681 = tpu.memref_slice %arg2[%mul3A_597, %dma_start3A_680] : memref<25600x32xi32, #tpu.memory_space<hbm>> -> memref<8x32xi32, #tpu.memory_space<hbm>>
          tpu.enqueue_dma source(%dma_start3A_681 : memref<8x32xi32, #tpu.memory_space<hbm>>) target(%arg8 : memref<8x32xi32, #tpu.memory_space<vmem>>) target_semaphore(%run_scoped3A : memref<!tpu.dma_semaphore, #tpu.memory_space<semaphore_mem>>)
          %dma_wait3A_682 = arith.constant 0 : i32
          %dma_wait3A_683 = tpu.memref_slice %arg2[%mul3A_597, %dma_wait3A_682] : memref<25600x32xi32, #tpu.memory_space<hbm>> -> memref<8x32xi32, #tpu.memory_space<hbm>>
          %dma_wait3A_684 = arith.constant 0 : i32
          %dma_wait3A_685 = tpu.memref_slice %arg2[%mul3A_597, %dma_wait3A_684] : memref<25600x32xi32, #tpu.memory_space<hbm>> -> memref<8x32xi32, #tpu.memory_space<hbm>>
          tpu.wait_dma2 semaphore(%run_scoped3A : memref<!tpu.dma_semaphore, #tpu.memory_space<semaphore_mem>>) src(%dma_wait3A_685 : memref<8x32xi32, #tpu.memory_space<hbm>>) dst(%arg8 : memref<8x32xi32, #tpu.memory_space<vmem>>)
          tpu.yield
        }) : () -> ()
        %dma_start3A_598 = arith.constant 0 : i32
        %dma_start3A_599 = arith.constant 0 : i32
        %dma_start3A_600 = arith.constant 0 : i32
        %dma_start3A_601 = tpu.memref_slice %arg10[%dma_start3A_599, %dma_start3A_600] : memref<256x64xf32, #tpu.memory_space<vmem>> -> memref<32x64xf32, #tpu.memory_space<vmem>>
        %dma_start3A_602 = arith.constant 0 : i32
        %dma_start3A_603 = tpu.memref_slice %arg8[%dma_start3A_598, %dma_start3A_602] : memref<8x32xi32, #tpu.memory_space<vmem>> -> memref<1x32xi32, #tpu.memory_space<vmem>>
        %dma_start3A_604 = tpu.memref_squeeze %dma_start3A_603 : memref<1x32xi32, #tpu.memory_space<vmem>> -> memref<32xi32, #tpu.memory_space<vmem>>
        %dma_start3A_605 = arith.constant 0 : i32
        %dma_start3A_606 = arith.constant 0 : i32
        %dma_start3A_607 = tpu.memref_slice %arg3[%dma_start3A_605, %dma_start3A_606] : memref<2000000x64xf32, #tpu.memory_space<hbm>> -> memref<2000000x64xf32, #tpu.memory_space<hbm>>
        tpu.enqueue_indirect_dma source(%dma_start3A_607 : memref<2000000x64xf32, #tpu.memory_space<hbm>>) target(%dma_start3A_601 : memref<32x64xf32, #tpu.memory_space<vmem>>) offsets(%dma_start3A_604 : memref<32xi32, #tpu.memory_space<vmem>>) semaphore(%arg17 : memref<!tpu.dma_semaphore, #tpu.memory_space<semaphore_mem>>)
        %dma_start3A_608 = arith.constant 1 : i32
        %dma_start3A_609 = arith.constant 32 : i32
        %dma_start3A_610 = arith.constant 0 : i32
        %dma_start3A_611 = tpu.memref_slice %arg10[%dma_start3A_609, %dma_start3A_610] : memref<256x64xf32, #tpu.memory_space<vmem>> -> memref<32x64xf32, #tpu.memory_space<vmem>>
        %dma_start3A_612 = arith.constant 0 : i32
        %dma_start3A_613 = tpu.memref_slice %arg8[%dma_start3A_608, %dma_start3A_612] : memref<8x32xi32, #tpu.memory_space<vmem>> -> memref<1x32xi32, #tpu.memory_space<vmem>>
        %dma_start3A_614 = tpu.memref_squeeze %dma_start3A_613 : memref<1x32xi32, #tpu.memory_space<vmem>> -> memref<32xi32, #tpu.memory_space<vmem>>
        %dma_start3A_615 = arith.constant 0 : i32
        %dma_start3A_616 = arith.constant 0 : i32
        %dma_start3A_617 = tpu.memref_slice %arg3[%dma_start3A_615, %dma_start3A_616] : memref<2000000x64xf32, #tpu.memory_space<hbm>> -> memref<2000000x64xf32, #tpu.memory_space<hbm>>
        tpu.enqueue_indirect_dma source(%dma_start3A_617 : memref<2000000x64xf32, #tpu.memory_space<hbm>>) target(%dma_start3A_611 : memref<32x64xf32, #tpu.memory_space<vmem>>) offsets(%dma_start3A_614 : memref<32xi32, #tpu.memory_space<vmem>>) semaphore(%arg17 : memref<!tpu.dma_semaphore, #tpu.memory_space<semaphore_mem>>)
        %dma_start3A_618 = arith.constant 2 : i32
        %dma_start3A_619 = arith.constant 64 : i32
        %dma_start3A_620 = arith.constant 0 : i32
        %dma_start3A_621 = tpu.memref_slice %arg10[%dma_start3A_619, %dma_start3A_620] : memref<256x64xf32, #tpu.memory_space<vmem>> -> memref<32x64xf32, #tpu.memory_space<vmem>>
        %dma_start3A_622 = arith.constant 0 : i32
        %dma_start3A_623 = tpu.memref_slice %arg8[%dma_start3A_618, %dma_start3A_622] : memref<8x32xi32, #tpu.memory_space<vmem>> -> memref<1x32xi32, #tpu.memory_space<vmem>>
        %dma_start3A_624 = tpu.memref_squeeze %dma_start3A_623 : memref<1x32xi32, #tpu.memory_space<vmem>> -> memref<32xi32, #tpu.memory_space<vmem>>
        %dma_start3A_625 = arith.constant 0 : i32
        %dma_start3A_626 = arith.constant 0 : i32
        %dma_start3A_627 = tpu.memref_slice %arg3[%dma_start3A_625, %dma_start3A_626] : memref<2000000x64xf32, #tpu.memory_space<hbm>> -> memref<2000000x64xf32, #tpu.memory_space<hbm>>
        tpu.enqueue_indirect_dma source(%dma_start3A_627 : memref<2000000x64xf32, #tpu.memory_space<hbm>>) target(%dma_start3A_621 : memref<32x64xf32, #tpu.memory_space<vmem>>) offsets(%dma_start3A_624 : memref<32xi32, #tpu.memory_space<vmem>>) semaphore(%arg17 : memref<!tpu.dma_semaphore, #tpu.memory_space<semaphore_mem>>)
        %dma_start3A_628 = arith.constant 3 : i32
        %dma_start3A_629 = arith.constant 96 : i32
        %dma_start3A_630 = arith.constant 0 : i32
        %dma_start3A_631 = tpu.memref_slice %arg10[%dma_start3A_629, %dma_start3A_630] : memref<256x64xf32, #tpu.memory_space<vmem>> -> memref<32x64xf32, #tpu.memory_space<vmem>>
        %dma_start3A_632 = arith.constant 0 : i32
        %dma_start3A_633 = tpu.memref_slice %arg8[%dma_start3A_628, %dma_start3A_632] : memref<8x32xi32, #tpu.memory_space<vmem>> -> memref<1x32xi32, #tpu.memory_space<vmem>>
        %dma_start3A_634 = tpu.memref_squeeze %dma_start3A_633 : memref<1x32xi32, #tpu.memory_space<vmem>> -> memref<32xi32, #tpu.memory_space<vmem>>
        %dma_start3A_635 = arith.constant 0 : i32
        %dma_start3A_636 = arith.constant 0 : i32
        %dma_start3A_637 = tpu.memref_slice %arg3[%dma_start3A_635, %dma_start3A_636] : memref<2000000x64xf32, #tpu.memory_space<hbm>> -> memref<2000000x64xf32, #tpu.memory_space<hbm>>
        tpu.enqueue_indirect_dma source(%dma_start3A_637 : memref<2000000x64xf32, #tpu.memory_space<hbm>>) target(%dma_start3A_631 : memref<32x64xf32, #tpu.memory_space<vmem>>) offsets(%dma_start3A_634 : memref<32xi32, #tpu.memory_space<vmem>>) semaphore(%arg17 : memref<!tpu.dma_semaphore, #tpu.memory_space<semaphore_mem>>)
        %dma_start3A_638 = arith.constant 4 : i32
        %dma_start3A_639 = arith.constant 128 : i32
        %dma_start3A_640 = arith.constant 0 : i32
        %dma_start3A_641 = tpu.memref_slice %arg10[%dma_start3A_639, %dma_start3A_640] : memref<256x64xf32, #tpu.memory_space<vmem>> -> memref<32x64xf32, #tpu.memory_space<vmem>>
        %dma_start3A_642 = arith.constant 0 : i32
        %dma_start3A_643 = tpu.memref_slice %arg8[%dma_start3A_638, %dma_start3A_642] : memref<8x32xi32, #tpu.memory_space<vmem>> -> memref<1x32xi32, #tpu.memory_space<vmem>>
        %dma_start3A_644 = tpu.memref_squeeze %dma_start3A_643 : memref<1x32xi32, #tpu.memory_space<vmem>> -> memref<32xi32, #tpu.memory_space<vmem>>
        %dma_start3A_645 = arith.constant 0 : i32
        %dma_start3A_646 = arith.constant 0 : i32
        %dma_start3A_647 = tpu.memref_slice %arg3[%dma_start3A_645, %dma_start3A_646] : memref<2000000x64xf32, #tpu.memory_space<hbm>> -> memref<2000000x64xf32, #tpu.memory_space<hbm>>
        tpu.enqueue_indirect_dma source(%dma_start3A_647 : memref<2000000x64xf32, #tpu.memory_space<hbm>>) target(%dma_start3A_641 : memref<32x64xf32, #tpu.memory_space<vmem>>) offsets(%dma_start3A_644 : memref<32xi32, #tpu.memory_space<vmem>>) semaphore(%arg17 : memref<!tpu.dma_semaphore, #tpu.memory_space<semaphore_mem>>)
        %dma_start3A_648 = arith.constant 5 : i32
        %dma_start3A_649 = arith.constant 160 : i32
        %dma_start3A_650 = arith.constant 0 : i32
        %dma_start3A_651 = tpu.memref_slice %arg10[%dma_start3A_649, %dma_start3A_650] : memref<256x64xf32, #tpu.memory_space<vmem>> -> memref<32x64xf32, #tpu.memory_space<vmem>>
        %dma_start3A_652 = arith.constant 0 : i32
        %dma_start3A_653 = tpu.memref_slice %arg8[%dma_start3A_648, %dma_start3A_652] : memref<8x32xi32, #tpu.memory_space<vmem>> -> memref<1x32xi32, #tpu.memory_space<vmem>>
        %dma_start3A_654 = tpu.memref_squeeze %dma_start3A_653 : memref<1x32xi32, #tpu.memory_space<vmem>> -> memref<32xi32, #tpu.memory_space<vmem>>
        %dma_start3A_655 = arith.constant 0 : i32
        %dma_start3A_656 = arith.constant 0 : i32
        %dma_start3A_657 = tpu.memref_slice %arg3[%dma_start3A_655, %dma_start3A_656] : memref<2000000x64xf32, #tpu.memory_space<hbm>> -> memref<2000000x64xf32, #tpu.memory_space<hbm>>
        tpu.enqueue_indirect_dma source(%dma_start3A_657 : memref<2000000x64xf32, #tpu.memory_space<hbm>>) target(%dma_start3A_651 : memref<32x64xf32, #tpu.memory_space<vmem>>) offsets(%dma_start3A_654 : memref<32xi32, #tpu.memory_space<vmem>>) semaphore(%arg17 : memref<!tpu.dma_semaphore, #tpu.memory_space<semaphore_mem>>)
        %dma_start3A_658 = arith.constant 6 : i32
        %dma_start3A_659 = arith.constant 192 : i32
        %dma_start3A_660 = arith.constant 0 : i32
        %dma_start3A_661 = tpu.memref_slice %arg10[%dma_start3A_659, %dma_start3A_660] : memref<256x64xf32, #tpu.memory_space<vmem>> -> memref<32x64xf32, #tpu.memory_space<vmem>>
        %dma_start3A_662 = arith.constant 0 : i32
        %dma_start3A_663 = tpu.memref_slice %arg8[%dma_start3A_658, %dma_start3A_662] : memref<8x32xi32, #tpu.memory_space<vmem>> -> memref<1x32xi32, #tpu.memory_space<vmem>>
        %dma_start3A_664 = tpu.memref_squeeze %dma_start3A_663 : memref<1x32xi32, #tpu.memory_space<vmem>> -> memref<32xi32, #tpu.memory_space<vmem>>
        %dma_start3A_665 = arith.constant 0 : i32
        %dma_start3A_666 = arith.constant 0 : i32
        %dma_start3A_667 = tpu.memref_slice %arg3[%dma_start3A_665, %dma_start3A_666] : memref<2000000x64xf32, #tpu.memory_space<hbm>> -> memref<2000000x64xf32, #tpu.memory_space<hbm>>
        tpu.enqueue_indirect_dma source(%dma_start3A_667 : memref<2000000x64xf32, #tpu.memory_space<hbm>>) target(%dma_start3A_661 : memref<32x64xf32, #tpu.memory_space<vmem>>) offsets(%dma_start3A_664 : memref<32xi32, #tpu.memory_space<vmem>>) semaphore(%arg17 : memref<!tpu.dma_semaphore, #tpu.memory_space<semaphore_mem>>)
        %dma_start3A_668 = arith.constant 7 : i32
        %dma_start3A_669 = arith.constant 224 : i32
        %dma_start3A_670 = arith.constant 0 : i32
        %dma_start3A_671 = tpu.memref_slice %arg10[%dma_start3A_669, %dma_start3A_670] : memref<256x64xf32, #tpu.memory_space<vmem>> -> memref<32x64xf32, #tpu.memory_space<vmem>>
        %dma_start3A_672 = arith.constant 0 : i32
        %dma_start3A_673 = tpu.memref_slice %arg8[%dma_start3A_668, %dma_start3A_672] : memref<8x32xi32, #tpu.memory_space<vmem>> -> memref<1x32xi32, #tpu.memory_space<vmem>>
        %dma_start3A_674 = tpu.memref_squeeze %dma_start3A_673 : memref<1x32xi32, #tpu.memory_space<vmem>> -> memref<32xi32, #tpu.memory_space<vmem>>
        %dma_start3A_675 = arith.constant 0 : i32
        %dma_start3A_676 = arith.constant 0 : i32
        %dma_start3A_677 = tpu.memref_slice %arg3[%dma_start3A_675, %dma_start3A_676] : memref<2000000x64xf32, #tpu.memory_space<hbm>> -> memref<2000000x64xf32, #tpu.memory_space<hbm>>
        tpu.enqueue_indirect_dma source(%dma_start3A_677 : memref<2000000x64xf32, #tpu.memory_space<hbm>>) target(%dma_start3A_671 : memref<32x64xf32, #tpu.memory_space<vmem>>) offsets(%dma_start3A_674 : memref<32xi32, #tpu.memory_space<vmem>>) semaphore(%arg17 : memref<!tpu.dma_semaphore, #tpu.memory_space<semaphore_mem>>)
      } else {
      }
      %gt3A_522 = arith.constant 0 : i32
      %gt3A_523 = arith.cmpi sgt, %scan3A_207, %gt3A_522 : i32
      %convert_element_type3A_524 = arith.extui %gt3A_523 : i1 to i32
      %cond3A_525 = arith.constant 0 : i32
      %cond3A_526 = arith.cmpi ne, %convert_element_type3A_524, %cond3A_525 : i32
      scf.if %cond3A_526 {
        %dma_wait3A_594 = arith.constant 0 : i32
        %dma_wait3A_595 = arith.constant 0 : i32
        %dma_wait3A_596 = tpu.memref_slice %arg13[%dma_wait3A_594, %dma_wait3A_595] : memref<256x64xf32, #tpu.memory_space<vmem>> -> memref<64x64xf32, #tpu.memory_space<vmem>>
        %dma_wait3A_597 = arith.constant 0 : i32
        %dma_wait3A_598 = arith.constant 0 : i32
        %dma_wait3A_599 = tpu.memref_slice %arg7[%dma_wait3A_597, %dma_wait3A_598] : memref<819200x128xf32, #tpu.memory_space<hbm>> -> memref<64x64xf32, #tpu.memory_space<hbm>>
        %dma_wait3A_600 = arith.constant 0 : i32
        %dma_wait3A_601 = arith.constant 0 : i32
        %dma_wait3A_602 = tpu.memref_slice %arg7[%dma_wait3A_600, %dma_wait3A_601] : memref<819200x128xf32, #tpu.memory_space<hbm>> -> memref<64x64xf32, #tpu.memory_space<hbm>>
        %dma_wait3A_603 = arith.constant 0 : i32
        %dma_wait3A_604 = arith.constant 0 : i32
        %dma_wait3A_605 = tpu.memref_slice %arg13[%dma_wait3A_603, %dma_wait3A_604] : memref<256x64xf32, #tpu.memory_space<vmem>> -> memref<64x64xf32, #tpu.memory_space<vmem>>
        tpu.wait_dma2 semaphore(%arg20 : memref<!tpu.dma_semaphore, #tpu.memory_space<semaphore_mem>>) src(%dma_wait3A_605 : memref<64x64xf32, #tpu.memory_space<vmem>>) dst(%dma_wait3A_602 : memref<64x64xf32, #tpu.memory_space<hbm>>)
        %dma_wait3A_606 = arith.constant 64 : i32
        %dma_wait3A_607 = arith.constant 0 : i32
        %dma_wait3A_608 = tpu.memref_slice %arg13[%dma_wait3A_606, %dma_wait3A_607] : memref<256x64xf32, #tpu.memory_space<vmem>> -> memref<64x64xf32, #tpu.memory_space<vmem>>
        %dma_wait3A_609 = arith.constant 64 : i32
        %dma_wait3A_610 = arith.constant 0 : i32
        %dma_wait3A_611 = tpu.memref_slice %arg7[%dma_wait3A_609, %dma_wait3A_610] : memref<819200x128xf32, #tpu.memory_space<hbm>> -> memref<64x64xf32, #tpu.memory_space<hbm>>
        %dma_wait3A_612 = arith.constant 64 : i32
        %dma_wait3A_613 = arith.constant 0 : i32
        %dma_wait3A_614 = tpu.memref_slice %arg7[%dma_wait3A_612, %dma_wait3A_613] : memref<819200x128xf32, #tpu.memory_space<hbm>> -> memref<64x64xf32, #tpu.memory_space<hbm>>
        %dma_wait3A_615 = arith.constant 64 : i32
        %dma_wait3A_616 = arith.constant 0 : i32
        %dma_wait3A_617 = tpu.memref_slice %arg13[%dma_wait3A_615, %dma_wait3A_616] : memref<256x64xf32, #tpu.memory_space<vmem>> -> memref<64x64xf32, #tpu.memory_space<vmem>>
        tpu.wait_dma2 semaphore(%arg20 : memref<!tpu.dma_semaphore, #tpu.memory_space<semaphore_mem>>) src(%dma_wait3A_617 : memref<64x64xf32, #tpu.memory_space<vmem>>) dst(%dma_wait3A_614 : memref<64x64xf32, #tpu.memory_space<hbm>>)
        %dma_wait3A_618 = arith.constant 128 : i32
        %dma_wait3A_619 = arith.constant 0 : i32
        %dma_wait3A_620 = tpu.memref_slice %arg13[%dma_wait3A_618, %dma_wait3A_619] : memref<256x64xf32, #tpu.memory_space<vmem>> -> memref<64x64xf32, #tpu.memory_space<vmem>>
        %dma_wait3A_621 = arith.constant 128 : i32
        %dma_wait3A_622 = arith.constant 0 : i32
        %dma_wait3A_623 = tpu.memref_slice %arg7[%dma_wait3A_621, %dma_wait3A_622] : memref<819200x128xf32, #tpu.memory_space<hbm>> -> memref<64x64xf32, #tpu.memory_space<hbm>>
        %dma_wait3A_624 = arith.constant 128 : i32
        %dma_wait3A_625 = arith.constant 0 : i32
        %dma_wait3A_626 = tpu.memref_slice %arg7[%dma_wait3A_624, %dma_wait3A_625] : memref<819200x128xf32, #tpu.memory_space<hbm>> -> memref<64x64xf32, #tpu.memory_space<hbm>>
        %dma_wait3A_627 = arith.constant 128 : i32
        %dma_wait3A_628 = arith.constant 0 : i32
        %dma_wait3A_629 = tpu.memref_slice %arg13[%dma_wait3A_627, %dma_wait3A_628] : memref<256x64xf32, #tpu.memory_space<vmem>> -> memref<64x64xf32, #tpu.memory_space<vmem>>
        tpu.wait_dma2 semaphore(%arg20 : memref<!tpu.dma_semaphore, #tpu.memory_space<semaphore_mem>>) src(%dma_wait3A_629 : memref<64x64xf32, #tpu.memory_space<vmem>>) dst(%dma_wait3A_626 : memref<64x64xf32, #tpu.memory_space<hbm>>)
        %dma_wait3A_630 = arith.constant 192 : i32
        %dma_wait3A_631 = arith.constant 0 : i32
        %dma_wait3A_632 = tpu.memref_slice %arg13[%dma_wait3A_630, %dma_wait3A_631] : memref<256x64xf32, #tpu.memory_space<vmem>> -> memref<64x64xf32, #tpu.memory_space<vmem>>
        %dma_wait3A_633 = arith.constant 192 : i32
        %dma_wait3A_634 = arith.constant 0 : i32
        %dma_wait3A_635 = tpu.memref_slice %arg7[%dma_wait3A_633, %dma_wait3A_634] : memref<819200x128xf32, #tpu.memory_space<hbm>> -> memref<64x64xf32, #tpu.memory_space<hbm>>
        %dma_wait3A_636 = arith.constant 192 : i32
        %dma_wait3A_637 = arith.constant 0 : i32
        %dma_wait3A_638 = tpu.memref_slice %arg7[%dma_wait3A_636, %dma_wait3A_637] : memref<819200x128xf32, #tpu.memory_space<hbm>> -> memref<64x64xf32, #tpu.memory_space<hbm>>
        %dma_wait3A_639 = arith.constant 192 : i32
        %dma_wait3A_640 = arith.constant 0 : i32
        %dma_wait3A_641 = tpu.memref_slice %arg13[%dma_wait3A_639, %dma_wait3A_640] : memref<256x64xf32, #tpu.memory_space<vmem>> -> memref<64x64xf32, #tpu.memory_space<vmem>>
        tpu.wait_dma2 semaphore(%arg20 : memref<!tpu.dma_semaphore, #tpu.memory_space<semaphore_mem>>) src(%dma_wait3A_641 : memref<64x64xf32, #tpu.memory_space<vmem>>) dst(%dma_wait3A_638 : memref<64x64xf32, #tpu.memory_space<hbm>>)
      } else {
      }
      %add3A_527 = arith.constant 1 : i32
      %add3A_528 = arith.addi %add3A_210, %add3A_527 : i32
      %mul3A_529 = arith.constant 256 : i32
      %mul3A_530 = arith.muli %add3A_528, %mul3A_529 : i32
      %rem3A_531 = arith.constant 200 : i32
      %rem3A_532 = arith.remsi %mul3A_530, %rem3A_531 : i32
      %parallel_loop3A_533 = arith.constant 0 : i32
      %parallel_loop3A_534 = arith.constant 256 : i32
      %parallel_loop3A_535 = arith.constant 1 : i32
      scf.for %parallel_loop3A_594 = %parallel_loop3A_533 to %parallel_loop3A_534 step %parallel_loop3A_535  : i32 {
        %parallel_loop3A_595 = arith.addi %rem3A_532, %parallel_loop3A_594 : i32
        %parallel_loop3A_596 = arith.constant 200 : i32
        %parallel_loop3A_597 = arith.remsi %parallel_loop3A_595, %parallel_loop3A_596 : i32
        %parallel_loop3A_598 = arith.index_cast %parallel_loop3A_594 : i32 to index
        %parallel_loop3A_599 = arith.constant 0 : index
        %parallel_loop3A_600 = tpu.vector_load %arg11[%parallel_loop3A_598, %parallel_loop3A_599] {strides = array<i32>} : memref<256x64xf32, #tpu.memory_space<vmem>>, vector<1x16xf32>,
        %parallel_loop3A_601 = vector.shape_cast %parallel_loop3A_600 : vector<1x16xf32> to vector<16xf32>
        %parallel_loop3A_602 = arith.index_cast %parallel_loop3A_597 : i32 to index
        %parallel_loop3A_603 = arith.constant 0 : index
        %parallel_loop3A_604 = tpu.vector_load %arg14[%parallel_loop3A_602, %parallel_loop3A_603] {strides = array<i32>} : memref<200x64xf32, #tpu.memory_space<vmem>>, vector<1x16xf32>,
        %parallel_loop3A_605 = vector.shape_cast %parallel_loop3A_604 : vector<1x16xf32> to vector<16xf32>
        %parallel_loop3A_606 = arith.addf %parallel_loop3A_601, %parallel_loop3A_605 : vector<16xf32>
        %parallel_loop3A_607 = arith.index_cast %parallel_loop3A_594 : i32 to index
        %parallel_loop3A_608 = arith.constant 16 : index
        %parallel_loop3A_609 = tpu.vector_load %arg11[%parallel_loop3A_607, %parallel_loop3A_608] {strides = array<i32>} : memref<256x64xf32, #tpu.memory_space<vmem>>, vector<1x16xf32>,
        %parallel_loop3A_610 = vector.shape_cast %parallel_loop3A_609 : vector<1x16xf32> to vector<16xf32>
        %parallel_loop3A_611 = arith.index_cast %parallel_loop3A_597 : i32 to index
        %parallel_loop3A_612 = arith.constant 16 : index
        %parallel_loop3A_613 = tpu.vector_load %arg14[%parallel_loop3A_611, %parallel_loop3A_612] {strides = array<i32>} : memref<200x64xf32, #tpu.memory_space<vmem>>, vector<1x16xf32>,
        %parallel_loop3A_614 = vector.shape_cast %parallel_loop3A_613 : vector<1x16xf32> to vector<16xf32>
        %parallel_loop3A_615 = arith.addf %parallel_loop3A_610, %parallel_loop3A_614 : vector<16xf32>
        %parallel_loop3A_616 = arith.index_cast %parallel_loop3A_594 : i32 to index
        %parallel_loop3A_617 = arith.constant 32 : index
        %parallel_loop3A_618 = tpu.vector_load %arg11[%parallel_loop3A_616, %parallel_loop3A_617] {strides = array<i32>} : memref<256x64xf32, #tpu.memory_space<vmem>>, vector<1x16xf32>,
        %parallel_loop3A_619 = vector.shape_cast %parallel_loop3A_618 : vector<1x16xf32> to vector<16xf32>
        %parallel_loop3A_620 = arith.index_cast %parallel_loop3A_597 : i32 to index
        %parallel_loop3A_621 = arith.constant 32 : index
        %parallel_loop3A_622 = tpu.vector_load %arg14[%parallel_loop3A_620, %parallel_loop3A_621] {strides = array<i32>} : memref<200x64xf32, #tpu.memory_space<vmem>>, vector<1x16xf32>,
        %parallel_loop3A_623 = vector.shape_cast %parallel_loop3A_622 : vector<1x16xf32> to vector<16xf32>
        %parallel_loop3A_624 = arith.addf %parallel_loop3A_619, %parallel_loop3A_623 : vector<16xf32>
        %parallel_loop3A_625 = arith.index_cast %parallel_loop3A_594 : i32 to index
        %parallel_loop3A_626 = arith.constant 48 : index
        %parallel_loop3A_627 = tpu.vector_load %arg11[%parallel_loop3A_625, %parallel_loop3A_626] {strides = array<i32>} : memref<256x64xf32, #tpu.memory_space<vmem>>, vector<1x16xf32>,
        %parallel_loop3A_628 = vector.shape_cast %parallel_loop3A_627 : vector<1x16xf32> to vector<16xf32>
        %parallel_loop3A_629 = arith.index_cast %parallel_loop3A_597 : i32 to index
        %parallel_loop3A_630 = arith.constant 48 : index
        %parallel_loop3A_631 = tpu.vector_load %arg14[%parallel_loop3A_629, %parallel_loop3A_630] {strides = array<i32>} : memref<200x64xf32, #tpu.memory_space<vmem>>, vector<1x16xf32>,
        %parallel_loop3A_632 = vector.shape_cast %parallel_loop3A_631 : vector<1x16xf32> to vector<16xf32>
        %parallel_loop3A_633 = arith.addf %parallel_loop3A_628, %parallel_loop3A_632 : vector<16xf32>
        %parallel_loop3A_634 = arith.addf %parallel_loop3A_606, %parallel_loop3A_615 : vector<16xf32>
        %parallel_loop3A_635 = arith.addf %parallel_loop3A_624, %parallel_loop3A_633 : vector<16xf32>
        %parallel_loop3A_636 = arith.addf %parallel_loop3A_634, %parallel_loop3A_635 : vector<16xf32>
        %parallel_loop3A_637 = arith.mulf %parallel_loop3A_606, %parallel_loop3A_606 : vector<16xf32>
        %parallel_loop3A_638 = arith.mulf %parallel_loop3A_615, %parallel_loop3A_615 : vector<16xf32>
        %parallel_loop3A_639 = arith.addf %parallel_loop3A_637, %parallel_loop3A_638 : vector<16xf32>
        %parallel_loop3A_640 = arith.mulf %parallel_loop3A_624, %parallel_loop3A_624 : vector<16xf32>
        %parallel_loop3A_641 = arith.mulf %parallel_loop3A_633, %parallel_loop3A_633 : vector<16xf32>
        %parallel_loop3A_642 = arith.addf %parallel_loop3A_640, %parallel_loop3A_641 : vector<16xf32>
        %parallel_loop3A_643 = arith.addf %parallel_loop3A_639, %parallel_loop3A_642 : vector<16xf32>
        %parallel_loop3A_644 = tpu.iota {dimensions = array<i32: 0>} : vector<16xi32>
        %parallel_loop3A_645 = arith.constant 1 : i32
        %parallel_loop3A_646 = vector.broadcast %parallel_loop3A_645 : i32 to vector<16xi32>
        %parallel_loop3A_647 = arith.xori %parallel_loop3A_644, %parallel_loop3A_646 : vector<16xi32>
        %parallel_loop3A_648 = vector.shape_cast %parallel_loop3A_647 : vector<16xi32> to vector<16x1xi32>
        %parallel_loop3A_649 = vector.shape_cast %parallel_loop3A_648 : vector<16x1xi32> to vector<16xi32>
        %parallel_loop3A_650 = tpu.dynamic_gather %parallel_loop3A_636[%parallel_loop3A_649] in [0] : vector<16xf32>, vector<16xi32> -> vector<16xf32>
        %parallel_loop3A_651 = arith.addf %parallel_loop3A_636, %parallel_loop3A_650 : vector<16xf32>
        %parallel_loop3A_652 = arith.constant 2 : i32
        %parallel_loop3A_653 = vector.broadcast %parallel_loop3A_652 : i32 to vector<16xi32>
        %parallel_loop3A_654 = arith.xori %parallel_loop3A_644, %parallel_loop3A_653 : vector<16xi32>
        %parallel_loop3A_655 = vector.shape_cast %parallel_loop3A_654 : vector<16xi32> to vector<16x1xi32>
        %parallel_loop3A_656 = vector.shape_cast %parallel_loop3A_655 : vector<16x1xi32> to vector<16xi32>
        %parallel_loop3A_657 = tpu.dynamic_gather %parallel_loop3A_651[%parallel_loop3A_656] in [0] : vector<16xf32>, vector<16xi32> -> vector<16xf32>
        %parallel_loop3A_658 = arith.addf %parallel_loop3A_651, %parallel_loop3A_657 : vector<16xf32>
        %parallel_loop3A_659 = arith.constant 4 : i32
        %parallel_loop3A_660 = vector.broadcast %parallel_loop3A_659 : i32 to vector<16xi32>
        %parallel_loop3A_661 = arith.xori %parallel_loop3A_644, %parallel_loop3A_660 : vector<16xi32>
        %parallel_loop3A_662 = vector.shape_cast %parallel_loop3A_661 : vector<16xi32> to vector<16x1xi32>
        %parallel_loop3A_663 = vector.shape_cast %parallel_loop3A_662 : vector<16x1xi32> to vector<16xi32>
        %parallel_loop3A_664 = tpu.dynamic_gather %parallel_loop3A_658[%parallel_loop3A_663] in [0] : vector<16xf32>, vector<16xi32> -> vector<16xf32>
        %parallel_loop3A_665 = arith.addf %parallel_loop3A_658, %parallel_loop3A_664 : vector<16xf32>
        %parallel_loop3A_666 = arith.constant 8 : i32
        %parallel_loop3A_667 = vector.broadcast %parallel_loop3A_666 : i32 to vector<16xi32>
        %parallel_loop3A_668 = arith.xori %parallel_loop3A_644, %parallel_loop3A_667 : vector<16xi32>
        %parallel_loop3A_669 = vector.shape_cast %parallel_loop3A_668 : vector<16xi32> to vector<16x1xi32>
        %parallel_loop3A_670 = vector.shape_cast %parallel_loop3A_669 : vector<16x1xi32> to vector<16xi32>
        %parallel_loop3A_671 = tpu.dynamic_gather %parallel_loop3A_665[%parallel_loop3A_670] in [0] : vector<16xf32>, vector<16xi32> -> vector<16xf32>
        %parallel_loop3A_672 = arith.addf %parallel_loop3A_665, %parallel_loop3A_671 : vector<16xf32>
        %parallel_loop3A_673 = arith.constant 1.562500e-02 : f32
        %parallel_loop3A_674 = vector.broadcast %parallel_loop3A_673 : f32 to vector<16xf32>
        %parallel_loop3A_675 = arith.mulf %parallel_loop3A_672, %parallel_loop3A_674 : vector<16xf32>
        %parallel_loop3A_676 = tpu.iota {dimensions = array<i32: 0>} : vector<16xi32>
        %parallel_loop3A_677 = arith.constant 1 : i32
        %parallel_loop3A_678 = vector.broadcast %parallel_loop3A_677 : i32 to vector<16xi32>
        %parallel_loop3A_679 = arith.xori %parallel_loop3A_676, %parallel_loop3A_678 : vector<16xi32>
        %parallel_loop3A_680 = vector.shape_cast %parallel_loop3A_679 : vector<16xi32> to vector<16x1xi32>
        %parallel_loop3A_681 = vector.shape_cast %parallel_loop3A_680 : vector<16x1xi32> to vector<16xi32>
        %parallel_loop3A_682 = tpu.dynamic_gather %parallel_loop3A_643[%parallel_loop3A_681] in [0] : vector<16xf32>, vector<16xi32> -> vector<16xf32>
        %parallel_loop3A_683 = arith.addf %parallel_loop3A_643, %parallel_loop3A_682 : vector<16xf32>
        %parallel_loop3A_684 = arith.constant 2 : i32
        %parallel_loop3A_685 = vector.broadcast %parallel_loop3A_684 : i32 to vector<16xi32>
        %parallel_loop3A_686 = arith.xori %parallel_loop3A_676, %parallel_loop3A_685 : vector<16xi32>
        %parallel_loop3A_687 = vector.shape_cast %parallel_loop3A_686 : vector<16xi32> to vector<16x1xi32>
        %parallel_loop3A_688 = vector.shape_cast %parallel_loop3A_687 : vector<16x1xi32> to vector<16xi32>
        %parallel_loop3A_689 = tpu.dynamic_gather %parallel_loop3A_683[%parallel_loop3A_688] in [0] : vector<16xf32>, vector<16xi32> -> vector<16xf32>
        %parallel_loop3A_690 = arith.addf %parallel_loop3A_683, %parallel_loop3A_689 : vector<16xf32>
        %parallel_loop3A_691 = arith.constant 4 : i32
        %parallel_loop3A_692 = vector.broadcast %parallel_loop3A_691 : i32 to vector<16xi32>
        %parallel_loop3A_693 = arith.xori %parallel_loop3A_676, %parallel_loop3A_692 : vector<16xi32>
        %parallel_loop3A_694 = vector.shape_cast %parallel_loop3A_693 : vector<16xi32> to vector<16x1xi32>
        %parallel_loop3A_695 = vector.shape_cast %parallel_loop3A_694 : vector<16x1xi32> to vector<16xi32>
        %parallel_loop3A_696 = tpu.dynamic_gather %parallel_loop3A_690[%parallel_loop3A_695] in [0] : vector<16xf32>, vector<16xi32> -> vector<16xf32>
        %parallel_loop3A_697 = arith.addf %parallel_loop3A_690, %parallel_loop3A_696 : vector<16xf32>
        %parallel_loop3A_698 = arith.constant 8 : i32
        %parallel_loop3A_699 = vector.broadcast %parallel_loop3A_698 : i32 to vector<16xi32>
        %parallel_loop3A_700 = arith.xori %parallel_loop3A_676, %parallel_loop3A_699 : vector<16xi32>
        %parallel_loop3A_701 = vector.shape_cast %parallel_loop3A_700 : vector<16xi32> to vector<16x1xi32>
        %parallel_loop3A_702 = vector.shape_cast %parallel_loop3A_701 : vector<16x1xi32> to vector<16xi32>
        %parallel_loop3A_703 = tpu.dynamic_gather %parallel_loop3A_697[%parallel_loop3A_702] in [0] : vector<16xf32>, vector<16xi32> -> vector<16xf32>
        %parallel_loop3A_704 = arith.addf %parallel_loop3A_697, %parallel_loop3A_703 : vector<16xf32>
        %parallel_loop3A_705 = arith.constant 1.562500e-02 : f32
        %parallel_loop3A_706 = vector.broadcast %parallel_loop3A_705 : f32 to vector<16xf32>
        %parallel_loop3A_707 = arith.mulf %parallel_loop3A_704, %parallel_loop3A_706 : vector<16xf32>
        %parallel_loop3A_708 = arith.mulf %parallel_loop3A_675, %parallel_loop3A_675 : vector<16xf32>
        %parallel_loop3A_709 = arith.subf %parallel_loop3A_707, %parallel_loop3A_708 : vector<16xf32>
        %parallel_loop3A_710 = arith.constant 9.99999974E-6 : f32
        %parallel_loop3A_711 = vector.broadcast %parallel_loop3A_710 : f32 to vector<16xf32>
        %parallel_loop3A_712 = arith.addf %parallel_loop3A_709, %parallel_loop3A_711 : vector<16xf32>
        %parallel_loop3A_713 = tpu.bitcast %parallel_loop3A_712 : vector<16xf32> -> vector<16xi32>
        %parallel_loop3A_714 = arith.constant 1 : i32
        %parallel_loop3A_715 = vector.broadcast %parallel_loop3A_714 : i32 to vector<16xi32>
        %parallel_loop3A_716 = arith.shrui %parallel_loop3A_713, %parallel_loop3A_715 : vector<16xi32>
        %parallel_loop3A_717 = arith.constant 1597463007 : i32
        %parallel_loop3A_718 = vector.broadcast %parallel_loop3A_717 : i32 to vector<16xi32>
        %parallel_loop3A_719 = arith.subi %parallel_loop3A_718, %parallel_loop3A_716 : vector<16xi32>
        %parallel_loop3A_720 = tpu.bitcast %parallel_loop3A_719 : vector<16xi32> -> vector<16xf32>
        %parallel_loop3A_721 = arith.constant 5.000000e-01 : f32
        %parallel_loop3A_722 = vector.broadcast %parallel_loop3A_721 : f32 to vector<16xf32>
        %parallel_loop3A_723 = arith.mulf %parallel_loop3A_712, %parallel_loop3A_722 : vector<16xf32>
        %parallel_loop3A_724 = arith.mulf %parallel_loop3A_723, %parallel_loop3A_720 : vector<16xf32>
        %parallel_loop3A_725 = arith.mulf %parallel_loop3A_724, %parallel_loop3A_720 : vector<16xf32>
        %parallel_loop3A_726 = arith.constant 1.500000e+00 : f32
        %parallel_loop3A_727 = vector.broadcast %parallel_loop3A_726 : f32 to vector<16xf32>
        %parallel_loop3A_728 = arith.subf %parallel_loop3A_727, %parallel_loop3A_725 : vector<16xf32>
        %parallel_loop3A_729 = arith.mulf %parallel_loop3A_720, %parallel_loop3A_728 : vector<16xf32>
        %parallel_loop3A_730 = arith.mulf %parallel_loop3A_729, %get3A_4 : vector<16xf32>
        %parallel_loop3A_731 = arith.mulf %parallel_loop3A_606, %parallel_loop3A_730 : vector<16xf32>
        %parallel_loop3A_732 = arith.mulf %parallel_loop3A_675, %parallel_loop3A_730 : vector<16xf32>
        %parallel_loop3A_733 = arith.subf %get3A_16, %parallel_loop3A_732 : vector<16xf32>
        %parallel_loop3A_734 = arith.addf %parallel_loop3A_731, %parallel_loop3A_733 : vector<16xf32>
        %parallel_loop3A_735 = arith.index_cast %parallel_loop3A_594 : i32 to index
        %parallel_loop3A_736 = arith.constant 0 : index
        %parallel_loop3A_737 = tpu.vector_load %arg13[%parallel_loop3A_735, %parallel_loop3A_736] {strides = array<i32>} : memref<256x64xf32, #tpu.memory_space<vmem>>, vector<1x16xf32>,
        %parallel_loop3A_738 = vector.shape_cast %parallel_loop3A_737 : vector<1x16xf32> to vector<16xf32>
        %parallel_loop3A_739 = vector.shape_cast %parallel_loop3A_734 : vector<16xf32> to vector<1x16xf32>
        tpu.vector_store %arg13[%parallel_loop3A_735, %parallel_loop3A_736], %parallel_loop3A_739 {strides = array<i32>} : memref<256x64xf32, #tpu.memory_space<vmem>>, vector<1x16xf32>,
        %parallel_loop3A_740 = arith.mulf %parallel_loop3A_729, %get3A_7 : vector<16xf32>
        %parallel_loop3A_741 = arith.mulf %parallel_loop3A_615, %parallel_loop3A_740 : vector<16xf32>
        %parallel_loop3A_742 = arith.mulf %parallel_loop3A_675, %parallel_loop3A_740 : vector<16xf32>
        %parallel_loop3A_743 = arith.subf %get3A_19, %parallel_loop3A_742 : vector<16xf32>
        %parallel_loop3A_744 = arith.addf %parallel_loop3A_741, %parallel_loop3A_743 : vector<16xf32>
        %parallel_loop3A_745 = arith.index_cast %parallel_loop3A_594 : i32 to index
        %parallel_loop3A_746 = arith.constant 16 : index
        %parallel_loop3A_747 = tpu.vector_load %arg13[%parallel_loop3A_745, %parallel_loop3A_746] {strides = array<i32>} : memref<256x64xf32, #tpu.memory_space<vmem>>, vector<1x16xf32>,
        %parallel_loop3A_748 = vector.shape_cast %parallel_loop3A_747 : vector<1x16xf32> to vector<16xf32>
        %parallel_loop3A_749 = vector.shape_cast %parallel_loop3A_744 : vector<16xf32> to vector<1x16xf32>
        tpu.vector_store %arg13[%parallel_loop3A_745, %parallel_loop3A_746], %parallel_loop3A_749 {strides = array<i32>} : memref<256x64xf32, #tpu.memory_space<vmem>>, vector<1x16xf32>,
        %parallel_loop3A_750 = arith.mulf %parallel_loop3A_729, %get3A_10 : vector<16xf32>
        %parallel_loop3A_751 = arith.mulf %parallel_loop3A_624, %parallel_loop3A_750 : vector<16xf32>
        %parallel_loop3A_752 = arith.mulf %parallel_loop3A_675, %parallel_loop3A_750 : vector<16xf32>
        %parallel_loop3A_753 = arith.subf %get3A_22, %parallel_loop3A_752 : vector<16xf32>
        %parallel_loop3A_754 = arith.addf %parallel_loop3A_751, %parallel_loop3A_753 : vector<16xf32>
        %parallel_loop3A_755 = arith.index_cast %parallel_loop3A_594 : i32 to index
        %parallel_loop3A_756 = arith.constant 32 : index
        %parallel_loop3A_757 = tpu.vector_load %arg13[%parallel_loop3A_755, %parallel_loop3A_756] {strides = array<i32>} : memref<256x64xf32, #tpu.memory_space<vmem>>, vector<1x16xf32>,
        %parallel_loop3A_758 = vector.shape_cast %parallel_loop3A_757 : vector<1x16xf32> to vector<16xf32>
        %parallel_loop3A_759 = vector.shape_cast %parallel_loop3A_754 : vector<16xf32> to vector<1x16xf32>
        tpu.vector_store %arg13[%parallel_loop3A_755, %parallel_loop3A_756], %parallel_loop3A_759 {strides = array<i32>} : memref<256x64xf32, #tpu.memory_space<vmem>>, vector<1x16xf32>,
        %parallel_loop3A_760 = arith.mulf %parallel_loop3A_729, %get3A_13 : vector<16xf32>
        %parallel_loop3A_761 = arith.mulf %parallel_loop3A_633, %parallel_loop3A_760 : vector<16xf32>
        %parallel_loop3A_762 = arith.mulf %parallel_loop3A_675, %parallel_loop3A_760 : vector<16xf32>
        %parallel_loop3A_763 = arith.subf %get3A_25, %parallel_loop3A_762 : vector<16xf32>
        %parallel_loop3A_764 = arith.addf %parallel_loop3A_761, %parallel_loop3A_763 : vector<16xf32>
        %parallel_loop3A_765 = arith.index_cast %parallel_loop3A_594 : i32 to index
        %parallel_loop3A_766 = arith.constant 48 : index
        %parallel_loop3A_767 = tpu.vector_load %arg13[%parallel_loop3A_765, %parallel_loop3A_766] {strides = array<i32>} : memref<256x64xf32, #tpu.memory_space<vmem>>, vector<1x16xf32>,
        %parallel_loop3A_768 = vector.shape_cast %parallel_loop3A_767 : vector<1x16xf32> to vector<16xf32>
        %parallel_loop3A_769 = vector.shape_cast %parallel_loop3A_764 : vector<16xf32> to vector<1x16xf32>
        tpu.vector_store %arg13[%parallel_loop3A_765, %parallel_loop3A_766], %parallel_loop3A_769 {strides = array<i32>} : memref<256x64xf32, #tpu.memory_space<vmem>>, vector<1x16xf32>,
      } {sc.loop_unroll_factor = 4 : i64, sc.parallel_access}
      %add3A_536 = arith.constant 1 : i32
      %add3A_537 = arith.addi %add3A_210, %add3A_536 : i32
      %mul3A_538 = arith.constant 256 : i32
      %mul3A_539 = arith.muli %add3A_537, %mul3A_538 : i32
      %add3A_540 = arith.constant 0 : i32
      %add3A_541 = arith.addi %mul3A_539, %add3A_540 : i32
      %dma_start3A_542 = arith.constant 0 : i32
      %dma_start3A_543 = arith.constant 0 : i32
      %dma_start3A_544 = tpu.memref_slice %arg13[%dma_start3A_542, %dma_start3A_543] : memref<256x64xf32, #tpu.memory_space<vmem>> -> memref<64x64xf32, #tpu.memory_space<vmem>>
      %dma_start3A_545 = arith.constant 0 : i32
      %dma_start3A_546 = tpu.memref_slice %arg7[%add3A_541, %dma_start3A_545] : memref<819200x128xf32, #tpu.memory_space<hbm>> -> memref<64x64xf32, #tpu.memory_space<hbm>>
      %dma_start3A_547 = arith.constant 0 : i32
      %dma_start3A_548 = tpu.memref_slice %arg7[%add3A_541, %dma_start3A_547] : memref<819200x128xf32, #tpu.memory_space<hbm>> -> memref<64x64xf32, #tpu.memory_space<hbm>>
      %dma_start3A_549 = arith.constant 0 : i32
      %dma_start3A_550 = arith.constant 0 : i32
      %dma_start3A_551 = tpu.memref_slice %arg13[%dma_start3A_549, %dma_start3A_550] : memref<256x64xf32, #tpu.memory_space<vmem>> -> memref<64x64xf32, #tpu.memory_space<vmem>>
      tpu.enqueue_dma source(%dma_start3A_551 : memref<64x64xf32, #tpu.memory_space<vmem>>) target(%dma_start3A_548 : memref<64x64xf32, #tpu.memory_space<hbm>>) target_semaphore(%arg20 : memref<!tpu.dma_semaphore, #tpu.memory_space<semaphore_mem>>)
      %mul3A_552 = arith.constant 256 : i32
      %mul3A_553 = arith.muli %add3A_537, %mul3A_552 : i32
      %add3A_554 = arith.constant 64 : i32
      %add3A_555 = arith.addi %mul3A_553, %add3A_554 : i32
      %dma_start3A_556 = arith.constant 64 : i32
      %dma_start3A_557 = arith.constant 0 : i32
      %dma_start3A_558 = tpu.memref_slice %arg13[%dma_start3A_556, %dma_start3A_557] : memref<256x64xf32, #tpu.memory_space<vmem>> -> memref<64x64xf32, #tpu.memory_space<vmem>>
      %dma_start3A_559 = arith.constant 0 : i32
      %dma_start3A_560 = tpu.memref_slice %arg7[%add3A_555, %dma_start3A_559] : memref<819200x128xf32, #tpu.memory_space<hbm>> -> memref<64x64xf32, #tpu.memory_space<hbm>>
      %dma_start3A_561 = arith.constant 0 : i32
      %dma_start3A_562 = tpu.memref_slice %arg7[%add3A_555, %dma_start3A_561] : memref<819200x128xf32, #tpu.memory_space<hbm>> -> memref<64x64xf32, #tpu.memory_space<hbm>>
      %dma_start3A_563 = arith.constant 64 : i32
      %dma_start3A_564 = arith.constant 0 : i32
      %dma_start3A_565 = tpu.memref_slice %arg13[%dma_start3A_563, %dma_start3A_564] : memref<256x64xf32, #tpu.memory_space<vmem>> -> memref<64x64xf32, #tpu.memory_space<vmem>>
      tpu.enqueue_dma source(%dma_start3A_565 : memref<64x64xf32, #tpu.memory_space<vmem>>) target(%dma_start3A_562 : memref<64x64xf32, #tpu.memory_space<hbm>>) target_semaphore(%arg20 : memref<!tpu.dma_semaphore, #tpu.memory_space<semaphore_mem>>)
      %mul3A_566 = arith.constant 256 : i32
      %mul3A_567 = arith.muli %add3A_537, %mul3A_566 : i32
      %add3A_568 = arith.constant 128 : i32
      %add3A_569 = arith.addi %mul3A_567, %add3A_568 : i32
      %dma_start3A_570 = arith.constant 128 : i32
      %dma_start3A_571 = arith.constant 0 : i32
      %dma_start3A_572 = tpu.memref_slice %arg13[%dma_start3A_570, %dma_start3A_571] : memref<256x64xf32, #tpu.memory_space<vmem>> -> memref<64x64xf32, #tpu.memory_space<vmem>>
      %dma_start3A_573 = arith.constant 0 : i32
      %dma_start3A_574 = tpu.memref_slice %arg7[%add3A_569, %dma_start3A_573] : memref<819200x128xf32, #tpu.memory_space<hbm>> -> memref<64x64xf32, #tpu.memory_space<hbm>>
      %dma_start3A_575 = arith.constant 0 : i32
      %dma_start3A_576 = tpu.memref_slice %arg7[%add3A_569, %dma_start3A_575] : memref<819200x128xf32, #tpu.memory_space<hbm>> -> memref<64x64xf32, #tpu.memory_space<hbm>>
      %dma_start3A_577 = arith.constant 128 : i32
      %dma_start3A_578 = arith.constant 0 : i32
      %dma_start3A_579 = tpu.memref_slice %arg13[%dma_start3A_577, %dma_start3A_578] : memref<256x64xf32, #tpu.memory_space<vmem>> -> memref<64x64xf32, #tpu.memory_space<vmem>>
      tpu.enqueue_dma source(%dma_start3A_579 : memref<64x64xf32, #tpu.memory_space<vmem>>) target(%dma_start3A_576 : memref<64x64xf32, #tpu.memory_space<hbm>>) target_semaphore(%arg20 : memref<!tpu.dma_semaphore, #tpu.memory_space<semaphore_mem>>)
      %mul3A_580 = arith.constant 256 : i32
      %mul3A_581 = arith.muli %add3A_537, %mul3A_580 : i32
      %add3A_582 = arith.constant 192 : i32
      %add3A_583 = arith.addi %mul3A_581, %add3A_582 : i32
      %dma_start3A_584 = arith.constant 192 : i32
      %dma_start3A_585 = arith.constant 0 : i32
      %dma_start3A_586 = tpu.memref_slice %arg13[%dma_start3A_584, %dma_start3A_585] : memref<256x64xf32, #tpu.memory_space<vmem>> -> memref<64x64xf32, #tpu.memory_space<vmem>>
      %dma_start3A_587 = arith.constant 0 : i32
      %dma_start3A_588 = tpu.memref_slice %arg7[%add3A_583, %dma_start3A_587] : memref<819200x128xf32, #tpu.memory_space<hbm>> -> memref<64x64xf32, #tpu.memory_space<hbm>>
      %dma_start3A_589 = arith.constant 0 : i32
      %dma_start3A_590 = tpu.memref_slice %arg7[%add3A_583, %dma_start3A_589] : memref<819200x128xf32, #tpu.memory_space<hbm>> -> memref<64x64xf32, #tpu.memory_space<hbm>>
      %dma_start3A_591 = arith.constant 192 : i32
      %dma_start3A_592 = arith.constant 0 : i32
      %dma_start3A_593 = tpu.memref_slice %arg13[%dma_start3A_591, %dma_start3A_592] : memref<256x64xf32, #tpu.memory_space<vmem>> -> memref<64x64xf32, #tpu.memory_space<vmem>>
      tpu.enqueue_dma source(%dma_start3A_593 : memref<64x64xf32, #tpu.memory_space<vmem>>) target(%dma_start3A_590 : memref<64x64xf32, #tpu.memory_space<hbm>>) target_semaphore(%arg20 : memref<!tpu.dma_semaphore, #tpu.memory_space<semaphore_mem>>)
    }
    %scan3A_111 = arith.constant 50 : i32
    %dma_wait3A = arith.constant 0 : i32
    %dma_wait3A_112 = arith.constant 0 : i32
    %dma_wait3A_113 = tpu.memref_slice %arg12[%dma_wait3A, %dma_wait3A_112] : memref<256x64xf32, #tpu.memory_space<vmem>> -> memref<64x64xf32, #tpu.memory_space<vmem>>
    %dma_wait3A_114 = arith.constant 0 : i32
    %dma_wait3A_115 = arith.constant 0 : i32
    %dma_wait3A_116 = tpu.memref_slice %arg7[%dma_wait3A_114, %dma_wait3A_115] : memref<819200x128xf32, #tpu.memory_space<hbm>> -> memref<64x64xf32, #tpu.memory_space<hbm>>
    %dma_wait3A_117 = arith.constant 0 : i32
    %dma_wait3A_118 = arith.constant 0 : i32
    %dma_wait3A_119 = tpu.memref_slice %arg7[%dma_wait3A_117, %dma_wait3A_118] : memref<819200x128xf32, #tpu.memory_space<hbm>> -> memref<64x64xf32, #tpu.memory_space<hbm>>
    %dma_wait3A_120 = arith.constant 0 : i32
    %dma_wait3A_121 = arith.constant 0 : i32
    %dma_wait3A_122 = tpu.memref_slice %arg12[%dma_wait3A_120, %dma_wait3A_121] : memref<256x64xf32, #tpu.memory_space<vmem>> -> memref<64x64xf32, #tpu.memory_space<vmem>>
    tpu.wait_dma2 semaphore(%arg19 : memref<!tpu.dma_semaphore, #tpu.memory_space<semaphore_mem>>) src(%dma_wait3A_122 : memref<64x64xf32, #tpu.memory_space<vmem>>) dst(%dma_wait3A_119 : memref<64x64xf32, #tpu.memory_space<hbm>>)
    %dma_wait3A_123 = arith.constant 64 : i32
    %dma_wait3A_124 = arith.constant 0 : i32
    %dma_wait3A_125 = tpu.memref_slice %arg12[%dma_wait3A_123, %dma_wait3A_124] : memref<256x64xf32, #tpu.memory_space<vmem>> -> memref<64x64xf32, #tpu.memory_space<vmem>>
    %dma_wait3A_126 = arith.constant 64 : i32
    %dma_wait3A_127 = arith.constant 0 : i32
    %dma_wait3A_128 = tpu.memref_slice %arg7[%dma_wait3A_126, %dma_wait3A_127] : memref<819200x128xf32, #tpu.memory_space<hbm>> -> memref<64x64xf32, #tpu.memory_space<hbm>>
    %dma_wait3A_129 = arith.constant 64 : i32
    %dma_wait3A_130 = arith.constant 0 : i32
    %dma_wait3A_131 = tpu.memref_slice %arg7[%dma_wait3A_129, %dma_wait3A_130] : memref<819200x128xf32, #tpu.memory_space<hbm>> -> memref<64x64xf32, #tpu.memory_space<hbm>>
    %dma_wait3A_132 = arith.constant 64 : i32
    %dma_wait3A_133 = arith.constant 0 : i32
    %dma_wait3A_134 = tpu.memref_slice %arg12[%dma_wait3A_132, %dma_wait3A_133] : memref<256x64xf32, #tpu.memory_space<vmem>> -> memref<64x64xf32, #tpu.memory_space<vmem>>
    tpu.wait_dma2 semaphore(%arg19 : memref<!tpu.dma_semaphore, #tpu.memory_space<semaphore_mem>>) src(%dma_wait3A_134 : memref<64x64xf32, #tpu.memory_space<vmem>>) dst(%dma_wait3A_131 : memref<64x64xf32, #tpu.memory_space<hbm>>)
    %dma_wait3A_135 = arith.constant 128 : i32
    %dma_wait3A_136 = arith.constant 0 : i32
    %dma_wait3A_137 = tpu.memref_slice %arg12[%dma_wait3A_135, %dma_wait3A_136] : memref<256x64xf32, #tpu.memory_space<vmem>> -> memref<64x64xf32, #tpu.memory_space<vmem>>
    %dma_wait3A_138 = arith.constant 128 : i32
    %dma_wait3A_139 = arith.constant 0 : i32
    %dma_wait3A_140 = tpu.memref_slice %arg7[%dma_wait3A_138, %dma_wait3A_139] : memref<819200x128xf32, #tpu.memory_space<hbm>> -> memref<64x64xf32, #tpu.memory_space<hbm>>
    %dma_wait3A_141 = arith.constant 128 : i32
    %dma_wait3A_142 = arith.constant 0 : i32
    %dma_wait3A_143 = tpu.memref_slice %arg7[%dma_wait3A_141, %dma_wait3A_142] : memref<819200x128xf32, #tpu.memory_space<hbm>> -> memref<64x64xf32, #tpu.memory_space<hbm>>
    %dma_wait3A_144 = arith.constant 128 : i32
    %dma_wait3A_145 = arith.constant 0 : i32
    %dma_wait3A_146 = tpu.memref_slice %arg12[%dma_wait3A_144, %dma_wait3A_145] : memref<256x64xf32, #tpu.memory_space<vmem>> -> memref<64x64xf32, #tpu.memory_space<vmem>>
    tpu.wait_dma2 semaphore(%arg19 : memref<!tpu.dma_semaphore, #tpu.memory_space<semaphore_mem>>) src(%dma_wait3A_146 : memref<64x64xf32, #tpu.memory_space<vmem>>) dst(%dma_wait3A_143 : memref<64x64xf32, #tpu.memory_space<hbm>>)
    %dma_wait3A_147 = arith.constant 192 : i32
    %dma_wait3A_148 = arith.constant 0 : i32
    %dma_wait3A_149 = tpu.memref_slice %arg12[%dma_wait3A_147, %dma_wait3A_148] : memref<256x64xf32, #tpu.memory_space<vmem>> -> memref<64x64xf32, #tpu.memory_space<vmem>>
    %dma_wait3A_150 = arith.constant 192 : i32
    %dma_wait3A_151 = arith.constant 0 : i32
    %dma_wait3A_152 = tpu.memref_slice %arg7[%dma_wait3A_150, %dma_wait3A_151] : memref<819200x128xf32, #tpu.memory_space<hbm>> -> memref<64x64xf32, #tpu.memory_space<hbm>>
    %dma_wait3A_153 = arith.constant 192 : i32
    %dma_wait3A_154 = arith.constant 0 : i32
    %dma_wait3A_155 = tpu.memref_slice %arg7[%dma_wait3A_153, %dma_wait3A_154] : memref<819200x128xf32, #tpu.memory_space<hbm>> -> memref<64x64xf32, #tpu.memory_space<hbm>>
    %dma_wait3A_156 = arith.constant 192 : i32
    %dma_wait3A_157 = arith.constant 0 : i32
    %dma_wait3A_158 = tpu.memref_slice %arg12[%dma_wait3A_156, %dma_wait3A_157] : memref<256x64xf32, #tpu.memory_space<vmem>> -> memref<64x64xf32, #tpu.memory_space<vmem>>
    tpu.wait_dma2 semaphore(%arg19 : memref<!tpu.dma_semaphore, #tpu.memory_space<semaphore_mem>>) src(%dma_wait3A_158 : memref<64x64xf32, #tpu.memory_space<vmem>>) dst(%dma_wait3A_155 : memref<64x64xf32, #tpu.memory_space<hbm>>)
    %dma_wait3A_159 = arith.constant 0 : i32
    %dma_wait3A_160 = arith.constant 0 : i32
    %dma_wait3A_161 = tpu.memref_slice %arg13[%dma_wait3A_159, %dma_wait3A_160] : memref<256x64xf32, #tpu.memory_space<vmem>> -> memref<64x64xf32, #tpu.memory_space<vmem>>
    %dma_wait3A_162 = arith.constant 0 : i32
    %dma_wait3A_163 = arith.constant 0 : i32
    %dma_wait3A_164 = tpu.memref_slice %arg7[%dma_wait3A_162, %dma_wait3A_163] : memref<819200x128xf32, #tpu.memory_space<hbm>> -> memref<64x64xf32, #tpu.memory_space<hbm>>
    %dma_wait3A_165 = arith.constant 0 : i32
    %dma_wait3A_166 = arith.constant 0 : i32
    %dma_wait3A_167 = tpu.memref_slice %arg7[%dma_wait3A_165, %dma_wait3A_166] : memref<819200x128xf32, #tpu.memory_space<hbm>> -> memref<64x64xf32, #tpu.memory_space<hbm>>
    %dma_wait3A_168 = arith.constant 0 : i32
    %dma_wait3A_169 = arith.constant 0 : i32
    %dma_wait3A_170 = tpu.memref_slice %arg13[%dma_wait3A_168, %dma_wait3A_169] : memref<256x64xf32, #tpu.memory_space<vmem>> -> memref<64x64xf32, #tpu.memory_space<vmem>>
    tpu.wait_dma2 semaphore(%arg20 : memref<!tpu.dma_semaphore, #tpu.memory_space<semaphore_mem>>) src(%dma_wait3A_170 : memref<64x64xf32, #tpu.memory_space<vmem>>) dst(%dma_wait3A_167 : memref<64x64xf32, #tpu.memory_space<hbm>>)
    %dma_wait3A_171 = arith.constant 64 : i32
    %dma_wait3A_172 = arith.constant 0 : i32
    %dma_wait3A_173 = tpu.memref_slice %arg13[%dma_wait3A_171, %dma_wait3A_172] : memref<256x64xf32, #tpu.memory_space<vmem>> -> memref<64x64xf32, #tpu.memory_space<vmem>>
    %dma_wait3A_174 = arith.constant 64 : i32
    %dma_wait3A_175 = arith.constant 0 : i32
    %dma_wait3A_176 = tpu.memref_slice %arg7[%dma_wait3A_174, %dma_wait3A_175] : memref<819200x128xf32, #tpu.memory_space<hbm>> -> memref<64x64xf32, #tpu.memory_space<hbm>>
    %dma_wait3A_177 = arith.constant 64 : i32
    %dma_wait3A_178 = arith.constant 0 : i32
    %dma_wait3A_179 = tpu.memref_slice %arg7[%dma_wait3A_177, %dma_wait3A_178] : memref<819200x128xf32, #tpu.memory_space<hbm>> -> memref<64x64xf32, #tpu.memory_space<hbm>>
    %dma_wait3A_180 = arith.constant 64 : i32
    %dma_wait3A_181 = arith.constant 0 : i32
    %dma_wait3A_182 = tpu.memref_slice %arg13[%dma_wait3A_180, %dma_wait3A_181] : memref<256x64xf32, #tpu.memory_space<vmem>> -> memref<64x64xf32, #tpu.memory_space<vmem>>
    tpu.wait_dma2 semaphore(%arg20 : memref<!tpu.dma_semaphore, #tpu.memory_space<semaphore_mem>>) src(%dma_wait3A_182 : memref<64x64xf32, #tpu.memory_space<vmem>>) dst(%dma_wait3A_179 : memref<64x64xf32, #tpu.memory_space<hbm>>)
    %dma_wait3A_183 = arith.constant 128 : i32
    %dma_wait3A_184 = arith.constant 0 : i32
    %dma_wait3A_185 = tpu.memref_slice %arg13[%dma_wait3A_183, %dma_wait3A_184] : memref<256x64xf32, #tpu.memory_space<vmem>> -> memref<64x64xf32, #tpu.memory_space<vmem>>
    %dma_wait3A_186 = arith.constant 128 : i32
    %dma_wait3A_187 = arith.constant 0 : i32
    %dma_wait3A_188 = tpu.memref_slice %arg7[%dma_wait3A_186, %dma_wait3A_187] : memref<819200x128xf32, #tpu.memory_space<hbm>> -> memref<64x64xf32, #tpu.memory_space<hbm>>
    %dma_wait3A_189 = arith.constant 128 : i32
    %dma_wait3A_190 = arith.constant 0 : i32
    %dma_wait3A_191 = tpu.memref_slice %arg7[%dma_wait3A_189, %dma_wait3A_190] : memref<819200x128xf32, #tpu.memory_space<hbm>> -> memref<64x64xf32, #tpu.memory_space<hbm>>
    %dma_wait3A_192 = arith.constant 128 : i32
    %dma_wait3A_193 = arith.constant 0 : i32
    %dma_wait3A_194 = tpu.memref_slice %arg13[%dma_wait3A_192, %dma_wait3A_193] : memref<256x64xf32, #tpu.memory_space<vmem>> -> memref<64x64xf32, #tpu.memory_space<vmem>>
    tpu.wait_dma2 semaphore(%arg20 : memref<!tpu.dma_semaphore, #tpu.memory_space<semaphore_mem>>) src(%dma_wait3A_194 : memref<64x64xf32, #tpu.memory_space<vmem>>) dst(%dma_wait3A_191 : memref<64x64xf32, #tpu.memory_space<hbm>>)
    %dma_wait3A_195 = arith.constant 192 : i32
    %dma_wait3A_196 = arith.constant 0 : i32
    %dma_wait3A_197 = tpu.memref_slice %arg13[%dma_wait3A_195, %dma_wait3A_196] : memref<256x64xf32, #tpu.memory_space<vmem>> -> memref<64x64xf32, #tpu.memory_space<vmem>>
    %dma_wait3A_198 = arith.constant 192 : i32
    %dma_wait3A_199 = arith.constant 0 : i32
    %dma_wait3A_200 = tpu.memref_slice %arg7[%dma_wait3A_198, %dma_wait3A_199] : memref<819200x128xf32, #tpu.memory_space<hbm>> -> memref<64x64xf32, #tpu.memory_space<hbm>>
    %dma_wait3A_201 = arith.constant 192 : i32
    %dma_wait3A_202 = arith.constant 0 : i32
    %dma_wait3A_203 = tpu.memref_slice %arg7[%dma_wait3A_201, %dma_wait3A_202] : memref<819200x128xf32, #tpu.memory_space<hbm>> -> memref<64x64xf32, #tpu.memory_space<hbm>>
    %dma_wait3A_204 = arith.constant 192 : i32
    %dma_wait3A_205 = arith.constant 0 : i32
    %dma_wait3A_206 = tpu.memref_slice %arg13[%dma_wait3A_204, %dma_wait3A_205] : memref<256x64xf32, #tpu.memory_space<vmem>> -> memref<64x64xf32, #tpu.memory_space<vmem>>
    tpu.wait_dma2 semaphore(%arg20 : memref<!tpu.dma_semaphore, #tpu.memory_space<semaphore_mem>>) src(%dma_wait3A_206 : memref<64x64xf32, #tpu.memory_space<vmem>>) dst(%dma_wait3A_203 : memref<64x64xf32, #tpu.memory_space<hbm>>)
    return
  }
}

</mosaic_0001>

<sc_bundles>
// kernel: kernel.3.cloned.1.call-start
scs
__scs_entry_jumppad:
0x0: {  	(pc) =	sbr.rel $0x88, $3  }
0x1: {  	(tag) =	ssettag $0x0;
	lr =	simm.s32 $0x1  }
0x2: {  	[smem:$0x3F9D] =	sst lr;
	_ =	strace $0xD0000000  }
0x3: {  	_ = 	snop  }
0x4: {  	_ = 	snop  }
0x5: {  	_ = 	snop  }
0x6: {  	_ = 	snop  }
0x7: {  	_ = 	snop  }
__scs_overlays_trampoline_lowered:
0x8: {  	[smem:$0x3FAC] =	sst s0  }
0x9: {  	[smem:$0x3FAD] =	sst s1  }
0xa: {  	[smem:$0x3FAE] =	sst s2  }
0xb: {  	[smem:$0x3FAF] =	sst s3  }
0xc: {  	[smem:$0x3FB0] =	sst s4  }
0xd: {  	[smem:$0x3FB1] =	sst s5  }
0xe: {  	[smem:$0x3FB2] =	sst s6  }
0xf: {  	[smem:$0x3FB3] =	sst s7  }
0x10: {  	[smem:$0x3FB4] =	sst s8  }
0x11: {  	[smem:$0x3FB5] =	sst s9;
	s0 =	simm.s32 @!p0 $0x0  }
0x12: {  	s1 =	sld [smem:$0x3F9B];
	s0 =	simm.s32 @p0 $0x1  }
0x13: {  	[smem:$0x3FB6] =	sst s0;
	s0 =	simm.s32 @!p1 $0x0  }
0x14: {  	s2 =	sld [smem:$0x3F9A];
	s0 =	simm.s32 @p1 $0x1  }
0x15: {  	[smem:$0x3FB7] =	sst s0;
	s0 =	simm.s32 @!p2 $0x0  }
0x16: {  	s3 =	sld [smem:$0x3FDB];
	s0 =	simm.s32 @p2 $0x1  }
0x17: {  	s4 =	simm.s32 $0x1BF5;
	[smem:$0x3FB9] =	sst s0  }
0x18: {  	s0 =	sld [smem:$0x3F9C];
	_ =	swait.ge [sflag:s4], $0x0  }
0x19: {  	s7 =	sld [smem:$0x3F9D]  }
0x1a: {  	s8 =	sadd.s32 $0xFFFFE003, lr  }
0x1b: {  	s9 =	sadd.s32 $0xFFFFFEF7, lr;
	s5 =	simm.s32 $0xFFFFFFFF;
	p2 =	slt.u32 s8, $0xFFFFF086  }
0x1c: {  	p1 =	slt.u32 s9, $0xF7A;
	s5 =	simm.s32 @!p2 $0x0  }
0x1d: {  	s5 =	simm.s32 @p1 $0x1;
	p0 =	seq.s32 s7, s2  }
0x1e: {  	s7 =	smul.u32 @!p0 $0xF7A, s2;
	p2 =	seq.s32 @!p0 s5, $0x0  }
0x1f: {  	s9 =	smul.u32 $0xF7A, s1;
	s8 =	simm.s32 @!p0 $0x1BF5;
	p2 =	por !p2, p0  }
0x20: {  	[sflag:s8] =	ssyncset.s32 @!p0 $0xFFFFF086;
	s6 =	sadd.s32 @!p0 s3, s7;
	s7 =	simm.s32 @!p0 $0x108  }
0x21: {  	s3 =	sadd.s32 s3, s9;
	s6 =	sadd.s32 @!p0 $0x88, s6;
	s7 =	simm.s32 @p2 $0x1082  }
0x22: {  	[simem:s7], [sflag:s8] =	dma.local @!p0 [hbm:s6], $0xF7A  }
0x23: {  	s9 =	sor.u32 $0xD0000000, s2;
	s6 =	simm.s32 $0x108;
	_ =	swait.ge @!p0 [sflag:s8], $0x0  }
0x24: {  	s3 =	sadd.s32 $0x88, s3;
	s6 =	simm.s32 @!p1 $0x1082;
	[sflag:s4] =	ssyncset.s32 $0xFFFFF086  }
0x25: {  	[simem:s6], [sflag:s4] =	dma.local [hbm:s3], $0xF7A  }
0x26: {  	[smem:$0x3F9D] =	sst s1;
	(tag) =	ssettag s2;
	_ =	strace s9  }
0x27: {  	s1 =	sld [smem:$0x3FAD]  }
0x28: {  	s2 =	sld [smem:$0x3FAE]  }
0x29: {  	s4 =	sld [smem:$0x3FB0]  }
0x2a: {  	p0 =	seq.s32 s5, $0x0;
	s5 =	sld [smem:$0x3FB1]  }
0x2b: {  	s6 =	sld [smem:$0x3FB2]  }
0x2c: {  	s7 =	sld [smem:$0x3FB3]  }
0x2d: {  	s3 =	simm.s32 $0x108;
	s8 =	sld [smem:$0x3FB4]  }
0x2e: {  	s3 =	simm.s32 @!p0 $0x1082;
	s9 =	sld [smem:$0x3FB5]  }
0x2f: {  	lr =	sadd.s32 s0, s3;
	s0 =	sld [smem:$0x3FAC]  }
0x30: {  	s3 =	sld [smem:$0x3FAF]  }
0x31: {  	[smem:$0x3FB8] =	sst s10  }
0x32: {  	s10 =	sld [smem:$0x3FB6];
	_ =	sdelay $0x3  }
0x33: {  	p0 =	seq.s32 s10, $0x1;
	s10 =	sld [smem:$0x3FB8];
	_ =	sdelay $0x3  }
0x34: {  	[smem:$0x3FB8] =	sst s10  }
0x35: {  	s10 =	sld [smem:$0x3FB7];
	_ =	sdelay $0x3  }
0x36: {  	p1 =	seq.s32 s10, $0x1;
	s10 =	sld [smem:$0x3FB8];
	_ =	sdelay $0x3  }
0x37: {  	[smem:$0x3FB8] =	sst s10  }
0x38: {  	s10 =	sld [smem:$0x3FB9]  }
0x39: {  	_ = 	snop;
	(pc) =	sbr.ind lr, $3  }
0x3a: {  	_ = 	snop  }
0x3b: {  	_ = 	snop  }
0x3c: {  	p2 =	seq.s32 s10, $0x1;
	s10 =	sld [smem:$0x3FB8]  }
0x3d: {  	_ =	shalt  }
0x3e: {  	_ =	shalt  }
0x3f: {  	_ =	shalt  }
0x40: {  	_ =	shalt  }
0x41: {  	_ =	shalt  }
0x42: {  	_ =	shalt  }
0x43: {  	_ =	shalt  }
0x44: {  	_ =	shalt  }
0x45: {  	_ =	shalt  }
0x46: {  	_ =	shalt  }
0x47: {  	_ =	shalt  }
0x48: {  	_ =	shalt  }
0x49: {  	_ =	shalt  }
0x4a: {  	_ =	shalt  }
0x4b: {  	_ =	shalt  }
0x4c: {  	_ =	shalt  }
0x4d: {  	_ =	shalt  }
0x4e: {  	_ =	shalt  }
0x4f: {  	_ =	shalt  }
0x50: {  	_ =	shalt  }
0x51: {  	_ =	shalt  }
0x52: {  	_ =	shalt  }
0x53: {  	_ =	shalt  }
0x54: {  	_ =	shalt  }
0x55: {  	_ =	shalt  }
0x56: {  	_ =	shalt  }
0x57: {  	_ =	shalt  }
0x58: {  	_ =	shalt  }
0x59: {  	_ =	shalt  }
0x5a: {  	_ =	shalt  }
0x5b: {  	_ =	shalt  }
0x5c: {  	_ =	shalt  }
0x5d: {  	_ =	shalt  }
0x5e: {  	_ =	shalt  }
0x5f: {  	_ =	shalt  }
0x60: {  	_ =	shalt  }
0x61: {  	_ =	shalt  }
0x62: {  	_ =	shalt  }
0x63: {  	_ =	shalt  }
0x64: {  	_ =	shalt  }
0x65: {  	_ =	shalt  }
0x66: {  	_ =	shalt  }
0x67: {  	_ =	shalt  }
0x68: {  	_ =	shalt  }
0x69: {  	_ =	shalt  }
0x6a: {  	_ =	shalt  }
0x6b: {  	_ =	shalt  }
0x6c: {  	_ =	shalt  }
0x6d: {  	_ =	shalt  }
0x6e: {  	_ =	shalt  }
0x6f: {  	_ =	shalt  }
0x70: {  	_ =	shalt  }
0x71: {  	_ =	shalt  }
0x72: {  	_ =	shalt  }
0x73: {  	_ =	shalt  }
0x74: {  	_ =	shalt  }
0x75: {  	_ =	shalt  }
0x76: {  	_ =	shalt  }
0x77: {  	_ =	shalt  }
0x78: {  	_ =	shalt  }
0x79: {  	_ =	shalt  }
0x7a: {  	_ =	shalt  }
0x7b: {  	_ =	shalt  }
0x7c: {  	_ =	shalt  }
0x7d: {  	_ =	shalt  }
0x7e: {  	_ =	shalt  }
0x7f: {  	_ =	shalt  }
0x80: {  	_ =	shalt  }
0x81: {  	_ =	shalt  }
0x82: {  	_ =	shalt  }
0x83: {  	_ =	shalt  }
0x84: {  	_ =	shalt  }
0x85: {  	_ =	shalt  }
0x86: {  	_ =	shalt  }
0x87: {  	_ =	shalt  }
.Lfunc_end0:
.L_simem_size_0:
called_computation.2_lowered:
.L_overlay_start_0:
0x88: {  	s2 =	sld [smem:$0x3FD9]  }
0x89: {  	s3 =	sld [smem:$0x3FFE];
	_ =	sdelay $0x1  }
0x8a: {  	s1 =	srdreg.scid  }
0x8b: {  	s0 =	sand.u32 $0x1, s1  }
0x8c: {  	s17 =	sshll.u32 s0, $0xA;
	s2 =	sadd.s32 s3, s2  }
0x8d: {  	s2 =	sadd.s32 s2, s17  }
0x8e: {  	[smem:$0x3FC4] =	sst s2  }
0x8f: {  	_ = 	snop  }
0x90: {  	s2 =	sld [smem:$0x3FC7]  }
0x91: {  	s18 =	sld [smem:$0x3FC6]  }
0x92: {  	s4 =	sld [smem:$0x3FD0];
	(tm) =	ssettm $0x1  }
0x93: {  	s5 =	sld [smem:$0x3FFB];
	_ =	sdelay $0x3  }
0x94: {  	_ =	strace s5  }
0x95: {  	s5 =	sld [smem:$0x3FFC];
	_ =	sdelay $0x3  }
0x96: {  	_ =	strace s5  }
0x97: {  	s5 =	sld [smem:$0x3FFD];
	_ =	sdelay $0x3  }
0x98: {  	_ =	strace s5  }
0x99: {  	_ =	strace $0x8FFFFFFF  }
0x9a: {  	s19 =	sld [smem:$0x3FDB];
	_ =	sdelay $0x1  }
0x9b: {  	s6 =	simm.s32 $_scs_section_size  }
0x9c: {  	s7 =	simm.s32 $_size__tile_overlayer_lowered;
	s8 =	simm.s32 $_tile_overlayer_lowered  }
0x9d: {  	s22 =	simm.s32 $0x1BFF;
	s21 =	sshll.u32 s8, $0x1;
	s5 =	sadd.s32 s6, s19  }
0x9e: {  	s9 =	simm.s32 $0x0;
	s20 =	sshll.u32 s7, $0x1;
	s7 =	sadd.s32 s21, s5  }
0x9f: {  	[timem:s9], [sflag:s22] =	dma.local [hbm:s7], s20  }
0xa0: {  	_ =	swait.ge [sflag:s22], s20  }
0xa1: {  	s6 =	ssub.s32 $0x0, s20;
	[sflag:s22] =	ssyncset.done $0x0  }
0xa2: {  	[sflag:s22] =	ssyncadd.s32 s6;
	_ =	sdelay $0x1  }
0xa3: {  	s23 =	simm.s32 $0x1B8B  }
0xa4: {  	_ =	swait.ge [sflag:s23], $0x1  }
0xa5: {  	[sflag:s23] =	ssyncset.done $0x0  }
0xa6: {  	s25 =	simm.s32 $0x1B8E;
	s24 =	sld [smem:$0x3FFE];
	[sflag:s23] =	ssyncadd.s32 $0xFFFFFFFF  }
0xa7: {  	s26 =	simm.s32 $execute0_lowered;
	[smem:$0x3FD2] =	sst s25  }
0xa8: {  	s7 =	sshll.u32 s26, $0x1;
	_ =	strace $0x80000049;
	[dreg:$0x1] =	wrdreg $0xFFFFFFFF  }
0xa9: {  	s28 =	simm.s32 $_size_execute0_lowered;
	s5 =	sadd.s32 s5, s7;
	[dreg:$0x0] =	wrdreg $0x0  }
0xaa: {  	s7 =	sshll.u32 s28, $0x1;
	[dreg:$0x2] =	wrdreg s5  }
0xab: {  	[dreg:$0x3] =	wrdreg s7  }
0xac: {  	[dreg:$0x4] =	wrdreg $0xC0  }
0xad: {  	_ =	task [dreg:s9], $0x5FFFF  }
0xae: {  	[dreg:$0x1] =	wrdreg $0xFFFFFFFF  }
0xaf: {  	[dreg:$0x0] =	wrdreg $0x60  }
0xb0: {  	[dreg:$0x2] =	wrdreg s4  }
0xb1: {  	[dreg:$0x3] =	wrdreg s24  }
0xb2: {  	[dreg:$0x4] =	wrdreg s2  }
0xb3: {  	[dreg:$0x5] =	wrdreg s18  }
0xb4: {  	[dreg:$0x6] =	wrdreg $0x9  }
0xb5: {  	_ =	task.clear_ibuf [dreg:s9], $0x7FFFF;
	_ =	strace $0x90000049  }
0xb6: {  	s29 =	simm.s32 $0x9;
	_ =	strace $0x8000004B  }
0xb7: {  	_ =	swait.ge [sflag:s29], $0x1  }
0xb8: {  	[sflag:s29] =	ssyncadd.s32 $0xFFFFFFFF  }
0xb9: {  	_ =	strace $0x9000004B  }
0xba: {  	_ =	sfence  }
0xbb: {  	s30 =	sld [smem:$0x0];
	_ =	sdelay $0x2  }
0xbc: {  	s31 =	sshll.u32 s1, $0xD;
	s1 =	sshrl.u32 s1, $0x2  }
0xbd: {  	s3 =	sand.u32 $0x4000, s31;
	s1 =	sadd.s32 s1, s30  }
0xbe: {  	s0 =	sor.u32 s3, s0;
	s1 =	sshll.u32 s1, $0x11  }
0xbf: {  	s0 =	sor.u32 s1, s0  }
0xc0: {  	s0 =	sadd.s32 $0x8F2B, s0  }
0xc1: {  	[sflag:s0] =	ssyncadd.remote.s32 $0x1  }
0xc2: {  	_ =	sfence.sel $0xFFFF  }
0xc3: {  	[dreg:$0x0] =	wrdreg $0xFFFFFFFF;
	(pc) =	sbr.abs _section_cstart, $3  }
0xc4: {  	[dreg:$0x1] =	wrdreg $0xFFFFFFFF  }
0xc5: {  	_ =	task.clear_ibuf [dreg:s9], $0x2FFFF;
	_ =	strace $0x9FFFFFFF  }
0xc6: {  	(tm) =	ssettm $0x7FFFFFFF  }
0xc7: {  	_ =	shalt  }
tec
execute0_lowered:
.L_overlay_start_1:
0x0: {  	(tag) =	ssettag $0x1  }
0x1: {  	s5 =	rddreg [dreg:$0x0]  }
0x2: {  	s0 =	rddreg [dreg:$0x1]  }
0x3: {  	s1 =	srdreg.scid;
	s6 =	stileid.u32;
	s3 =	simm.s32 $0x0  }
0x4: {  	s19 =	simm.s32 $0x5;
	s22 =	simm.s32 $0x20;
	v0 =	vimm.s32 $0xEFCDAB89;
	s30 =	simm.s32 $0x80  }
0x5: {  	v1 =	vimm.s32 $0x67452301;
	v2 =	vimm.s32 $0xDCFE98BA;
	v3 =	vimm.s32 $0x54761032;
	s21 =	simm.s32 $0x1;
	s28 =	simm.s32 $0x2;
	s1 =	sand.u32 $0x1, s1  }
0x6: {  	v4 =	vimm.s32 $0xBA98FEDC;
	s2 =	sshll.u32 s6, $0x1;
	[smem:$0x7FF] =	sst s3;
	s7 =	sadd.s32 $0xF43C00, s0  }
0x7: {  	v5 =	vimm.s32 $0x32107654;
	s4 =	sadd.s32 $0xF43400, s0;
	s8 =	smul.u32 $0xC8, s6;
	s9 =	sadd.s32 $0x1000, s0  }
0x8: {  	v6 =	vimm.s32 $0xFEDCBA98;
	s11 =	sadd.s32 $0x1400, s0;
	s29 =	smul.u32 $0xC800, s6;
	s12 =	sadd.s32 $0x1800, s0  }
0x9: {  	v7 =	vimm.s32 $0x76543210;
	s13 =	sadd.s32 $0x1C00, s0;
	s14 =	sadd.s32 $0x40, s5;
	v0 =	vunpack.c.l.s4.s8 v0;
	v1 =	vunpack.c.l.s4.s8 v1;
	s26 =	smul.u32 $0x64, s1  }
0xa: {  	v2 =	vunpack.c.l.s4.s8 v2;
	v3 =	vunpack.c.l.s4.s8 v3;
	v4 =	vunpack.c.l.s4.s8 v4;
	s2 =	sor.u32 s1, s2;
	s24 =	ssub.s32 $0x2, s1;
	s1 =	smul.u32 $0x6400, s1  }
0xb: {  	v5 =	vunpack.c.l.s4.s8 v5;
	v6 =	vunpack.c.l.s4.s8 v6;
	v7 =	vunpack.c.l.s4.s8 v7;
	_ =	strace $0x8000004A;
	s23 =	smul.u32 $0x64, s2;
	s25 =	sshrl.u32 s24, $0x1  }
0xc: {  	[dreg:$0x8] =	wrdreg s4;
	s2 =	smul.u32 $0xC80, s2;
	v0 =	vunpack.c.0.s8.s32 v0;
	v1 =	vunpack.c.0.s8.s32 v1;
	v2 =	vunpack.c.0.s8.s32 v2;
	s3 =	ssub.s32 s24, s25  }
0xd: {  	v3 =	vunpack.c.0.s8.s32 v3;
	v4 =	vunpack.c.0.s8.s32 v4;
	v5 =	vunpack.c.0.s8.s32 v5;
	s4 =	sadd.s32 s26, s8;
	s1 =	sadd.s32 s1, s29;
	[dreg:$0x7] =	wrdreg s23  }
0xe: {  	v63 =	vunpack.c.0.s8.s32 v6;
	s25 =	simm.s32 $0x40;
	s2 =	sadd.s32 s5, s2;
	[dreg:$0xb] =	wrdreg s1;
	v0 =	vcombine.low v1, v0  }
0xf: {  	s31 =	sshll.u32 s4, $0x8;
	s3 =	smax.u32 s3, $0x1;
	v2 =	vcombine.low v3, v2;
	v3 =	vcombine.low v5, v4;
	v4 =	vunpack.c.0.s8.s32 v7;
	[dreg:$0x9] =	wrdreg s2  }
0x10: {  	s23 =	simm.s32 $0x100;
	v5 =	vand.u32 $0xF, v63;
	[dreg:$0xa] =	wrdreg s3;
	s0 =	sor.u32 $0x100, s31;
	v6 =	vand.u32 $0xF, v0  }
0x11: {  	s1 =	simm.s32 $0x0;
	s3 =	simm.s32 $0x4;
	[dreg:$0xc] =	wrdreg s0;
	v7 =	vand.u32 $0xF, v2;
	v8 =	vand.u32 $0xF, v3;
	v5 =	vcombine.low v5, v4;
	[tilespmem:$0x1FFF0] =	vst v6  }
.LBB2_1:
0x12: {  	[dreg:$0xd] =	wrdreg s1  }
0x13: {  	s26 =	simm.s32 $0x0;
	s0 =	rddreg [dreg:$0x8];
	s2 =	simm.s32 $0x10200  }
0x14: {  	[tilespmem:s2], [sflag:$0x5] =	stream.linear.gather [hbm4b:s0+s26], $0x3200, $0x38;
	[tilespmem:$0x13480] =	vst v63  }
0x15: {  	_ =	swait.ge [sflag:s19], $0x3200  }
0x16: {  	[sflag:s19] =	ssyncset.done $0x0  }
0x17: {  	[sflag:s19] =	ssyncadd.s32 $0xFFFFCE00  }
0x18: {  	s31 =	simm.s32 $0x13400;
	s29 =	rddreg [dreg:$0x2]  }
0x19: {  	[tilespmem:s31], [sflag:$0x5] =	stream.linear.gather [hbm4b:s29+s26], $0x40, $0x38;
	[tilespmem:$0x13480] =	vst v63  }
0x1a: {  	_ =	swait.ge [sflag:s19], $0x40  }
0x1b: {  	[sflag:s19] =	ssyncset.done $0x0  }
0x1c: {  	[sflag:s19] =	ssyncadd.s32 $0xFFFFFFC0  }
0x1d: {  	s4 =	simm.s32 $0x13440;
	s2 =	rddreg [dreg:$0x3]  }
0x1e: {  	[tilespmem:s4], [sflag:$0x5] =	stream.linear.gather [hbm4b:s2+s26], $0x40, $0x38;
	[tilespmem:$0x13480] =	vst v63  }
0x1f: {  	_ =	swait.ge [sflag:s19], $0x40  }
0x20: {  	[sflag:s19] =	ssyncset.done $0x0  }
0x21: {  	[sflag:s19] =	ssyncadd.s32 $0xFFFFFFC0  }
0x22: {  	v0 =	vld [tilespmem:$0x13400]  }
0x23: {  	v4 =	vld [tilespmem:$0x13410]  }
0x24: {  	v61 =	vld [tilespmem:$0x13420]  }
0x25: {  	v62 =	vld [tilespmem:$0x13430]  }
0x26: {  	v10 =	vld [tilespmem:$0x13440]  }
0x27: {  	v1 =	vld [tilespmem:$0x13460]  }
0x28: {  	s5 =	rddreg [dreg:$0x9];
	v2 =	vld [tilespmem:$0x13470]  }
0x29: {  	[tilespmem:$0x1FF70] =	vst v0;
	v0 =	vld [tilespmem:$0x13450];
	[tilespmem:s26], [sflag:$0x5] =	stream.linear.gather [hbm4b:s5+s26], $0x100, $0x38  }
0x2a: {  	_ =	swait.ge [sflag:s19], $0x100  }
0x2b: {  	[sflag:s19] =	ssyncset.done $0x0  }
0x2c: {  	s6 =	simm.s32 $0x200;
	[sflag:s19] =	ssyncadd.s32 $0xFFFFFF00  }
0x2d: {  	[tilespmem:s6], [sflag:$0x1] =	stream.indirect.gather [hbm4b:s7+s22], $0x40, s26, s22, $0xb8;
	[tilespmem:$0x13480] =	vst v63  }
0x2e: {  	s8 =	simm.s32 $0xA00;
	[tilespmem:$0x1FF80] =	vst v61  }
0x2f: {  	[tilespmem:s8], [sflag:$0x1] =	stream.indirect.gather [hbm4b:s7+s22], $0x40, s22, s22, $0xb8;
	[tilespmem:$0x13480] =	vst v63  }
0x30: {  	s10 =	simm.s32 $0x1200;
	[tilespmem:$0x1FF90] =	vst v62  }
0x31: {  	[tilespmem:s10], [sflag:$0x1] =	stream.indirect.gather [hbm4b:s7+s22], $0x40, s25, s22, $0xb8;
	[tilespmem:$0x13480] =	vst v63  }
0x32: {  	s15 =	simm.s32 $0x60;
	s16 =	simm.s32 $0x1A00;
	[tilespmem:$0x1FFA0] =	vst v4  }
0x33: {  	[tilespmem:s16], [sflag:$0x1] =	stream.indirect.gather [hbm4b:s7+s22], $0x40, s15, s22, $0xb8;
	[tilespmem:$0x13480] =	vst v63  }
0x34: {  	s17 =	simm.s32 $0x2200;
	[tilespmem:$0x1FFB0] =	vst v2  }
0x35: {  	[tilespmem:s17], [sflag:$0x1] =	stream.indirect.gather [hbm4b:s7+s22], $0x40, s30, s22, $0xb8;
	[tilespmem:$0x13480] =	vst v63  }
0x36: {  	s18 =	simm.s32 $0xA0;
	s20 =	simm.s32 $0x2A00;
	s24 =	simm.s32 $0xC0;
	[tilespmem:$0x1FFC0] =	vst v1  }
0x37: {  	[tilespmem:s20], [sflag:$0x1] =	stream.indirect.gather [hbm4b:s7+s22], $0x40, s18, s22, $0xb8;
	[tilespmem:$0x13480] =	vst v63  }
0x38: {  	s29 =	simm.s32 $0xE0;
	s4 =	rddreg [dreg:$0xc];
	[tilespmem:$0x1FFD0] =	vst v10;
	s26 =	simm.s32 $0x3200  }
0x39: {  	[tilespmem:s26], [sflag:$0x1] =	stream.indirect.gather [hbm4b:s7+s22], $0x40, s24, s22, $0xb8;
	[tilespmem:$0x13480] =	vst v63  }
0x3a: {  	s31 =	simm.s32 $0x3A00;
	[tilespmem:$0x1FFE0] =	vst v0;
	s18 =	rddreg [dreg:$0xb];
	s20 =	simm.s32 $0x0  }
0x3b: {  	[tilespmem:s31], [sflag:$0x1] =	stream.indirect.gather [hbm4b:s7+s22], $0x40, s29, s22, $0xb8;
	[tilespmem:$0x13480] =	vst v63  }
.LBB2_2:
0x3c: {  	s1 =	smulhi.u32 $0x51EB851F, s4  }
0x3d: {  	s8 =	smulhi.u32 $0x51EB851F, s18  }
0x3e: {  	s1 =	sshrl.u32 s1, $0x6  }
0x3f: {  	s8 =	sshrl.u32 s8, $0x6;
	s1 =	smul.u32 $0xC8, s1  }
0x40: {  	s8 =	smul.u32 $0xC8, s8  }
0x41: {  	s1 =	ssub.s32 s18, s1  }
0x42: {  	s2 =	ssub.s32 s18, s8;
	[dreg:$0x6] =	wrdreg s1  }
0x43: {  	[dreg:$0x5] =	wrdreg s2  }
0x44: {  	_ =	swait.ge [sflag:s21], $0x800  }
0x45: {  	[sflag:s21] =	ssyncset.done $0x0  }
0x46: {  	[sflag:s21] =	ssyncadd.s32 $0xFFFFF800  }
0x47: {  	_ =	swait.ge [sflag:s21], $0x800  }
0x48: {  	[sflag:s21] =	ssyncset.done $0x0  }
0x49: {  	[sflag:s21] =	ssyncadd.s32 $0xFFFFF800  }
0x4a: {  	_ =	swait.ge [sflag:s21], $0x800  }
0x4b: {  	[sflag:s21] =	ssyncset.done $0x0  }
0x4c: {  	[sflag:s21] =	ssyncadd.s32 $0xFFFFF800  }
0x4d: {  	_ =	swait.ge [sflag:s21], $0x800  }
0x4e: {  	[sflag:s21] =	ssyncset.done $0x0  }
0x4f: {  	[sflag:s21] =	ssyncadd.s32 $0xFFFFF800  }
0x50: {  	_ =	swait.ge [sflag:s21], $0x800  }
0x51: {  	[sflag:s21] =	ssyncset.done $0x0  }
0x52: {  	[sflag:s21] =	ssyncadd.s32 $0xFFFFF800  }
0x53: {  	_ =	swait.ge [sflag:s21], $0x800  }
0x54: {  	[sflag:s21] =	ssyncset.done $0x0  }
0x55: {  	[sflag:s21] =	ssyncadd.s32 $0xFFFFF800  }
0x56: {  	_ =	swait.ge [sflag:s21], $0x800  }
0x57: {  	[sflag:s21] =	ssyncset.done $0x0  }
0x58: {  	s5 =	sshll.u32 s20, $0x1;
	s0 =	rddreg [dreg:$0x7];
	[sflag:s21] =	ssyncadd.s32 $0xFFFFF800  }
0x59: {  	s10 =	sadd.s32 s0, s5;
	_ =	swait.ge [sflag:s21], $0x800  }
0x5a: {  	s8 =	sor.u32 $0x1, s10;
	[sflag:s21] =	ssyncset.done $0x0  }
0x5b: {  	s6 =	sshll.u32 s8, $0x5;
	[sflag:s21] =	ssyncadd.s32 $0xFFFFF800  }
0x5c: {  	s1 =	sand.u32 $0x1FFFFFE0, s6;
	s15 =	rddreg [dreg:$0x0]  }
0x5d: {  	s16 =	simm.s32 $0x0;
	s1 =	sadd.s32 s15, s1  }
0x5e: {  	[tilespmem:s23], [sflag:$0x5] =	stream.linear.gather [hbm4b:s1+s16], $0x100, $0x38;
	[tilespmem:$0x13480] =	vst v63  }
0x5f: {  	_ =	swait.ge [sflag:s19], $0x100  }
0x60: {  	[sflag:s19] =	ssyncset.done $0x0  }
0x61: {  	s17 =	simm.s32 $0x4200;
	[sflag:s19] =	ssyncadd.s32 $0xFFFFFF00  }
0x62: {  	[tilespmem:s17], [sflag:$0x2] =	stream.indirect.gather [hbm4b:s7+s22], $0x40, s23, s22, $0xb8;
	[tilespmem:$0x13480] =	vst v63  }
0x63: {  	s24 =	simm.s32 $0x120;
	s26 =	simm.s32 $0x4A00  }
0x64: {  	[tilespmem:s26], [sflag:$0x2] =	stream.indirect.gather [hbm4b:s7+s22], $0x40, s24, s22, $0xb8;
	[tilespmem:$0x13480] =	vst v63  }
0x65: {  	s29 =	simm.s32 $0x140;
	s31 =	simm.s32 $0x5200  }
0x66: {  	[tilespmem:s31], [sflag:$0x2] =	stream.indirect.gather [hbm4b:s7+s22], $0x40, s29, s22, $0xb8;
	[tilespmem:$0x13480] =	vst v63  }
0x67: {  	s2 =	simm.s32 $0x5A00;
	s1 =	simm.s32 $0x160  }
0x68: {  	[tilespmem:s2], [sflag:$0x2] =	stream.indirect.gather [hbm4b:s7+s22], $0x40, s1, s22, $0xb8;
	[tilespmem:$0x13480] =	vst v63  }
0x69: {  	s5 =	simm.s32 $0x180;
	s6 =	simm.s32 $0x6200  }
0x6a: {  	[tilespmem:s6], [sflag:$0x2] =	stream.indirect.gather [hbm4b:s7+s22], $0x40, s5, s22, $0xb8;
	[tilespmem:$0x13480] =	vst v63  }
0x6b: {  	s15 =	simm.s32 $0x1A0;
	s16 =	simm.s32 $0x6A00  }
0x6c: {  	[tilespmem:s16], [sflag:$0x2] =	stream.indirect.gather [hbm4b:s7+s22], $0x40, s15, s22, $0xb8;
	[tilespmem:$0x13480] =	vst v63  }
0x6d: {  	p0 =	seq.s32 s20, $0x0;
	s17 =	simm.s32 $0x1C0;
	s24 =	simm.s32 $0x7200  }
0x6e: {  	[tilespmem:s24], [sflag:$0x2] =	stream.indirect.gather [hbm4b:s7+s22], $0x40, s17, s22, $0xb8;
	[tilespmem:$0x13480] =	vst v63  }
0x6f: {  	s26 =	simm.s32 $0x1E0;
	s29 =	simm.s32 $0x7A00;
	s1 =	simm.s32 @!p0 $0x3  }
0x70: {  	[tilespmem:s29], [sflag:$0x2] =	stream.indirect.gather [hbm4b:s7+s22], $0x40, s26, s22, $0xb8;
	[tilespmem:$0x13480] =	vst v63  }
0x71: {  	_ =	swait.ge @!p0 [sflag:s1], $0x1000  }
0x72: {  	[sflag:s1] =	ssyncset.done @!p0 $0x0  }
0x73: {  	[sflag:s1] =	ssyncadd.s32 @!p0 $0xFFFFF000  }
0x74: {  	_ =	swait.ge @!p0 [sflag:s1], $0x1000  }
0x75: {  	[sflag:s1] =	ssyncset.done @!p0 $0x0  }
0x76: {  	[sflag:s1] =	ssyncadd.s32 @!p0 $0xFFFFF000  }
0x77: {  	_ =	swait.ge @!p0 [sflag:s1], $0x1000  }
0x78: {  	[sflag:s1] =	ssyncset.done @!p0 $0x0  }
0x79: {  	[sflag:s1] =	ssyncadd.s32 @!p0 $0xFFFFF000  }
0x7a: {  	_ =	swait.ge @!p0 [sflag:s1], $0x1000  }
0x7b: {  	s15 =	rddreg [dreg:$0x5]  }
0x7c: {  	s15 =	sadd.s32 $0xFFFFFFFC, s15  }
0x7d: {  	s16 =	sadd.s32 $0x7, s15  }
0x7e: {  	s17 =	sand.u32 $0xFFF8, s16  }
0x7f: {  	s17 =	sshrl.u32 s17, $0x3  }
0x80: {  	s17 =	smul.u32 $0x147B, s17;
	_ =	sdelay $0x1  }
0x81: {  	[sflag:s1] =	ssyncset.done @!p0 $0x0;
	s17 =	sshrl.u32 s17, $0x11  }
0x82: {  	s31 =	simm.s32 $0x280;
	[sflag:s1] =	ssyncadd.s32 @!p0 $0xFFFFF000;
	s17 =	smul.u32 $0xC8, s17  }
0x83: {  	v12 =	vld [tilespmem:s31+$0x40]  }
0x84: {  	s24 =	sadd.s32 $0x4, s15;
	v13 =	vld [tilespmem:s31+$0x50];
	s16 =	ssub.s32 s16, s17  }
0x85: {  	v14 =	vld [tilespmem:s31+$0x60];
	s26 =	sand.u32 $0xFFF8, s24;
	s16 =	sand.u32 $0xFFFF, s16  }
0x86: {  	s0 =	sadd.s32 $0x5, s15;
	v15 =	vld [tilespmem:s31+$0x70];
	s26 =	sshrl.u32 s26, $0x3;
	s16 =	sshll.u32 s16, $0x6  }
0x87: {  	s29 =	sand.u32 $0xFFF8, s0;
	s26 =	smul.u32 $0x147B, s26;
	v16 =	vld [tilespmem:s16+$0x10200]  }
0x88: {  	s29 =	sshrl.u32 s29, $0x3;
	v17 =	vld [tilespmem:s16+$0x10210]  }
0x89: {  	s29 =	smul.u32 $0x147B, s29;
	s26 =	sshrl.u32 s26, $0x11;
	v18 =	vld [tilespmem:s16+$0x10220]  }
0x8a: {  	s26 =	smul.u32 $0xC8, s26;
	v19 =	vld [tilespmem:s16+$0x10230]  }
0x8b: {  	v31 =	vld [tilespmem:s31+$0xFFFFFF90]  }
0x8c: {  	v32 =	vld [tilespmem:s31+$0xFFFFFFA0];
	s29 =	sshrl.u32 s29, $0x11;
	s24 =	ssub.s32 s24, s26  }
0x8d: {  	v33 =	vld [tilespmem:s31+$0xFFFFFFB0];
	s6 =	smul.u32 $0xC8, s29;
	s24 =	sand.u32 $0xFFFF, s24  }
0x8e: {  	s15 =	sadd.s32 $0x6, s15;
	v35 =	vld [tilespmem:s31+$0xFFFFFFC0];
	s24 =	sshll.u32 s24, $0x6;
	v22 =	vadd.f32 v16, v12;
	v21 =	vadd.f32 v17, v13  }
0x8f: {  	s2 =	sand.u32 $0xFFF8, s15;
	s17 =	ssub.s32 s0, s6;
	v24 =	vld [tilespmem:s24+$0x10200];
	v20 =	vadd.f32 v18, v14;
	v23 =	vadd.f32 v19, v15  }
0x90: {  	s5 =	sshrl.u32 s2, $0x3;
	s17 =	sand.u32 $0xFFFF, s17;
	v25 =	vld [tilespmem:s24+$0x10210];
	v12 =	vadd.f32 v21, v22  }
0x91: {  	s17 =	sshll.u32 s17, $0x6;
	s16 =	smul.u32 $0x147B, s5;
	v26 =	vld [tilespmem:s24+$0x10220];
	v14 =	vadd.f32 v23, v20;
	v16 =	vmul.f32 v22, v22;
	v17 =	vmul.f32 v21, v21  }
0x92: {  	v29 =	vld [tilespmem:s17+$0x10230];
	v27 =	vmul.f32 v20, v20;
	v28 =	vmul.f32 v23, v23  }
0x93: {  	s16 =	sshrl.u32 s16, $0x11;
	v13 =	vld [tilespmem:s24+$0x10230];
	v12 =	vadd.f32 v14, v12  }
0x94: {  	s16 =	smul.u32 $0xC8, s16;
	v15 =	vld [tilespmem:s17+$0x10200];
	v14 =	vadd.f32 v17, v16;
	v16 =	vadd.f32 v28, v27  }
0x95: {  	v18 =	vld [tilespmem:s17+$0x10210]  }
0x96: {  	s15 =	ssub.s32 s15, s16;
	v19 =	vld [tilespmem:s17+$0x10220];
	v14 =	vadd.f32 v16, v14;
	v16 =	vperm.xlane v12, v6  }
0x97: {  	v9 =	vadd.f32 v25, v31;
	v25 =	vld [tilespmem:s31+$0xFFFFFFE0];
	s15 =	sand.u32 $0xFFFF, s15  }
0x98: {  	s15 =	sshll.u32 s15, $0x6;
	v17 =	vld [tilespmem:s31+$0xFFFFFF80];
	v12 =	vadd.f32 v12, v16;
	v16 =	vperm.xlane v14, v6  }
0x99: {  	v30 =	vld [tilespmem:s15+$0x10200]  }
0x9a: {  	v36 =	vld [tilespmem:s15+$0x10230];
	v16 =	vadd.f32 v16, v14  }
0x9b: {  	v27 =	vld [tilespmem:s15+$0x10210];
	v34 =	vperm.xlane v12, v7  }
0x9c: {  	v28 =	vld [tilespmem:s15+$0x10220];
	v3 =	vadd.f32 v13, v33;
	v37 =	vperm.xlane v16, v7  }
0x9d: {  	v14 =	vadd.f32 v24, v17;
	v24 =	vld [tilespmem:s31+$0xFFFFFFD0];
	v34 =	vadd.f32 v12, v34  }
0x9e: {  	v41 =	vmul.f32 v9, v9;
	v31 =	vadd.f32 v37, v16;
	v16 =	vadd.f32 v26, v32;
	v26 =	vld [tilespmem:s31+$0xFFFFFFF0];
	[tilespmem:$0x1FEF0] =	vst v3  }
0x9f: {  	v38 =	vmul.f32 v14, v14;
	v17 =	vperm.xlane v34, v8;
	v45 =	vld [tilespmem:s31+$0x0]  }
0xa0: {  	v19 =	vadd.f32 v19, v25;
	v63 =	vadd.f32 v9, v14;
	v39 =	vld [tilespmem:s31+$0x10]  }
0xa1: {  	v38 =	vadd.f32 v41, v38;
	v42 =	vld [tilespmem:s31+$0x20];
	v46 =	vadd.f32 v34, v17;
	v47 =	vperm.xlane v31, v8  }
0xa2: {  	v50 =	vmul.f32 v19, v19;
	v18 =	vadd.f32 v18, v24;
	v25 =	vld [tilespmem:s31+$0x30];
	v40 =	vadd.f32 v3, v16  }
0xa3: {  	v17 =	vadd.f32 v15, v35;
	v48 =	vperm.xlane v46, v5;
	v31 =	vadd.f32 v47, v31  }
0xa4: {  	v43 =	vmul.f32 v16, v16;
	v37 =	vadd.f32 v40, v63;
	v34 =	vadd.f32 v29, v26  }
0xa5: {  	v29 =	vmul.f32 v3, v3;
	v24 =	vadd.f32 v46, v48;
	v12 =	vadd.f32 v30, v45  }
0xa6: {  	v13 =	vmovc v9;
	v26 =	vperm.xlane v31, v5;
	v30 =	vadd.f32 v18, v17;
	v9 =	vadd.f32 v27, v39  }
0xa7: {  	v27 =	vmul.f32 v17, v17;
	v11 =	vadd.f32 v28, v42;
	v3 =	vadd.f32 v36, v25  }
0xa8: {  	v53 =	vperm.xlane v37, v6;
	v24 =	vmul.f32 $1.562500000e-02, v24;
	v26 =	vadd.f32 v26, v31  }
0xa9: {  	v28 =	vadd.f32 v34, v19;
	v51 =	vmul.f32 v34, v34;
	v29 =	vadd.f32 v29, v43  }
0xaa: {  	v49 =	vadd.f32 v9, v12;
	v25 =	vmul.f32 $1.562500000e-02, v26;
	v26 =	vmul.f32 v24, v24  }
0xab: {  	v31 =	vmul.f32 v18, v18;
	v44 =	vadd.f32 v3, v11;
	v37 =	vadd.f32 v37, v53  }
0xac: {  	v52 =	vmul.f32 v11, v11;
	v28 =	vadd.f32 v28, v30;
	v25 =	vsub.f32 v25, v26  }
0xad: {  	v46 =	vmul.f32 v3, v3;
	v29 =	vadd.f32 v29, v38;
	v27 =	vadd.f32 v31, v27  }
0xae: {  	v45 =	vmul.f32 v9, v9;
	v31 =	vadd.f32 v51, v50;
	v25 =	vadd.f32 $9.999999740e-06, v25  }
0xaf: {  	v36 =	vadd.f32 v44, v49;
	v54 =	vadd.f32 v46, v52;
	v56 =	vperm.xlane v29, v6  }
0xb0: {  	v26 =	vmul.f32 v12, v12;
	v30 =	vshrl.u32 v25, $0x1;
	v25 =	vmul.f32 $5.000000000e-01, v25  }
0xb1: {  	v27 =	vadd.f32 v31, v27;
	v31 =	vperm.xlane v28, v6;
	v30 =	vsub.s32 $0x5F3759DF, v30  }
0xb2: {  	v55 =	vperm.xlane v36, v6;
	v29 =	vadd.f32 v56, v29;
	v25 =	vmul.f32 v30, v25  }
0xb3: {  	v57 =	vperm.xlane v37, v7;
	v26 =	vadd.f32 v45, v26;
	v28 =	vadd.f32 v28, v31  }
0xb4: {  	v31 =	vperm.xlane v27, v6;
	v36 =	vadd.f32 v36, v55;
	v25 =	vmul.f32 v30, v25  }
0xb5: {  	v60 =	vperm.xlane v29, v7;
	v26 =	vadd.f32 v54, v26;
	v59 =	vperm.xlane v28, v7  }
0xb6: {  	v27 =	vadd.f32 v31, v27;
	v31 =	vperm.xlane v36, v7;
	v25 =	vsub.f32 $1.500000000e+00, v25  }
0xb7: {  	v29 =	vadd.f32 v60, v29;
	v58 =	vperm.xlane v26, v6;
	v28 =	vadd.f32 v28, v59  }
0xb8: {  	v33 =	vperm.xlane v27, v7;
	v25 =	vmul.f32 v30, v25;
	v30 =	vadd.f32 v37, v57  }
0xb9: {  	v31 =	vadd.f32 v36, v31;
	v47 =	vperm.xlane v29, v8;
	v26 =	vadd.f32 v58, v26  }
0xba: {  	v45 =	vperm.xlane v28, v8;
	v27 =	vadd.f32 v33, v27;
	v44 =	vperm.xlane v30, v8  }
0xbb: {  	v46 =	vperm.xlane v31, v8;
	v29 =	vadd.f32 v47, v29;
	v35 =	vperm.xlane v26, v7  }
0xbc: {  	v28 =	vadd.f32 v28, v45;
	v48 =	vperm.xlane v27, v8;
	v30 =	vadd.f32 v30, v44  }
0xbd: {  	v31 =	vadd.f32 v31, v46;
	v52 =	vperm.xlane v29, v5;
	v26 =	vadd.f32 v35, v26  }
0xbe: {  	v51 =	vperm.xlane v28, v5;
	v49 =	vperm.xlane v30, v5  }
0xbf: {  	v37 =	vadd.f32 v48, v27;
	v27 =	vperm.xlane v31, v5;
	v50 =	vperm.xlane v26, v8  }
0xc0: {  	s17 =	rddreg [dreg:$0x5];
	v29 =	vadd.f32 v52, v29;
	v63 =	vmul.f32 v25, v62;
	v30 =	vadd.f32 v30, v49  }
0xc1: {  	s1 =	sadd.s32 $0x0, s17;
	[tilespmem:$0x1FF30] =	vst v3;
	v3 =	vld [tilespmem:$0x1FF70];
	v53 =	vadd.f32 v28, v51;
	v54 =	vperm.xlane v37, v5;
	v26 =	vadd.f32 v50, v26  }
0xc2: {  	s24 =	sadd.s32 $0x7, s1;
	v31 =	vadd.f32 v31, v27;
	v29 =	vmul.f32 $1.562500000e-02, v29;
	v28 =	vmul.f32 $1.562500000e-02, v30  }
0xc3: {  	s29 =	sand.u32 $0xFFF8, s24;
	v27 =	vmul.f32 $1.562500000e-02, v53;
	v55 =	vadd.f32 v54, v37;
	v30 =	vperm.xlane v26, v5  }
0xc4: {  	s15 =	sshrl.u32 s29, $0x3;
	v37 =	vmul.f32 $1.562500000e-02, v31;
	v31 =	vmul.f32 v28, v28  }
0xc5: {  	s15 =	smul.u32 $0x147B, s15;
	v56 =	vmul.f32 v27, v27;
	v26 =	vadd.f32 v30, v26;
	v30 =	vmul.f32 $1.562500000e-02, v55  }
0xc6: {  	v58 =	vmul.f32 v25, v3;
	v57 =	vmul.f32 v63, v24;
	v29 =	vsub.f32 v29, v31  }
0xc7: {  	s15 =	sshrl.u32 s15, $0x11;
	v26 =	vmul.f32 $1.562500000e-02, v26;
	v31 =	vmul.f32 v37, v37;
	v30 =	vsub.f32 v30, v56  }
0xc8: {  	s31 =	smul.u32 $0xC8, s15;
	v23 =	vmul.f32 v63, v23;
	v39 =	vsub.f32 v2, v57;
	v29 =	vadd.f32 $9.999999740e-06, v29  }
0xc9: {  	[tilespmem:$0x1FF00] =	vst v12;
	v59 =	vmul.f32 v58, v24;
	v26 =	vsub.f32 v26, v31;
	v30 =	vadd.f32 $9.999999740e-06, v30  }
0xca: {  	s17 =	sadd.s32 $0x4, s1;
	s16 =	ssub.s32 s24, s31;
	[tilespmem:$0x1FF10] =	vst v9;
	v31 =	vmul.f32 v25, v4;
	v25 =	vmul.f32 v25, v61;
	v60 =	vshrl.u32 v29, $0x1  }
0xcb: {  	s0 =	sand.u32 $0xFFF8, s17;
	s15 =	simm.s32 $0x380;
	s16 =	sand.u32 $0xFFFF, s16;
	[tilespmem:$0x1FF20] =	vst v11;
	v26 =	vadd.f32 $9.999999740e-06, v26;
	v29 =	vmul.f32 $5.000000000e-01, v29;
	v63 =	vshrl.u32 v30, $0x1  }
0xcc: {  	s26 =	sshrl.u32 s0, $0x3;
	s16 =	sshll.u32 s16, $0x6;
	v48 =	vld [tilespmem:s15+$0x70];
	v30 =	vmul.f32 $5.000000000e-01, v30;
	v40 =	vsub.s32 $0x5F3759DF, v60;
	v41 =	vsub.s32 $0x5F3759DF, v63  }
0xcd: {  	s2 =	smul.u32 $0x147B, s26;
	v63 =	vld [tilespmem:s16+$0x10230];
	v32 =	vshrl.u32 v26, $0x1;
	v26 =	vmul.f32 $5.000000000e-01, v26;
	v29 =	vmul.f32 v40, v29  }
0xce: {  	s5 =	sadd.s32 $0x5, s1;
	v47 =	vmul.f32 v31, v24;
	v30 =	vmul.f32 v41, v30;
	v42 =	vsub.s32 $0x5F3759DF, v32  }
0xcf: {  	s6 =	sand.u32 $0xFFF8, s5;
	s24 =	sshrl.u32 s2, $0x11;
	v33 =	vld [tilespmem:s15+$0x40];
	v26 =	vmul.f32 v42, v26;
	v29 =	vmul.f32 v40, v29  }
0xd0: {  	s29 =	sshrl.u32 s6, $0x3;
	s24 =	smul.u32 $0xC8, s24;
	v35 =	vld [tilespmem:s15+$0x50];
	v9 =	vadd.f32 v39, v23;
	v50 =	vmul.f32 v25, v24;
	v30 =	vmul.f32 v41, v30  }
0xd1: {  	s29 =	smul.u32 $0x147B, s29;
	v21 =	vmul.f32 v31, v21;
	v31 =	vld [tilespmem:s16+$0x10220];
	v26 =	vmul.f32 v42, v26;
	v24 =	vsub.f32 $1.500000000e+00, v29  }
0xd2: {  	s1 =	sadd.s32 $0x6, s1;
	s17 =	ssub.s32 s17, s24;
	v22 =	vmul.f32 v58, v22;
	v60 =	vld [tilespmem:s15+$0x60];
	v30 =	vsub.f32 $1.500000000e+00, v30;
	v39 =	vadd.f32 v63, v48  }
0xd3: {  	s29 =	sshrl.u32 s29, $0x11;
	s24 =	sand.u32 $0xFFF8, s1;
	s17 =	sand.u32 $0xFFFF, s17;
	v49 =	vld [tilespmem:s16+$0x10200];
	v20 =	vmul.f32 v25, v20;
	v26 =	vsub.f32 $1.500000000e+00, v26;
	v24 =	vmul.f32 v40, v24  }
0xd4: {  	s17 =	sshll.u32 s17, $0x6;
	v29 =	vld [tilespmem:s16+$0x10210];
	[tilespmem:$0x1FF40] =	vst v9;
	s16 =	sshrl.u32 s24, $0x3;
	s24 =	smul.u32 $0xC8, s29;
	v23 =	vmul.f32 v41, v30;
	v46 =	vmul.f32 v39, v39  }
0xd5: {  	v38 =	vsub.f32 v0, v47;
	v54 =	vld [tilespmem:s17+$0x10200];
	v36 =	vmul.f32 v42, v26;
	v42 =	vmul.f32 v24, v3  }
0xd6: {  	s16 =	smul.u32 $0x147B, s16;
	v56 =	vld [tilespmem:s17+$0x10210];
	v30 =	vsub.f32 v10, v59;
	s24 =	ssub.s32 s5, s24;
	v51 =	vmul.f32 v24, v4;
	v52 =	vmul.f32 v24, v61  }
0xd7: {  	v25 =	vadd.f32 v31, v60;
	v57 =	vld [tilespmem:s17+$0x10220];
	s24 =	sand.u32 $0xFFFF, s24;
	v53 =	vmul.f32 v24, v62;
	v55 =	vmul.f32 v23, v3  }
0xd8: {  	v11 =	vmovc v0;
	v45 =	vld [tilespmem:s17+$0x10230];
	s16 =	sshrl.u32 s16, $0x11;
	v26 =	vadd.f32 v49, v33;
	v31 =	vmul.f32 v23, v61;
	s31 =	sshll.u32 s24, $0x6;
	v0 =	vadd.f32 v30, v22  }
0xd9: {  	v58 =	vmul.f32 v23, v62;
	s16 =	smul.u32 $0xC8, s16;
	v24 =	vadd.f32 v29, v35;
	v29 =	vmul.f32 v23, v4;
	v59 =	vld [tilespmem:s31+$0x10200]  }
0xda: {  	v40 =	vadd.f32 v39, v25;
	v60 =	vld [tilespmem:s31+$0x10210];
	v35 =	vmul.f32 v25, v25;
	v41 =	vmul.f32 v26, v26;
	[tilespmem:$0x1FF50] =	vst v0  }
0xdb: {  	s1 =	ssub.s32 s1, s16;
	v0 =	vadd.f32 v38, v21;
	v23 =	vadd.f32 v24, v26;
	v33 =	vmul.f32 v24, v24;
	v61 =	vld [tilespmem:s31+$0x10220]  }
0xdc: {  	v22 =	vmul.f32 v42, v28;
	v30 =	vmul.f32 v51, v28;
	s1 =	sand.u32 $0xFFFF, s1;
	v62 =	vld [tilespmem:s31+$0x10230];
	v48 =	vadd.f32 v46, v35  }
0xdd: {  	v43 =	vmul.f32 v52, v28;
	s1 =	sshll.u32 s1, $0x6;
	[tilespmem:$0x1FF60] =	vst v0;
	v0 =	vld [tilespmem:$0x1FEF0];
	v23 =	vadd.f32 v40, v23;
	v41 =	vadd.f32 v33, v41  }
0xde: {  	v44 =	vsub.f32 v1, v50;
	v38 =	vmul.f32 v53, v28;
	v42 =	vmul.f32 v42, v14;
	v35 =	vld [tilespmem:s1+$0x10200]  }
0xdf: {  	v14 =	vmul.f32 v51, v13;
	v63 =	vld [tilespmem:s1+$0x10210];
	v28 =	vadd.f32 v48, v41;
	v12 =	vperm.xlane v23, v6  }
0xe0: {  	v50 =	vadd.f32 v44, v20;
	v51 =	vmul.f32 v52, v16;
	v44 =	vmul.f32 v29, v27;
	v16 =	vld [tilespmem:s15+$0xFFFFFFA0]  }
0xe1: {  	v40 =	vmul.f32 v55, v27;
	v49 =	vld [tilespmem:s15+$0xFFFFFFC0];
	v12 =	vadd.f32 v23, v12;
	v23 =	vperm.xlane v28, v6  }
0xe2: {  	v22 =	vsub.f32 v10, v22;
	v20 =	vld [tilespmem:s15+$0xFFFFFF80];
	v41 =	vmul.f32 v31, v27;
	v48 =	vmul.f32 v58, v27  }
0xe3: {  	v15 =	vld [tilespmem:s15+$0xFFFFFF90];
	v27 =	vmul.f32 v53, v0;
	v47 =	vperm.xlane v12, v7;
	v13 =	vadd.f32 v23, v28  }
0xe4: {  	v21 =	vld [tilespmem:s15+$0xFFFFFFD0];
	v23 =	vsub.f32 v11, v30;
	v28 =	vmul.f32 v55, v17;
	v55 =	vadd.f32 v22, v42  }
0xe5: {  	v17 =	vld [tilespmem:s15+$0xFFFFFFB0];
	v30 =	vmul.f32 v29, v18;
	v29 =	vmul.f32 v31, v19;
	v18 =	vadd.f32 v57, v16  }
0xe6: {  	v33 =	vld [tilespmem:s1+$0x10220];
	v16 =	vadd.f32 v59, v49;
	v12 =	vadd.f32 v12, v47;
	v22 =	vperm.xlane v13, v7  }
0xe7: {  	v31 =	vmul.f32 v58, v34;
	v34 =	vld [tilespmem:s15+$0xFFFFFFF0];
	v53 =	vadd.f32 v23, v14;
	v23 =	vadd.f32 v54, v20  }
0xe8: {  	v20 =	vld [tilespmem:s15+$0xFFFFFFE0];
	v59 =	vmul.f32 v16, v16;
	v13 =	vadd.f32 v22, v13  }
0xe9: {  	v14 =	vld [tilespmem:s1+$0x10230];
	v52 =	vperm.xlane v12, v8;
	v22 =	vadd.f32 v56, v15;
	v54 =	vmul.f32 v23, v23  }
0xea: {  	v19 =	vadd.f32 v45, v17;
	v45 =	vld [tilespmem:s15+$0x0];
	v17 =	vadd.f32 v60, v21;
	v15 =	vperm.xlane v13, v8  }
0xeb: {  	v60 =	vld [tilespmem:s15+$0x30];
	v12 =	vadd.f32 v12, v52;
	v52 =	vadd.f32 v22, v23;
	v32 =	vmul.f32 v22, v22  }
0xec: {  	v42 =	vld [tilespmem:s15+$0x10];
	v56 =	vadd.f32 v19, v18;
	v58 =	vmul.f32 v19, v19;
	v49 =	vadd.f32 v15, v13  }
0xed: {  	v57 =	vld [tilespmem:s15+$0x20];
	v47 =	vperm.xlane v12, v5;
	v15 =	vadd.f32 v61, v20;
	v20 =	vadd.f32 v62, v34  }
0xee: {  	v61 =	vmul.f32 v18, v18;
	v34 =	vadd.f32 v17, v16;
	v32 =	vadd.f32 v32, v54  }
0xef: {  	v52 =	vadd.f32 v56, v52;
	v12 =	vadd.f32 v12, v47;
	v21 =	vperm.xlane v49, v5  }
0xf0: {  	v46 =	vmul.f32 v17, v17;
	v13 =	vadd.f32 v35, v45;
	v14 =	vadd.f32 v14, v60  }
0xf1: {  	v58 =	vadd.f32 v58, v61;
	v45 =	vmul.f32 $1.562500000e-02, v12;
	v47 =	vadd.f32 v21, v49  }
0xf2: {  	v21 =	vadd.f32 v63, v42;
	v12 =	vadd.f32 v33, v57;
	v42 =	vmul.f32 v15, v15  }
0xf3: {  	v33 =	vadd.f32 v20, v15;
	v35 =	vmul.f32 $1.562500000e-02, v47;
	v49 =	vmul.f32 v45, v45  }
0xf4: {  	v61 =	vmul.f32 v13, v13;
	v57 =	vadd.f32 v46, v59;
	v32 =	vadd.f32 v58, v32  }
0xf5: {  	v60 =	vadd.f32 v21, v13;
	v47 =	vmul.f32 v20, v20;
	v35 =	vsub.f32 v35, v49  }
0xf6: {  	v33 =	vadd.f32 v33, v34;
	v34 =	vmul.f32 v21, v21;
	v46 =	vmul.f32 v12, v12  }
0xf7: {  	v58 =	vperm.xlane v32, v6;
	v49 =	vadd.f32 v14, v12;
	v35 =	vadd.f32 $9.999999740e-06, v35  }
0xf8: {  	v42 =	vadd.f32 v47, v42;
	v47 =	vmul.f32 v14, v14;
	v34 =	vadd.f32 v34, v61  }
0xf9: {  	v54 =	vadd.f32 v49, v60;
	v49 =	vshrl.u32 v35, $0x1;
	v35 =	vmul.f32 $5.000000000e-01, v35  }
0xfa: {  	v32 =	vadd.f32 v58, v32;
	v56 =	vadd.f32 v47, v46;
	v60 =	vsub.s32 $0x5F3759DF, v49  }
0xfb: {  	v42 =	vadd.f32 v42, v57;
	v47 =	vperm.xlane v33, v6;
	v35 =	vmul.f32 v60, v35  }
0xfc: {  	v46 =	vperm.xlane v52, v6;
	v34 =	vadd.f32 v56, v34;
	v49 =	vperm.xlane v54, v6  }
0xfd: {  	v0 =	vld [tilespmem:$0x1FFA0];
	v33 =	vadd.f32 v33, v47;
	v61 =	vperm.xlane v42, v6;
	v35 =	vmul.f32 v60, v35  }
0xfe: {  	v4 =	vld [tilespmem:$0x1FF90];
	v52 =	vadd.f32 v52, v46;
	v63 =	vperm.xlane v34, v6;
	v54 =	vadd.f32 v54, v49  }
0xff: {  	v46 =	vperm.xlane v33, v7;
	v42 =	vadd.f32 v61, v42;
	v35 =	vsub.f32 $1.500000000e+00, v35  }
0x100: {  	v62 =	vperm.xlane v52, v7;
	v34 =	vadd.f32 v63, v34;
	v47 =	vperm.xlane v54, v7  }
0x101: {  	v33 =	vadd.f32 v33, v46;
	v46 =	vperm.xlane v42, v7;
	v57 =	vmul.f32 v60, v35  }
0x102: {  	v35 =	vadd.f32 v52, v62;
	v52 =	vadd.f32 v54, v47;
	v54 =	vmul.f32 v36, v0;
	v0 =	vld [tilespmem:$0x1FF00]  }
0x103: {  	v42 =	vadd.f32 v46, v42;
	v47 =	vperm.xlane v34, v7;
	v58 =	vmul.f32 v57, v4;
	v4 =	vld [tilespmem:$0x1FF80]  }
0x104: {  	v49 =	vperm.xlane v32, v7  }
0x105: {  	v60 =	vmul.f32 v36, v3;
	v34 =	vadd.f32 v47, v34;
	v47 =	vperm.xlane v42, v8  }
0x106: {  	v32 =	vadd.f32 v49, v32;
	v49 =	vmul.f32 v58, v45  }
0x107: {  	v39 =	vmul.f32 v58, v39;
	v58 =	vadd.f32 v47, v42;
	v42 =	vmul.f32 v60, v0;
	v0 =	vld [tilespmem:$0x1FF10]  }
0x108: {  	v59 =	vmul.f32 v36, v4;
	v4 =	vld [tilespmem:$0x1FF90];
	_ =	sdelay $0x2  }
0x109: {  	v63 =	vperm.xlane v52, v8  }
0x10a: {  	v61 =	vperm.xlane v35, v8  }
0x10b: {  	v52 =	vadd.f32 v52, v63;
	v63 =	vmul.f32 v36, v4;
	v36 =	vmul.f32 v54, v0;
	v0 =	vld [tilespmem:$0x1FF20]  }
0x10c: {  	v35 =	vadd.f32 v35, v61;
	_ =	sdelay $0x1  }
0x10d: {  	v62 =	vperm.xlane v33, v8;
	v56 =	vsub.f32 v2, v49;
	v49 =	vperm.xlane v35, v5;
	_ =	sdelay $0x1  }
0x10e: {  	v33 =	vadd.f32 v33, v62;
	v62 =	vadd.f32 v35, v49;
	v35 =	vmul.f32 v59, v0;
	v0 =	vld [tilespmem:$0x1FF30];
	_ =	sdelay $0x3  }
0x10f: {  	v46 =	vperm.xlane v32, v8  }
0x110: {  	v9 =	vmov v10;
	v10 =	vsub.f32 v2, v38;
	v38 =	vmul.f32 v63, v0;
	v0 =	vld [tilespmem:$0x1FF40]  }
0x111: {  	v32 =	vadd.f32 v46, v32;
	v46 =	vperm.xlane v34, v8;
	_ =	sdelay $0x1  }
0x112: {  	v61 =	vadd.f32 v46, v34;
	v46 =	vperm.xlane v52, v5  }
0x113: {  	s17 =	simm.s32 $0x8280  }
0x114: {  	v52 =	vadd.f32 v52, v46;
	v46 =	vmul.f32 v63, v37;
	v63 =	vld [tilespmem:$0x1FFA0];
	[tilespmem:s17+$0x70] =	vst v0  }
0x115: {  	v0 =	vld [tilespmem:$0x1FF50];
	_ =	sdelay $0x2  }
0x116: {  	v49 =	vsub.f32 v1, v43  }
0x117: {  	v47 =	vperm.xlane v33, v5;
	v43 =	vsub.f32 v9, v40;
	v40 =	vsub.f32 v11, v44  }
0x118: {  	v44 =	vsub.f32 v1, v41;
	v41 =	vsub.f32 v2, v48;
	v48 =	vmul.f32 $1.562500000e-02, v62;
	v62 =	vld [tilespmem:$0x1FF90];
	[tilespmem:s17+$0x40] =	vst v0  }
0x119: {  	v60 =	vmul.f32 v60, v37;
	v47 =	vadd.f32 v33, v47;
	v33 =	vperm.xlane v32, v5;
	v0 =	vld [tilespmem:$0x1FF60]  }
0x11a: {  	v54 =	vmul.f32 v54, v37;
	v59 =	vmul.f32 v59, v37  }
0x11b: {  	v37 =	vsub.f32 v9, v60;
	v60 =	vadd.f32 v33, v32;
	v32 =	vperm.xlane v58, v5  }
0x11c: {  	v56 =	vadd.f32 v56, v39;
	v39 =	vperm.xlane v61, v5;
	v34 =	vsub.f32 v11, v54  }
0x11d: {  	v47 =	vmul.f32 $1.562500000e-02, v47;
	v54 =	vadd.f32 v32, v58;
	v32 =	vsub.f32 v2, v46  }
0x11e: {  	v46 =	vmul.f32 $1.562500000e-02, v52;
	v52 =	vmul.f32 $1.562500000e-02, v60;
	v58 =	vadd.f32 v39, v61;
	[tilespmem:s17+$0x50] =	vst v0  }
0x11f: {  	v39 =	vmul.f32 v48, v48;
	v60 =	vadd.f32 v49, v51;
	v49 =	vmul.f32 v47, v47;
	v61 =	vld [tilespmem:$0x1FF80]  }
0x120: {  	v33 =	vsub.f32 v1, v59;
	v51 =	vmul.f32 v57, v3;
	[tilespmem:s17+$0x60] =	vst v50;
	v50 =	vmul.f32 $1.562500000e-02, v54  }
0x121: {  	v52 =	vsub.f32 v52, v39;
	v39 =	vmul.f32 v46, v46;
	[tilespmem:s17+$0xFFFFFF80] =	vst v55;
	v55 =	vmul.f32 $1.562500000e-02, v58  }
0x122: {  	s16 =	simm.s32 $0x8380;
	v11 =	vmovc v6;
	v3 =	vmov v7;
	[tilespmem:s17+$0xFFFFFF90] =	vst v53;
	v59 =	vsub.f32 v50, v49;
	v49 =	vmul.f32 v57, v63  }
0x123: {  	v2 =	vmovc v8;
	[tilespmem:s16+$0x70] =	vst v56;
	v54 =	vadd.f32 $9.999999740e-06, v52;
	v53 =	vmul.f32 v51, v45;
	v55 =	vsub.f32 v55, v39  }
0x124: {  	s1 =	simm.s32 $0x4;
	v1 =	vmovc v5;
	[tilespmem:s17+$0xFFFFFFA0] =	vst v60;
	v56 =	vadd.f32 $9.999999740e-06, v59;
	v52 =	vmul.f32 v49, v45;
	v50 =	vmul.f32 v57, v61  }
.LBB2_3:
0x125: {  	_ = 	snop  }
0x126: {  	v26 =	vmul.f32 v51, v26;
	v57 =	vshrl.u32 v54, $0x1  }
0x127: {  	v39 =	vmul.f32 $5.000000000e-01, v54;
	v55 =	vadd.f32 $9.999999740e-06, v55;
	v58 =	vshrl.u32 v56, $0x1  }
0x128: {  	v60 =	vmul.f32 $5.000000000e-01, v56;
	v57 =	vsub.s32 $0x5F3759DF, v57;
	v58 =	vsub.s32 $0x5F3759DF, v58  }
0x129: {  	s24 =	rddreg [dreg:$0x5];
	v59 =	vshrl.u32 v55, $0x1;
	v55 =	vmul.f32 $5.000000000e-01, v55;
	v54 =	vmul.f32 v57, v39  }
0x12a: {  	v24 =	vmul.f32 v49, v24;
	s24 =	sadd.s32 s1, s24;
	v56 =	vmul.f32 v58, v60;
	v59 =	vsub.s32 $0x5F3759DF, v59  }
0x12b: {  	[tilespmem:$0x1FED0] =	vst v12;
	s31 =	sadd.s32 $0x7, s24;
	v55 =	vmul.f32 v59, v55;
	v54 =	vmul.f32 v57, v54  }
0x12c: {  	[tilespmem:$0x1FEC0] =	vst v13;
	v27 =	vadd.f32 v10, v27;
	v28 =	vadd.f32 v43, v28;
	v0 =	vld [tilespmem:$0x1FF70];
	s0 =	sand.u32 $0xFFF8, s31;
	v56 =	vmul.f32 v58, v56  }
0x12d: {  	[tilespmem:$0x1FEE0] =	vst v14;
	v29 =	vadd.f32 v44, v29;
	s0 =	sshrl.u32 s0, $0x3;
	v55 =	vmul.f32 v59, v55;
	v6 =	vsub.f32 $1.500000000e+00, v54  }
0x12e: {  	v13 =	vld [tilespmem:$0x1FFD0];
	v45 =	vmul.f32 v50, v45;
	v25 =	vmul.f32 v50, v25;
	[tilespmem:s17+$0xFFFFFFB0] =	vst v27;
	s0 =	smul.u32 $0x147B, s0;
	v7 =	vsub.f32 $1.500000000e+00, v56  }
0x12f: {  	v14 =	vld [tilespmem:$0x1FFE0];
	s29 =	sadd.s32 $0x4, s24;
	v27 =	vadd.f32 v40, v30;
	[tilespmem:s17+$0xFFFFFFC0] =	vst v28;
	v56 =	vsub.f32 $1.500000000e+00, v55;
	v39 =	vmul.f32 v57, v6  }
0x130: {  	v12 =	vld [tilespmem:$0x1FFC0];
	s15 =	sadd.s32 $0x100, s15;
	v28 =	vadd.f32 v41, v31;
	[tilespmem:s17+$0xFFFFFFE0] =	vst v29;
	v29 =	vadd.f32 v34, v36;
	s2 =	sand.u32 $0xFFF8, s29;
	s0 =	sshrl.u32 s0, $0x11;
	v58 =	vmul.f32 v58, v7  }
0x131: {  	v30 =	vld [tilespmem:s15+$0x40];
	s2 =	sshrl.u32 s2, $0x3;
	[tilespmem:s17+$0xFFFFFFD0] =	vst v27;
	v27 =	vadd.f32 v37, v42;
	s0 =	smul.u32 $0xC8, s0;
	v60 =	vmul.f32 v59, v56;
	v40 =	vmul.f32 v39, v0  }
0x132: {  	s26 =	sadd.s32 $0x5, s24;
	v31 =	vld [tilespmem:s15+$0x50];
	[tilespmem:s17+$0xFFFFFFF0] =	vst v28;
	v28 =	vadd.f32 v33, v35;
	s2 =	smul.u32 $0x147B, s2;
	v44 =	vmul.f32 v39, v63;
	v41 =	vmul.f32 v39, v61  }
0x133: {  	s24 =	sadd.s32 $0x6, s24;
	v34 =	vld [tilespmem:s15+$0x70];
	s5 =	sand.u32 $0xFFF8, s26;
	v53 =	vsub.f32 v13, v53;
	s0 =	ssub.s32 s31, s0;
	v51 =	vmul.f32 v39, v62;
	v42 =	vmul.f32 v58, v0  }
0x134: {  	s6 =	sand.u32 $0xFFF8, s24;
	v37 =	vld [tilespmem:s15+$0x60];
	v52 =	vsub.f32 v14, v52;
	s2 =	sshrl.u32 s2, $0x11;
	s0 =	sand.u32 $0xFFFF, s0;
	v54 =	vmul.f32 v58, v63;
	v36 =	vmul.f32 v58, v61  }
0x135: {  	s5 =	sshrl.u32 s5, $0x3;
	v45 =	vsub.f32 v12, v45;
	s2 =	smul.u32 $0xC8, s2;
	v55 =	vmul.f32 v58, v62;
	v39 =	vld [tilespmem:$0x1FFB0];
	s0 =	sshll.u32 s0, $0x6;
	v35 =	vmul.f32 v60, v0  }
0x136: {  	s6 =	sshrl.u32 s6, $0x3;
	s5 =	smul.u32 $0x147B, s5;
	[tilespmem:s17+$0x0] =	vst v27;
	v27 =	vadd.f32 v32, v38;
	v33 =	vld [tilespmem:s0+$0x10200];
	v56 =	vmul.f32 v60, v63;
	v38 =	vmul.f32 v60, v61  }
0x137: {  	[tilespmem:s17+$0x10] =	vst v29;
	s6 =	smul.u32 $0x147B, s6;
	v26 =	vadd.f32 v53, v26;
	s2 =	ssub.s32 s29, s2;
	v32 =	vld [tilespmem:s0+$0x10210];
	v57 =	vmul.f32 v60, v62;
	v63 =	vmul.f32 v40, v48  }
0x138: {  	[tilespmem:s17+$0x20] =	vst v28;
	s5 =	sshrl.u32 s5, $0x11;
	v24 =	vadd.f32 v52, v24;
	s2 =	sand.u32 $0xFFFF, s2;
	v29 =	vld [tilespmem:s0+$0x10220];
	v6 =	vmul.f32 v44, v48;
	v7 =	vmul.f32 v41, v48  }
0x139: {  	s6 =	sshrl.u32 s6, $0x11;
	v25 =	vadd.f32 v45, v25;
	s5 =	smul.u32 $0xC8, s5;
	[tilespmem:s17+$0x30] =	vst v27;
	s2 =	sshll.u32 s2, $0x6;
	v28 =	vld [tilespmem:s0+$0x10230];
	v48 =	vmul.f32 v51, v48;
	v27 =	vmul.f32 v42, v47  }
0x13a: {  	s6 =	smul.u32 $0xC8, s6;
	v45 =	vld [tilespmem:s2+$0x10200];
	v50 =	vmul.f32 v54, v47;
	v59 =	vmul.f32 v36, v47;
	v52 =	vsub.f32 v13, v63  }
0x13b: {  	s5 =	ssub.s32 s26, s5;
	v53 =	vld [tilespmem:s2+$0x10210];
	v60 =	vmul.f32 v55, v47;
	v58 =	vsub.f32 v14, v6;
	v49 =	vsub.f32 v12, v7  }
0x13c: {  	s6 =	ssub.s32 s24, s6;
	s5 =	sand.u32 $0xFFFF, s5;
	[tilespmem:s16+$0x40] =	vst v26;
	v61 =	vld [tilespmem:s2+$0x10220];
	v23 =	vmul.f32 v40, v23;
	v43 =	vsub.f32 v13, v27;
	v40 =	vsub.f32 v14, v50  }
0x13d: {  	s6 =	sand.u32 $0xFFFF, s6;
	s5 =	sshll.u32 s5, $0x6;
	[tilespmem:s16+$0x50] =	vst v24;
	v4 =	vld [tilespmem:s2+$0x10230];
	v22 =	vmul.f32 v44, v22;
	v26 =	vadd.f32 v33, v30;
	v24 =	vadd.f32 v32, v31  }
0x13e: {  	s31 =	sshll.u32 s6, $0x6;
	[tilespmem:s16+$0x60] =	vst v25;
	v5 =	vld [tilespmem:s5+$0x10200];
	v62 =	vmul.f32 v35, v46;
	v25 =	vadd.f32 v29, v37;
	v47 =	vadd.f32 v28, v34  }
0x13f: {  	v8 =	vld [tilespmem:s31+$0x10210];
	v50 =	vmul.f32 v41, v18;
	v44 =	vsub.f32 v12, v59;
	v28 =	vadd.f32 v24, v26  }
0x140: {  	v7 =	vld [tilespmem:s31+$0x10200];
	v31 =	vadd.f32 v47, v25;
	v32 =	vmul.f32 v26, v26;
	v33 =	vmul.f32 v24, v24  }
0x141: {  	v59 =	vld [tilespmem:s15+$0xFFFFFF80];
	v10 =	vsub.f32 v39, v48;
	v34 =	vmul.f32 v25, v25;
	v37 =	vmul.f32 v47, v47  }
0x142: {  	v48 =	vld [tilespmem:s5+$0x10220];
	v41 =	vsub.f32 v39, v60;
	v30 =	vmul.f32 v38, v46;
	v31 =	vadd.f32 v31, v28  }
0x143: {  	v27 =	vmul.f32 v51, v19;
	v60 =	vld [tilespmem:s15+$0xFFFFFFA0];
	v28 =	vadd.f32 v33, v32;
	v37 =	vadd.f32 v37, v34  }
0x144: {  	v23 =	vadd.f32 v52, v23;
	v29 =	vmul.f32 v57, v46;
	v33 =	vsub.f32 v12, v30;
	v12 =	vld [tilespmem:$0x1FEC0]  }
0x145: {  	v18 =	vadd.f32 v37, v28;
	v19 =	vperm.xlane v31, v11;
	v28 =	vmul.f32 v42, v16;
	v16 =	vld [tilespmem:s15+$0xFFFFFF90]  }
0x146: {  	v63 =	vmul.f32 v56, v46;
	v50 =	vadd.f32 v49, v50;
	v46 =	vld [tilespmem:s5+$0x10210];
	v32 =	vsub.f32 v39, v29  }
0x147: {  	v29 =	vmul.f32 v36, v15;
	v15 =	vld [tilespmem:s15+$0xFFFFFFB0];
	v19 =	vadd.f32 v31, v19;
	v31 =	vperm.xlane v18, v11  }
0x148: {  	v34 =	vsub.f32 v14, v63;
	v30 =	vmul.f32 v54, v17;
	v36 =	vmul.f32 v56, v21;
	v21 =	vld [tilespmem:s15+$0xFFFFFFE0]  }
0x149: {  	v42 =	vmul.f32 v35, v12;
	v12 =	vld [tilespmem:$0x1FED0];
	v17 =	vperm.xlane v19, v3;
	v52 =	vadd.f32 v31, v18  }
0x14a: {  	v31 =	vmul.f32 v55, v20;
	v20 =	vld [tilespmem:s15+$0xFFFFFFC0];
	v18 =	vadd.f32 v58, v22;
	v22 =	vadd.f32 v53, v16  }
0x14b: {  	v37 =	vsub.f32 v13, v62;
	[tilespmem:s16+$0xFFFFFF80] =	vst v23;
	v13 =	vld [tilespmem:s15+$0xFFFFFFD0];
	v17 =	vadd.f32 v19, v17;
	v19 =	vperm.xlane v52, v3  }
0x14c: {  	v23 =	vadd.f32 v45, v59;
	[tilespmem:s16+$0xFFFFFF90] =	vst v18;
	v18 =	vadd.f32 v61, v60;
	v60 =	vld [tilespmem:s15+$0x0];
	v55 =	vmul.f32 v22, v22  }
0x14d: {  	v51 =	vld [tilespmem:s31+$0x10230];
	v14 =	vperm.xlane v17, v2;
	v59 =	vadd.f32 v19, v52;
	v19 =	vadd.f32 v4, v15  }
0x14e: {  	v35 =	vmul.f32 v38, v12;
	v12 =	vld [tilespmem:$0x1FEE0];
	v4 =	vadd.f32 v22, v23;
	v15 =	vadd.f32 v48, v21  }
0x14f: {  	v52 =	vmul.f32 v23, v23;
	v48 =	vld [tilespmem:s15+$0x30];
	v16 =	vadd.f32 v5, v20;
	v14 =	vadd.f32 v17, v14  }
0x150: {  	v5 =	vld [tilespmem:s15+$0x10];
	v20 =	vperm.xlane v59, v2;
	v54 =	vadd.f32 v19, v18;
	v17 =	vadd.f32 v46, v13  }
0x151: {  	v9 =	vld [tilespmem:s31+$0x10220];
	v58 =	vmul.f32 v19, v19;
	v52 =	vadd.f32 v55, v52;
	v13 =	vadd.f32 v7, v60  }
0x152: {  	v6 =	vld [tilespmem:s5+$0x10230];
	v21 =	vperm.xlane v14, v1;
	v56 =	vadd.f32 v20, v59;
	v59 =	vmul.f32 v16, v16  }
0x153: {  	v53 =	vadd.f32 v17, v16;
	v7 =	vmul.f32 v17, v17;
	v38 =	vmul.f32 v57, v12;
	v12 =	vld [tilespmem:s15+$0xFFFFFFF0]  }
0x154: {  	v46 =	vld [tilespmem:s15+$0x20];
	v4 =	vadd.f32 v54, v4;
	v57 =	vmul.f32 v18, v18;
	v45 =	vadd.f32 v14, v21  }
0x155: {  	v60 =	vperm.xlane v56, v1;
	v21 =	vadd.f32 v8, v5;
	v14 =	vadd.f32 v51, v48  }
0x156: {  	v7 =	vadd.f32 v7, v59;
	v55 =	vadd.f32 v58, v57;
	v57 =	vperm.xlane v4, v11  }
0x157: {  	v45 =	vmul.f32 $1.562500000e-02, v45;
	v5 =	vadd.f32 v60, v56;
	v8 =	vadd.f32 v21, v13  }
0x158: {  	v56 =	vmul.f32 v13, v13;
	v60 =	vmul.f32 v21, v21;
	v20 =	vadd.f32 v6, v12  }
0x159: {  	v12 =	vadd.f32 v9, v46;
	v5 =	vmul.f32 $1.562500000e-02, v5;
	v9 =	vmul.f32 v45, v45  }
0x15a: {  	v54 =	vmul.f32 v14, v14;
	v52 =	vadd.f32 v55, v52;
	v4 =	vadd.f32 v4, v57  }
0x15b: {  	v46 =	vmul.f32 v15, v15;
	v6 =	vadd.f32 v20, v15;
	v5 =	vsub.f32 v5, v9  }
0x15c: {  	v58 =	vadd.f32 v60, v56;
	v48 =	vmul.f32 v20, v20;
	v51 =	vadd.f32 v14, v12  }
0x15d: {  	v9 =	vmul.f32 v12, v12;
	v5 =	vadd.f32 $9.999999740e-06, v5;
	v6 =	vadd.f32 v6, v53  }
0x15e: {  	v56 =	vperm.xlane v52, v11;
	v46 =	vadd.f32 v48, v46;
	v8 =	vadd.f32 v51, v8  }
0x15f: {  	v9 =	vadd.f32 v54, v9;
	v59 =	vshrl.u32 v5, $0x1;
	v5 =	vmul.f32 $5.000000000e-01, v5  }
0x160: {  	v7 =	vadd.f32 v46, v7;
	v60 =	vperm.xlane v8, v11;
	v48 =	vsub.s32 $0x5F3759DF, v59  }
0x161: {  	v9 =	vadd.f32 v9, v58;
	v58 =	vperm.xlane v4, v3;
	v5 =	vmul.f32 v48, v5  }
0x162: {  	v52 =	vadd.f32 v56, v52;
	v59 =	vperm.xlane v6, v11;
	v57 =	vperm.xlane v7, v11  }
0x163: {  	v8 =	vadd.f32 v8, v60;
	v4 =	vadd.f32 v4, v58;
	v5 =	vmul.f32 v48, v5  }
0x164: {  	v62 =	vld [tilespmem:$0x1FF90];
	v6 =	vadd.f32 v6, v59;
	v59 =	vperm.xlane v9, v11;
	v7 =	vadd.f32 v57, v7  }
0x165: {  	v56 =	vperm.xlane v8, v3;
	v57 =	vperm.xlane v52, v3;
	v5 =	vsub.f32 $1.500000000e+00, v5  }
0x166: {  	v54 =	vperm.xlane v4, v2;
	v60 =	vperm.xlane v6, v3;
	v9 =	vadd.f32 v59, v9  }
0x167: {  	v63 =	vld [tilespmem:$0x1FFA0];
	v58 =	vperm.xlane v7, v3;
	v8 =	vadd.f32 v8, v56;
	v5 =	vmul.f32 v48, v5  }
0x168: {  	v4 =	vadd.f32 v4, v54;
	v6 =	vadd.f32 v6, v60;
	v59 =	vperm.xlane v9, v3  }
0x169: {  	v7 =	vadd.f32 v58, v7;
	v58 =	vperm.xlane v8, v2;
	v51 =	vmul.f32 v5, v62  }
0x16a: {  	v48 =	vadd.f32 v57, v52;
	v57 =	vperm.xlane v6, v2;
	v9 =	vadd.f32 v59, v9  }
0x16b: {  	v56 =	vperm.xlane v7, v2;
	v8 =	vadd.f32 v8, v58;
	v60 =	vmul.f32 v51, v45  }
0x16c: {  	v49 =	vmul.f32 v5, v63;
	v6 =	vadd.f32 v6, v57;
	v57 =	vperm.xlane v4, v1  }
0x16d: {  	v59 =	vmul.f32 v51, v47;
	v60 =	vsub.f32 v39, v60;
	v39 =	vperm.xlane v48, v2  }
0x16e: {  	v58 =	vperm.xlane v9, v2;
	v7 =	vadd.f32 v56, v7;
	v4 =	vadd.f32 v4, v57  }
0x16f: {  	v46 =	vadd.f32 v60, v59;
	v51 =	vadd.f32 v39, v48;
	v59 =	vperm.xlane v6, v1  }
0x170: {  	v9 =	vadd.f32 v58, v9;
	v56 =	vperm.xlane v7, v1;
	v60 =	vperm.xlane v8, v1  }
0x171: {  	v48 =	vmul.f32 $1.562500000e-02, v4;
	v39 =	vperm.xlane v51, v1;
	v6 =	vadd.f32 v6, v59  }
0x172: {  	v57 =	vperm.xlane v9, v1;
	v58 =	vadd.f32 v56, v7;
	v8 =	vadd.f32 v8, v60  }
0x173: {  	s1 =	sadd.s32 $0x4, s1;
	s17 =	smov.u32 s16;
	v61 =	vld [tilespmem:$0x1FF80];
	s16 =	sadd.s32 $0x100, s16;
	v59 =	vmul.f32 v48, v48;
	v4 =	vadd.f32 v39, v51;
	v47 =	vmul.f32 $1.562500000e-02, v6  }
0x174: {  	p0 =	slt.u32 s1, $0xFC;
	[tilespmem:s16+$0x70] =	vst v46;
	v46 =	vmul.f32 $1.562500000e-02, v8;
	v8 =	vadd.f32 v57, v9;
	v6 =	vmul.f32 $1.562500000e-02, v58  }
.Ltmp0:
0x175: {  	v4 =	vmul.f32 $1.562500000e-02, v4;
	v9 =	vmul.f32 v47, v47;
	(pc) =	sbr.rel @p0 .LBB2_3-.Ltmp0, $4  }
0x176: {  	v60 =	vmul.f32 $1.562500000e-02, v8;
	v8 =	vmul.f32 v46, v46  }
0x177: {  	v51 =	vmul.f32 v5, v0;
	v4 =	vsub.f32 v4, v59;
	v6 =	vsub.f32 v6, v9  }
0x178: {  	[tilespmem:s17+$0xFFFFFFA0] =	vst v50;
	v50 =	vmul.f32 v5, v61;
	v52 =	vmul.f32 v49, v45;
	v55 =	vsub.f32 v60, v8  }
0x179: {  	v53 =	vmul.f32 v51, v45;
	v54 =	vadd.f32 $9.999999740e-06, v4;
	v56 =	vadd.f32 $9.999999740e-06, v6  }
0x17a: {  	v6 =	vadd.f32 $9.999999740e-06, v55  }
0x17b: {  	v45 =	vmul.f32 v50, v45;
	v26 =	vmul.f32 v51, v26;
	v4 =	vshrl.u32 v54, $0x1  }
0x17c: {  	v5 =	vmul.f32 $5.000000000e-01, v54;
	v7 =	vshrl.u32 v56, $0x1;
	v8 =	vmul.f32 $5.000000000e-01, v56  }
0x17d: {  	v4 =	vsub.s32 $0x5F3759DF, v4;
	v9 =	vshrl.u32 v6, $0x1;
	v6 =	vmul.f32 $5.000000000e-01, v6  }
0x17e: {  	v7 =	vsub.s32 $0x5F3759DF, v7;
	v5 =	vmul.f32 v4, v5;
	v9 =	vsub.s32 $0x5F3759DF, v9  }
0x17f: {  	v8 =	vmul.f32 v7, v8;
	v6 =	vmul.f32 v9, v6  }
0x180: {  	v59 =	vadd.f32 v43, v28;
	v60 =	vadd.f32 v40, v30;
	v5 =	vmul.f32 v4, v5  }
0x181: {  	v57 =	vmovc v3;
	v3 =	vld [tilespmem:$0x1FF70];
	v28 =	vadd.f32 v44, v29;
	v8 =	vmul.f32 v7, v8;
	v6 =	vmul.f32 v9, v6  }
0x182: {  	v55 =	vld [tilespmem:$0x1FFE0];
	v24 =	vmul.f32 v49, v24;
	v31 =	vadd.f32 v41, v31;
	v5 =	vsub.f32 $1.500000000e+00, v5  }
0x183: {  	v25 =	vmul.f32 v50, v25;
	v8 =	vsub.f32 $1.500000000e+00, v8;
	v6 =	vsub.f32 $1.500000000e+00, v6  }
0x184: {  	v51 =	vld [tilespmem:$0x1FFC0];
	v49 =	vadd.f32 v34, v36;
	v50 =	vadd.f32 v33, v35;
	v4 =	vmul.f32 v4, v5  }
0x185: {  	v54 =	vld [tilespmem:$0x1FFD0];
	[tilespmem:s17+$0xFFFFFFE0] =	vst v28;
	v28 =	vadd.f32 v32, v38;
	v7 =	vmul.f32 v7, v8;
	v6 =	vmul.f32 v9, v6  }
0x186: {  	[tilespmem:s17+$0xFFFFFFC0] =	vst v59;
	v5 =	vadd.f32 v10, v27;
	v27 =	vmul.f32 v4, v3;
	v29 =	vmul.f32 v4, v63  }
0x187: {  	[tilespmem:s17+$0xFFFFFFD0] =	vst v60;
	v52 =	vsub.f32 v55, v52;
	v30 =	vmul.f32 v4, v61;
	v4 =	vmul.f32 v4, v62  }
0x188: {  	v39 =	vmul.f32 v7, v3;
	[tilespmem:s17+$0xFFFFFFB0] =	vst v5;
	v5 =	vadd.f32 v37, v42;
	v37 =	vmul.f32 v7, v63  }
0x189: {  	[tilespmem:s17+$0xFFFFFFF0] =	vst v31;
	v45 =	vsub.f32 v51, v45;
	v40 =	vmul.f32 v7, v61;
	v7 =	vmul.f32 v7, v62  }
0x18a: {  	[tilespmem:s17+$0x10] =	vst v49;
	v53 =	vsub.f32 v54, v53;
	v34 =	vmul.f32 v6, v3;
	v33 =	vmul.f32 v6, v63  }
0x18b: {  	[tilespmem:s17+$0x20] =	vst v50;
	v60 =	vadd.f32 v45, v25;
	v35 =	vmul.f32 v6, v61;
	v6 =	vmul.f32 v6, v62  }
0x18c: {  	[tilespmem:s17+$0x30] =	vst v28;
	v26 =	vadd.f32 v53, v26;
	v56 =	vmul.f32 v27, v48;
	v31 =	vmul.f32 v29, v48  }
0x18d: {  	v58 =	vmul.f32 v30, v48;
	[tilespmem:s17+$0x0] =	vst v5;
	v5 =	vadd.f32 v52, v24;
	v24 =	vmul.f32 v4, v48  }
0x18e: {  	[tilespmem:s16+$0x60] =	vst v60;
	v59 =	vmul.f32 v39, v47;
	v25 =	vmul.f32 v37, v47  }
0x18f: {  	[tilespmem:s16+$0x40] =	vst v26;
	v45 =	vmul.f32 v40, v47;
	v52 =	vmul.f32 v7, v47  }
0x190: {  	v23 =	vmul.f32 v27, v23;
	v22 =	vmul.f32 v29, v22;
	[tilespmem:s16+$0x50] =	vst v5  }
0x191: {  	v18 =	vmul.f32 v30, v18;
	v4 =	vmul.f32 v4, v19;
	v50 =	vsub.f32 v54, v56;
	v49 =	vld [tilespmem:$0x1FFB0]  }
0x192: {  	v16 =	vmul.f32 v39, v16;
	v17 =	vmul.f32 v37, v17;
	v28 =	vsub.f32 v55, v31  }
0x193: {  	v15 =	vmul.f32 v40, v15;
	v26 =	vsub.f32 v51, v58;
	v9 =	vadd.f32 v50, v23  }
0x194: {  	v7 =	vmul.f32 v7, v20;
	v19 =	vadd.f32 v28, v22;
	v22 =	vsub.f32 v54, v59  }
0x195: {  	v31 =	vmul.f32 v33, v46;
	v58 =	vadd.f32 v26, v18;
	v59 =	vsub.f32 v51, v45;
	[tilespmem:s16+$0xFFFFFF80] =	vst v9  }
0x196: {  	v53 =	vmul.f32 v34, v46;
	[tilespmem:s16+$0xFFFFFF90] =	vst v19;
	v60 =	vadd.f32 v22, v16;
	v56 =	vsub.f32 v49, v24  }
0x197: {  	v36 =	vsub.f32 v55, v31;
	[tilespmem:s16+$0xFFFFFFA0] =	vst v58;
	v8 =	vadd.f32 v59, v15;
	v15 =	vmul.f32 v33, v21  }
0x198: {  	v5 =	vmul.f32 v6, v46;
	v18 =	vsub.f32 v55, v25;
	[tilespmem:s16+$0xFFFFFFC0] =	vst v60;
	v4 =	vadd.f32 v56, v4  }
0x199: {  	v27 =	vmul.f32 v35, v46;
	v16 =	vsub.f32 v49, v52;
	[tilespmem:s16+$0xFFFFFFE0] =	vst v8;
	v37 =	vadd.f32 v36, v15  }
0x19a: {  	v6 =	vmul.f32 v6, v14;
	v5 =	vsub.f32 v49, v5;
	[tilespmem:s16+$0xFFFFFFB0] =	vst v4;
	v4 =	vadd.f32 v18, v17  }
0x19b: {  	v13 =	vmul.f32 v34, v13;
	v7 =	vadd.f32 v16, v7;
	[tilespmem:s16+$0x10] =	vst v37;
	v17 =	vsub.f32 v54, v53  }
0x19c: {  	v12 =	vmul.f32 v35, v12;
	v5 =	vadd.f32 v5, v6;
	[tilespmem:s16+$0xFFFFFFD0] =	vst v4;
	v4 =	vsub.f32 v51, v27  }
0x19d: {  	[tilespmem:s16+$0xFFFFFFF0] =	vst v7;
	v13 =	vadd.f32 v17, v13  }
0x19e: {  	[tilespmem:s16+$0x30] =	vst v5;
	v4 =	vadd.f32 v4, v12  }
0x19f: {  	s0 =	sshll.u32 s10, $0xC;
	[tilespmem:s16+$0x0] =	vst v13  }
0x1a0: {  	s2 =	simm.s32 $0x8200;
	s1 =	sadd.s32 s9, s0;
	[tilespmem:s16+$0x20] =	vst v4  }
0x1a1: {  	[hbm4b:s1+s25] =	stream.strided.scatter [tilespmem:s2], [sflag:$0x3], $0x1000, s30, s25, $0x38;
	[tilespmem:$0x13480] =	vst v63  }
0x1a2: {  	s15 =	sadd.s32 s0, s11;
	s16 =	simm.s32 $0x9200  }
0x1a3: {  	[hbm4b:s15+s25] =	stream.strided.scatter [tilespmem:s16], [sflag:$0x3], $0x1000, s30, s25, $0x38;
	[tilespmem:$0x13480] =	vst v63  }
0x1a4: {  	s24 =	simm.s32 $0xA200;
	s17 =	sadd.s32 s0, s12  }
0x1a5: {  	[hbm4b:s17+s25] =	stream.strided.scatter [tilespmem:s24], [sflag:$0x3], $0x1000, s30, s25, $0x38;
	[tilespmem:$0x13480] =	vst v63  }
0x1a6: {  	s26 =	simm.s32 $0xB200;
	s0 =	sadd.s32 s0, s13  }
0x1a7: {  	[hbm4b:s0+s25] =	stream.strided.scatter [tilespmem:s26], [sflag:$0x3], $0x1000, s30, s25, $0x38;
	[tilespmem:$0x13480] =	vst v63  }
0x1a8: {  	_ =	swait.ge [sflag:s28], $0x800  }
0x1a9: {  	[sflag:s28] =	ssyncset.done $0x0  }
0x1aa: {  	[sflag:s28] =	ssyncadd.s32 $0xFFFFF800  }
0x1ab: {  	_ =	swait.ge [sflag:s28], $0x800  }
0x1ac: {  	[sflag:s28] =	ssyncset.done $0x0  }
0x1ad: {  	[sflag:s28] =	ssyncadd.s32 $0xFFFFF800  }
0x1ae: {  	_ =	swait.ge [sflag:s28], $0x800  }
0x1af: {  	[sflag:s28] =	ssyncset.done $0x0  }
0x1b0: {  	[sflag:s28] =	ssyncadd.s32 $0xFFFFF800  }
0x1b1: {  	_ =	swait.ge [sflag:s28], $0x800  }
0x1b2: {  	[sflag:s28] =	ssyncset.done $0x0  }
0x1b3: {  	[sflag:s28] =	ssyncadd.s32 $0xFFFFF800  }
0x1b4: {  	_ =	swait.ge [sflag:s28], $0x800  }
0x1b5: {  	[sflag:s28] =	ssyncset.done $0x0  }
0x1b6: {  	[sflag:s28] =	ssyncadd.s32 $0xFFFFF800  }
0x1b7: {  	_ =	swait.ge [sflag:s28], $0x800  }
0x1b8: {  	[sflag:s28] =	ssyncset.done $0x0  }
0x1b9: {  	[sflag:s28] =	ssyncadd.s32 $0xFFFFF800  }
0x1ba: {  	_ =	swait.ge [sflag:s28], $0x800  }
0x1bb: {  	[sflag:s28] =	ssyncset.done $0x0  }
0x1bc: {  	[sflag:s28] =	ssyncadd.s32 $0xFFFFF800  }
0x1bd: {  	p0 =	seq.s32 s20, $0x31;
	_ =	swait.ge [sflag:s28], $0x800  }
0x1be: {  	s0 =	sshll.u32 @!p0 s10, $0x5;
	[sflag:s28] =	ssyncset.done $0x0  }
0x1bf: {  	s1 =	simm.s32 @!p0 $0x0;
	s0 =	sadd.s32 @!p0 s0, s14;
	[sflag:s28] =	ssyncadd.s32 $0xFFFFF800  }
0x1c0: {  	[tilespmem:s1], [sflag:$0x5] =	stream.linear.gather @!p0 [hbm4b:s0+s1], $0x100, $0x38;
	[tilespmem:$0x13480] =	vst v63  }
0x1c1: {  	s0 =	simm.s32 @!p0 $0x5  }
0x1c2: {  	_ =	swait.ge @!p0 [sflag:s0], $0x100  }
0x1c3: {  	[sflag:s0] =	ssyncset.done @!p0 $0x0  }
0x1c4: {  	s2 =	simm.s32 @!p0 $0x200;
	[sflag:s0] =	ssyncadd.s32 @!p0 $0xFFFFFF00;
	s0 =	simm.s32 @!p0 $0x20  }
0x1c5: {  	[tilespmem:s2], [sflag:$0x1] =	stream.indirect.gather @!p0 [hbm4b:s7+s0], $0x40, s1, s0, $0xb8;
	[tilespmem:$0x13480] =	vst v63  }
0x1c6: {  	s1 =	simm.s32 @!p0 $0xA00  }
0x1c7: {  	[tilespmem:s1], [sflag:$0x1] =	stream.indirect.gather @!p0 [hbm4b:s7+s0], $0x40, s0, s0, $0xb8;
	[tilespmem:$0x13480] =	vst v63  }
0x1c8: {  	s2 =	simm.s32 @!p0 $0x1200;
	s1 =	simm.s32 @!p0 $0x40  }
0x1c9: {  	[tilespmem:s2], [sflag:$0x1] =	stream.indirect.gather @!p0 [hbm4b:s7+s0], $0x40, s1, s0, $0xb8;
	[tilespmem:$0x13480] =	vst v63  }
0x1ca: {  	s1 =	simm.s32 @!p0 $0x60;
	s2 =	simm.s32 @!p0 $0x1A00  }
0x1cb: {  	[tilespmem:s2], [sflag:$0x1] =	stream.indirect.gather @!p0 [hbm4b:s7+s0], $0x40, s1, s0, $0xb8;
	[tilespmem:$0x13480] =	vst v63  }
0x1cc: {  	s1 =	simm.s32 @!p0 $0x80;
	s2 =	simm.s32 @!p0 $0x2200  }
0x1cd: {  	[tilespmem:s2], [sflag:$0x1] =	stream.indirect.gather @!p0 [hbm4b:s7+s0], $0x40, s1, s0, $0xb8;
	[tilespmem:$0x13480] =	vst v63  }
0x1ce: {  	s1 =	simm.s32 @!p0 $0xA0;
	s2 =	simm.s32 @!p0 $0x2A00  }
0x1cf: {  	[tilespmem:s2], [sflag:$0x1] =	stream.indirect.gather @!p0 [hbm4b:s7+s0], $0x40, s1, s0, $0xb8;
	[tilespmem:$0x13480] =	vst v63  }
0x1d0: {  	s1 =	simm.s32 @!p0 $0xC0;
	s2 =	simm.s32 @!p0 $0x3200  }
0x1d1: {  	[tilespmem:s2], [sflag:$0x1] =	stream.indirect.gather @!p0 [hbm4b:s7+s0], $0x40, s1, s0, $0xb8;
	[tilespmem:$0x13480] =	vst v63  }
0x1d2: {  	p1 =	seq.s32 @!p0 s20, $0x0;
	s1 =	simm.s32 @!p0 $0xE0;
	s2 =	simm.s32 @!p0 $0x3A00  }
0x1d3: {  	[tilespmem:s2], [sflag:$0x1] =	stream.indirect.gather @!p0 [hbm4b:s7+s0], $0x40, s1, s0, $0xb8;
	[tilespmem:$0x13480] =	vst v63  }
0x1d4: {  	p0 =	por p0, !p1  }
0x1d5: {  	_ =	swait.ge @p0 [sflag:s3], $0x1000  }
0x1d6: {  	[sflag:s3] =	ssyncset.done @p0 $0x0  }
0x1d7: {  	[sflag:s3] =	ssyncadd.s32 @p0 $0xFFFFF000  }
0x1d8: {  	_ =	swait.ge @p0 [sflag:s3], $0x1000  }
0x1d9: {  	[sflag:s3] =	ssyncset.done @p0 $0x0  }
0x1da: {  	[sflag:s3] =	ssyncadd.s32 @p0 $0xFFFFF000  }
0x1db: {  	_ =	swait.ge @p0 [sflag:s3], $0x1000  }
0x1dc: {  	[sflag:s3] =	ssyncset.done @p0 $0x0  }
0x1dd: {  	[sflag:s3] =	ssyncadd.s32 @p0 $0xFFFFF000  }
0x1de: {  	_ =	swait.ge @p0 [sflag:s3], $0x1000  }
0x1df: {  	s29 =	rddreg [dreg:$0x6]  }
0x1e0: {  	s0 =	sadd.s32 $0xFFFFFFFC, s29  }
0x1e1: {  	s31 =	sadd.s32 $0x107, s0  }
0x1e2: {  	s15 =	sand.u32 $0xFFF8, s31  }
0x1e3: {  	s1 =	sshrl.u32 s15, $0x3  }
0x1e4: {  	s1 =	smul.u32 $0x147B, s1;
	_ =	sdelay $0x1  }
0x1e5: {  	[sflag:s3] =	ssyncset.done @p0 $0x0;
	s6 =	sshrl.u32 s1, $0x11  }
0x1e6: {  	s16 =	simm.s32 $0x4280;
	[sflag:s3] =	ssyncadd.s32 @p0 $0xFFFFF000;
	s6 =	smul.u32 $0xC8, s6  }
0x1e7: {  	v4 =	vld [tilespmem:s16+$0x40]  }
0x1e8: {  	v5 =	vld [tilespmem:s16+$0x50];
	s2 =	ssub.s32 s31, s6  }
0x1e9: {  	v38 =	vld [tilespmem:s16+$0x60];
	s2 =	sand.u32 $0xFFFF, s2  }
0x1ea: {  	v39 =	vld [tilespmem:s16+$0x70];
	s2 =	sshll.u32 s2, $0x6  }
0x1eb: {  	s5 =	sadd.s32 $0x104, s0;
	v40 =	vld [tilespmem:s2+$0x10200]  }
0x1ec: {  	s17 =	sand.u32 $0xFFF8, s5;
	v41 =	vld [tilespmem:s2+$0x10210]  }
0x1ed: {  	s10 =	sshrl.u32 s17, $0x3;
	v12 =	vld [tilespmem:s2+$0x10220]  }
0x1ee: {  	s10 =	smul.u32 $0x147B, s10;
	v13 =	vld [tilespmem:s2+$0x10230];
	_ =	sdelay $0x1  }
0x1ef: {  	s10 =	sshrl.u32 s10, $0x11  }
0x1f0: {  	s24 =	sadd.s32 $0x105, s0;
	v18 =	vld [tilespmem:s16+$0xFFFFFFA0];
	s10 =	smul.u32 $0xC8, s10  }
0x1f1: {  	s0 =	sadd.s32 $0x106, s0;
	v27 =	vld [tilespmem:s16+$0xFFFFFFB0];
	s15 =	sand.u32 $0xFFF8, s24;
	v22 =	vadd.f32 v40, v4;
	v21 =	vadd.f32 v41, v5  }
0x1f2: {  	v30 =	vld [tilespmem:s16+$0xFFFFFFC0];
	s26 =	sand.u32 $0xFFF8, s0;
	s15 =	sshrl.u32 s15, $0x3;
	s5 =	ssub.s32 s5, s10;
	v20 =	vadd.f32 v12, v38;
	v23 =	vadd.f32 v13, v39  }
0x1f3: {  	v48 =	vld [tilespmem:s16+$0x20];
	s29 =	sshrl.u32 s26, $0x3;
	s15 =	smul.u32 $0x147B, s15;
	s5 =	sand.u32 $0xFFFF, s5;
	v42 =	vadd.f32 v21, v22  }
0x1f4: {  	v52 =	vld [tilespmem:s16+$0x30];
	s5 =	sshll.u32 s5, $0x6;
	s2 =	smul.u32 $0x147B, s29;
	v44 =	vadd.f32 v23, v20;
	v45 =	vmul.f32 v22, v22;
	v12 =	vmul.f32 v21, v21  }
0x1f5: {  	s15 =	sshrl.u32 s15, $0x11;
	v14 =	vld [tilespmem:s5+$0x10200];
	v13 =	vmul.f32 v20, v20;
	v17 =	vmul.f32 v23, v23  }
0x1f6: {  	s31 =	smul.u32 $0xC8, s15;
	v15 =	vld [tilespmem:s5+$0x10210];
	s2 =	sshrl.u32 s2, $0x11;
	v6 =	vadd.f32 v44, v42  }
0x1f7: {  	v16 =	vld [tilespmem:s5+$0x10220];
	s2 =	smul.u32 $0xC8, s2;
	v9 =	vadd.f32 v12, v45;
	v12 =	vadd.f32 v17, v13  }
0x1f8: {  	s6 =	ssub.s32 s24, s31;
	v13 =	vld [tilespmem:s16+$0xFFFFFF80]  }
0x1f9: {  	s6 =	sand.u32 $0xFFFF, s6;
	s0 =	ssub.s32 s0, s2;
	v17 =	vld [tilespmem:s16+$0xFFFFFF90];
	v9 =	vadd.f32 v12, v9;
	v12 =	vperm.xlane v6, v11  }
0x1fa: {  	s6 =	sshll.u32 s6, $0x6;
	v4 =	vld [tilespmem:s5+$0x10230];
	s0 =	sand.u32 $0xFFFF, s0  }
0x1fb: {  	v19 =	vld [tilespmem:s6+$0x10220];
	s0 =	sshll.u32 s0, $0x6;
	v6 =	vadd.f32 v6, v12;
	v12 =	vperm.xlane v9, v11  }
0x1fc: {  	v46 =	vld [tilespmem:s0+$0x10200]  }
0x1fd: {  	v26 =	vld [tilespmem:s0+$0x10220];
	v9 =	vadd.f32 v12, v9  }
0x1fe: {  	v28 =	vperm.xlane v6, v57;
	v12 =	vadd.f32 v14, v13;
	v14 =	vadd.f32 v15, v17;
	v15 =	vld [tilespmem:s16+$0xFFFFFFE0]  }
0x1ff: {  	v13 =	vadd.f32 v4, v27;
	v27 =	vld [tilespmem:s16+$0x0]  }
0x200: {  	v29 =	vld [tilespmem:s0+$0x10230];
	v6 =	vadd.f32 v6, v28;
	v28 =	vperm.xlane v9, v57  }
0x201: {  	v5 =	vld [tilespmem:s6+$0x10200];
	v16 =	vadd.f32 v16, v18;
	v36 =	vmul.f32 v12, v12;
	v37 =	vmul.f32 v14, v14  }
0x202: {  	v31 =	vld [tilespmem:s16+$0xFFFFFFD0];
	v34 =	vadd.f32 v26, v48;
	v4 =	vadd.f32 v14, v12  }
0x203: {  	v43 =	vld [tilespmem:s6+$0x10210];
	v17 =	vperm.xlane v6, v2;
	v9 =	vadd.f32 v28, v9;
	v36 =	vadd.f32 v37, v36  }
0x204: {  	v24 =	vld [tilespmem:s6+$0x10230];
	v53 =	vmul.f32 v13, v13;
	v19 =	vadd.f32 v19, v15;
	v35 =	vadd.f32 v46, v27  }
0x205: {  	v28 =	vld [tilespmem:s16+$0xFFFFFFF0];
	v46 =	vadd.f32 v29, v52;
	v6 =	vadd.f32 v6, v17;
	v18 =	vperm.xlane v9, v2  }
0x206: {  	v25 =	vld [tilespmem:s0+$0x10210];
	v17 =	vadd.f32 v5, v30;
	v30 =	vadd.f32 v13, v16;
	v27 =	vmul.f32 v19, v19  }
0x207: {  	v5 =	vld [tilespmem:s16+$0x10];
	v29 =	vadd.f32 v46, v34;
	v59 =	vmul.f32 v35, v35;
	v44 =	vmul.f32 v46, v46  }
0x208: {  	v50 =	vperm.xlane v6, v1;
	v9 =	vadd.f32 v18, v9;
	v18 =	vadd.f32 v43, v31  }
0x209: {  	v47 =	vmovc v55;
	v31 =	vmul.f32 v16, v16;
	v55 =	vmul.f32 v17, v17;
	v4 =	vadd.f32 v30, v4  }
0x20a: {  	v0 =	vmovc v11;
	v30 =	vmul.f32 v34, v34;
	v15 =	vadd.f32 v24, v28;
	v6 =	vadd.f32 v6, v50  }
0x20b: {  	v10 =	vmovc v54;
	v28 =	vperm.xlane v9, v1;
	v54 =	vadd.f32 v18, v17;
	v31 =	vadd.f32 v53, v31  }
0x20c: {  	v45 =	vperm.xlane v4, v0;
	v33 =	vadd.f32 v25, v5;
	v56 =	vadd.f32 v15, v19  }
0x20d: {  	v25 =	vmul.f32 v18, v18;
	v24 =	vmul.f32 $1.562500000e-02, v6;
	v5 =	vadd.f32 v28, v9  }
0x20e: {  	v28 =	vmul.f32 v15, v15;
	v4 =	vadd.f32 v4, v45;
	v26 =	vadd.f32 v33, v35  }
0x20f: {  	v60 =	vmul.f32 v33, v33;
	v8 =	vadd.f32 v56, v54;
	v6 =	vadd.f32 v25, v55  }
0x210: {  	v5 =	vmul.f32 $1.562500000e-02, v5;
	v58 =	vmul.f32 v24, v24;
	v25 =	vadd.f32 v28, v27  }
0x211: {  	v27 =	vadd.f32 v44, v30;
	v28 =	vadd.f32 v31, v36  }
0x212: {  	v7 =	vadd.f32 v60, v59;
	v5 =	vsub.f32 v5, v58  }
0x213: {  	v26 =	vadd.f32 v29, v26;
	v6 =	vadd.f32 v25, v6;
	v25 =	vperm.xlane v8, v0  }
0x214: {  	v29 =	vperm.xlane v28, v0;
	v7 =	vadd.f32 v27, v7;
	v5 =	vadd.f32 $9.999999740e-06, v5  }
0x215: {  	v27 =	vperm.xlane v26, v0;
	v8 =	vadd.f32 v8, v25;
	v25 =	vperm.xlane v6, v0  }
0x216: {  	v28 =	vadd.f32 v29, v28;
	v48 =	vshrl.u32 v5, $0x1;
	v5 =	vmul.f32 $5.000000000e-01, v5  }
0x217: {  	v26 =	vadd.f32 v26, v27;
	v30 =	vperm.xlane v8, v57;
	v9 =	vsub.s32 $0x5F3759DF, v48  }
0x218: {  	v27 =	vperm.xlane v4, v57;
	v6 =	vadd.f32 v25, v6;
	v5 =	vmul.f32 v9, v5  }
0x219: {  	v25 =	vperm.xlane v28, v57;
	v8 =	vadd.f32 v8, v30  }
0x21a: {  	v4 =	vadd.f32 v4, v27;
	v27 =	vperm.xlane v6, v57;
	v5 =	vmul.f32 v9, v5  }
0x21b: {  	v29 =	vperm.xlane v7, v0;
	v25 =	vadd.f32 v25, v28;
	v28 =	vperm.xlane v8, v2  }
0x21c: {  	v50 =	vperm.xlane v26, v57;
	v6 =	vadd.f32 v27, v6;
	v5 =	vsub.f32 $1.500000000e+00, v5  }
0x21d: {  	v7 =	vadd.f32 v29, v7;
	v30 =	vperm.xlane v4, v2;
	v8 =	vadd.f32 v8, v28  }
0x21e: {  	v28 =	vperm.xlane v6, v2;
	v5 =	vmul.f32 v9, v5;
	v9 =	vadd.f32 v26, v50  }
0x21f: {  	v4 =	vadd.f32 v4, v30;
	v26 =	vperm.xlane v7, v57;
	v50 =	vld [tilespmem:$0x1FF70]  }
0x220: {  	v30 =	vperm.xlane v8, v1;
	v6 =	vadd.f32 v28, v6;
	v27 =	vperm.xlane v9, v2  }
0x221: {  	v29 =	vmul.f32 v5, v62;
	v7 =	vadd.f32 v26, v7;
	v26 =	vperm.xlane v25, v2  }
0x222: {  	s2 =	rddreg [dreg:$0x6];
	v60 =	vmul.f32 v5, v63;
	v9 =	vadd.f32 v9, v27;
	v27 =	vperm.xlane v4, v1  }
0x223: {  	s5 =	sadd.s32 $0x0, s2;
	v25 =	vadd.f32 v26, v25;
	v26 =	vperm.xlane v7, v2;
	v23 =	vmul.f32 v29, v23  }
0x224: {  	s0 =	sadd.s32 $0x107, s5;
	v8 =	vadd.f32 v8, v30;
	v55 =	vmul.f32 v5, v50;
	v28 =	vperm.xlane v9, v1  }
0x225: {  	s29 =	sand.u32 $0xFFF8, s0;
	v4 =	vadd.f32 v4, v27;
	v27 =	vperm.xlane v25, v1;
	v7 =	vadd.f32 v26, v7  }
0x226: {  	s2 =	sshrl.u32 s29, $0x3;
	v5 =	vmul.f32 v5, v61;
	v26 =	vperm.xlane v6, v1;
	v9 =	vadd.f32 v9, v28  }
0x227: {  	s2 =	smul.u32 $0x147B, s2;
	v28 =	vmul.f32 $1.562500000e-02, v4;
	v4 =	vadd.f32 v27, v25;
	v25 =	vperm.xlane v7, v1  }
0x228: {  	v27 =	vmul.f32 $1.562500000e-02, v8;
	v6 =	vadd.f32 v26, v6;
	v32 =	vmul.f32 $1.562500000e-02, v9  }
0x229: {  	s2 =	sshrl.u32 s2, $0x11;
	v4 =	vmul.f32 $1.562500000e-02, v4;
	v52 =	vmul.f32 v28, v28  }
0x22a: {  	s2 =	smul.u32 $0xC8, s2;
	v7 =	vadd.f32 v25, v7;
	v6 =	vmul.f32 $1.562500000e-02, v6;
	v53 =	vmul.f32 v27, v27  }
0x22b: {  	v56 =	vmul.f32 v60, v24;
	v59 =	vmul.f32 v5, v24;
	v4 =	vsub.f32 v4, v52  }
0x22c: {  	s10 =	simm.s32 $0x4380;
	s0 =	ssub.s32 s0, s2;
	v7 =	vmul.f32 $1.562500000e-02, v7;
	v54 =	vmul.f32 v32, v32;
	v6 =	vsub.f32 v6, v53  }
0x22d: {  	v38 =	vld [tilespmem:s10+$0x40];
	s0 =	sand.u32 $0xFFFF, s0;
	v5 =	vmul.f32 v5, v20;
	v26 =	vmul.f32 v55, v24;
	v4 =	vadd.f32 $9.999999740e-06, v4  }
0x22e: {  	v39 =	vld [tilespmem:s10+$0x50];
	s0 =	sshll.u32 s0, $0x6;
	v8 =	vmul.f32 v60, v21;
	v7 =	vsub.f32 v7, v54;
	v6 =	vadd.f32 $9.999999740e-06, v6  }
0x22f: {  	v58 =	vld [tilespmem:s0+$0x10200];
	v25 =	vmul.f32 v29, v24;
	v9 =	vmul.f32 v55, v22;
	v29 =	vshrl.u32 v4, $0x1  }
0x230: {  	s31 =	sadd.s32 $0x104, s5;
	v48 =	vld [tilespmem:s10+$0x60];
	v7 =	vadd.f32 $9.999999740e-06, v7;
	v4 =	vmul.f32 $5.000000000e-01, v4;
	v30 =	vshrl.u32 v6, $0x1  }
0x231: {  	s16 =	sand.u32 $0xFFF8, s31;
	v21 =	vld [tilespmem:s0+$0x10220];
	v6 =	vmul.f32 $5.000000000e-01, v6;
	v29 =	vsub.s32 $0x5F3759DF, v29;
	v30 =	vsub.s32 $0x5F3759DF, v30  }
0x232: {  	s6 =	sshrl.u32 s16, $0x3;
	v22 =	vld [tilespmem:s0+$0x10210];
	v31 =	vshrl.u32 v7, $0x1;
	v7 =	vmul.f32 $5.000000000e-01, v7;
	v4 =	vmul.f32 v29, v4  }
0x233: {  	s17 =	smul.u32 $0x147B, s6;
	v25 =	vsub.f32 v49, v25;
	v6 =	vmul.f32 v30, v6;
	v31 =	vsub.s32 $0x5F3759DF, v31  }
0x234: {  	v3 =	vmovc v1;
	s24 =	sadd.s32 $0x105, s5;
	v60 =	vsub.f32 v10, v26;
	v7 =	vmul.f32 v31, v7;
	v4 =	vmul.f32 v29, v4  }
0x235: {  	s26 =	sand.u32 $0xFFF8, s24;
	v11 =	vmovc v57;
	s2 =	sshrl.u32 s17, $0x11;
	v57 =	vld [tilespmem:s10+$0x70];
	v26 =	vadd.f32 v58, v38;
	v1 =	vadd.f32 v25, v23;
	v6 =	vmul.f32 v30, v6  }
0x236: {  	s15 =	sshrl.u32 s26, $0x3;
	s2 =	smul.u32 $0xC8, s2;
	v20 =	vld [tilespmem:s0+$0x10230];
	v25 =	vadd.f32 v21, v48;
	v7 =	vmul.f32 v31, v7;
	v4 =	vsub.f32 $1.500000000e+00, v4  }
0x237: {  	s15 =	smul.u32 $0x147B, s15;
	v41 =	vmul.f32 v26, v26;
	v24 =	vadd.f32 v22, v39;
	v6 =	vsub.f32 $1.500000000e+00, v6  }
0x238: {  	s1 =	sadd.s32 $0x106, s5;
	s2 =	ssub.s32 s31, s2;
	v48 =	vmul.f32 v25, v25;
	v7 =	vsub.f32 $1.500000000e+00, v7;
	v4 =	vmul.f32 v29, v4  }
0x239: {  	s29 =	sand.u32 $0xFFF8, s1;
	s31 =	sshrl.u32 s15, $0x11;
	s2 =	sand.u32 $0xFFFF, s2;
	v43 =	vmul.f32 v24, v24;
	v6 =	vmul.f32 v30, v6  }
0x23a: {  	s5 =	smul.u32 $0xC8, s31;
	s2 =	sshll.u32 s2, $0x6;
	v44 =	vsub.f32 v51, v59;
	s0 =	sshrl.u32 s29, $0x3;
	[tilespmem:$0x1FE90] =	vst v1;
	v36 =	vmul.f32 v31, v7;
	v23 =	vmul.f32 v4, v50  }
0x23b: {  	s0 =	smul.u32 $0x147B, s0;
	v39 =	vadd.f32 v20, v57;
	v45 =	vld [tilespmem:s2+$0x10200];
	v29 =	vmul.f32 v4, v63;
	v31 =	vmul.f32 v4, v61  }
0x23c: {  	s5 =	ssub.s32 s24, s5;
	v54 =	vld [tilespmem:s2+$0x10210];
	v38 =	vadd.f32 v24, v26;
	v4 =	vmul.f32 v4, v62;
	v52 =	vmul.f32 v6, v50  }
0x23d: {  	s5 =	sand.u32 $0xFFFF, s5;
	s0 =	sshrl.u32 s0, $0x11;
	v55 =	vld [tilespmem:s2+$0x10220];
	v30 =	vsub.f32 v47, v56;
	v22 =	vmul.f32 v6, v63;
	v20 =	vmul.f32 v6, v61  }
0x23e: {  	s5 =	sshll.u32 s5, $0x6;
	s0 =	smul.u32 $0xC8, s0;
	v21 =	vld [tilespmem:s2+$0x10230];
	v6 =	vmul.f32 v6, v62;
	v62 =	vmul.f32 v39, v39;
	v7 =	vadd.f32 v60, v9  }
0x23f: {  	v42 =	vld [tilespmem:s5+$0x10200];
	v40 =	vadd.f32 v39, v25;
	v41 =	vadd.f32 v43, v41  }
0x240: {  	s0 =	ssub.s32 s1, s0;
	v56 =	vld [tilespmem:s5+$0x10210];
	v8 =	vadd.f32 v30, v8;
	[tilespmem:$0x1FEA0] =	vst v7;
	v60 =	vmul.f32 v23, v28;
	v48 =	vadd.f32 v62, v48  }
0x241: {  	s0 =	sand.u32 $0xFFFF, s0;
	v61 =	vadd.f32 v40, v38;
	v53 =	vmul.f32 v29, v28;
	v43 =	vmul.f32 v31, v28;
	v9 =	vld [tilespmem:s5+$0x10220]  }
0x242: {  	s0 =	sshll.u32 s0, $0x6;
	v38 =	vmul.f32 v4, v28;
	v40 =	vmul.f32 v52, v27;
	v57 =	vld [tilespmem:s5+$0x10230];
	[tilespmem:$0x1FEB0] =	vst v8;
	v28 =	vadd.f32 v48, v41  }
0x243: {  	v1 =	vmovc v49;
	v49 =	vadd.f32 v44, v5;
	v44 =	vmul.f32 v22, v27;
	v8 =	vld [tilespmem:s0+$0x10200];
	v41 =	vmul.f32 v20, v27  }
0x244: {  	v58 =	vld [tilespmem:s0+$0x10210];
	v48 =	vmul.f32 v6, v27;
	v27 =	vperm.xlane v28, v0  }
0x245: {  	v37 =	vmovc v10;
	v10 =	vmov v51;
	v30 =	vperm.xlane v61, v0;
	v51 =	vmul.f32 v31, v16;
	v5 =	vld [tilespmem:s0+$0x10220]  }
0x246: {  	v59 =	vld [tilespmem:s10+$0xFFFFFF80];
	v31 =	vadd.f32 v27, v28;
	v28 =	vmul.f32 v4, v13;
	v4 =	vmul.f32 v52, v17  }
0x247: {  	v30 =	vadd.f32 v61, v30;
	v7 =	vsub.f32 v37, v60;
	v60 =	vld [tilespmem:s10+$0xFFFFFF90]  }
0x248: {  	v12 =	vmul.f32 v23, v12;
	v14 =	vmul.f32 v29, v14;
	v16 =	vld [tilespmem:s10+$0xFFFFFFA0];
	v53 =	vsub.f32 v47, v53;
	[tilespmem:$0x1FE50] =	vst v4  }
0x249: {  	v6 =	vmul.f32 v6, v15;
	v23 =	vperm.xlane v30, v11;
	v4 =	vld [tilespmem:s10+$0xFFFFFFB0]  }
0x24a: {  	v53 =	vadd.f32 v53, v14;
	v52 =	vadd.f32 v7, v12;
	v13 =	vperm.xlane v31, v11;
	v62 =	vld [tilespmem:s10+$0xFFFFFFC0]  }
0x24b: {  	v29 =	vmul.f32 v20, v19;
	v12 =	vadd.f32 v30, v23;
	v23 =	vadd.f32 v45, v59;
	v14 =	vld [tilespmem:s10+$0xFFFFFFD0]  }
0x24c: {  	v30 =	vmul.f32 v22, v18;
	v22 =	vadd.f32 v54, v60;
	v20 =	vld [tilespmem:s10+$0xFFFFFFE0];
	[tilespmem:$0x1FE60] =	vst v6;
	v13 =	vadd.f32 v13, v31  }
0x24d: {  	v17 =	vperm.xlane v12, v2;
	v6 =	vld [tilespmem:s10+$0xFFFFFFF0]  }
0x24e: {  	v18 =	vadd.f32 v55, v16;
	v54 =	vadd.f32 v22, v23;
	v15 =	vperm.xlane v13, v2  }
0x24f: {  	v12 =	vadd.f32 v12, v17;
	v7 =	vld [tilespmem:s10+$0x10];
	v19 =	vadd.f32 v21, v4  }
0x250: {  	v55 =	vmul.f32 v23, v23;
	v31 =	vld [tilespmem:s10+$0x20];
	v16 =	vadd.f32 v42, v62;
	v60 =	vadd.f32 v15, v13  }
0x251: {  	v61 =	vld [tilespmem:s0+$0x10230];
	v21 =	vperm.xlane v12, v3;
	v62 =	vmul.f32 v22, v22;
	v17 =	vadd.f32 v56, v14  }
0x252: {  	v4 =	vld [tilespmem:s10+$0x0];
	v27 =	vadd.f32 v9, v20;
	v20 =	vadd.f32 v57, v6;
	v14 =	vperm.xlane v60, v3  }
0x253: {  	v9 =	vld [tilespmem:s10+$0x30];
	v56 =	vmul.f32 v18, v18;
	v42 =	vadd.f32 v19, v18;
	v12 =	vadd.f32 v12, v21  }
0x254: {  	v13 =	vmovc v63;
	v63 =	vmul.f32 v19, v19;
	v55 =	vadd.f32 v62, v55;
	v59 =	vadd.f32 v14, v60  }
0x255: {  	v45 =	vmul.f32 $1.562500000e-02, v12;
	v14 =	vadd.f32 v58, v7;
	v12 =	vadd.f32 v5, v31  }
0x256: {  	v5 =	vadd.f32 v20, v27;
	v42 =	vadd.f32 v42, v54  }
0x257: {  	v57 =	vmul.f32 v17, v17;
	v56 =	vadd.f32 v63, v56;
	v15 =	vadd.f32 v8, v4  }
0x258: {  	v54 =	vmul.f32 v20, v20;
	v4 =	vadd.f32 v17, v16;
	v21 =	vadd.f32 v61, v9  }
0x259: {  	v6 =	vmul.f32 $1.562500000e-02, v59;
	v7 =	vmul.f32 v45, v45;
	v55 =	vadd.f32 v56, v55  }
0x25a: {  	v8 =	vmul.f32 v16, v16;
	v9 =	vadd.f32 v14, v15;
	v58 =	vadd.f32 v21, v12  }
0x25b: {  	v63 =	vmovc v15;
	v15 =	vmul.f32 v15, v15;
	v4 =	vadd.f32 v5, v4;
	v6 =	vsub.f32 v6, v7  }
0x25c: {  	v5 =	vmul.f32 v14, v14;
	v8 =	vadd.f32 v57, v8;
	v7 =	vmul.f32 v27, v27  }
0x25d: {  	v57 =	vmul.f32 v12, v12;
	v56 =	vperm.xlane v55, v0;
	v6 =	vadd.f32 $9.999999740e-06, v6  }
0x25e: {  	v9 =	vadd.f32 v58, v9;
	v7 =	vadd.f32 v54, v7;
	v54 =	vmul.f32 v21, v21  }
0x25f: {  	v5 =	vadd.f32 v5, v15;
	v55 =	vadd.f32 v56, v55;
	v60 =	vshrl.u32 v6, $0x1  }
0x260: {  	v6 =	vmul.f32 $5.000000000e-01, v6;
	v54 =	vadd.f32 v54, v57;
	v57 =	vperm.xlane v42, v0  }
0x261: {  	v7 =	vadd.f32 v7, v8;
	v8 =	vperm.xlane v4, v0;
	v58 =	vsub.s32 $0x5F3759DF, v60  }
0x262: {  	v60 =	vperm.xlane v9, v0;
	v6 =	vmul.f32 v58, v6;
	v5 =	vadd.f32 v54, v5  }
0x263: {  	v42 =	vadd.f32 v42, v57;
	v4 =	vadd.f32 v4, v8;
	v8 =	vperm.xlane v7, v0  }
0x264: {  	v54 =	vperm.xlane v55, v11;
	v6 =	vmul.f32 v58, v6  }
0x265: {  	v9 =	vadd.f32 v9, v60;
	v60 =	vperm.xlane v42, v11;
	v56 =	vperm.xlane v5, v0  }
0x266: {  	v57 =	vperm.xlane v4, v11;
	v7 =	vadd.f32 v8, v7;
	v54 =	vadd.f32 v54, v55  }
0x267: {  	v6 =	vsub.f32 $1.500000000e+00, v6;
	v8 =	vadd.f32 v42, v60;
	v60 =	vperm.xlane v9, v11  }
0x268: {  	v62 =	vld [tilespmem:$0x1FF90];
	v5 =	vadd.f32 v56, v5;
	v4 =	vadd.f32 v4, v57;
	v57 =	vperm.xlane v7, v11  }
0x269: {  	v0 =	vmul.f32 v36, v13;
	v6 =	vmul.f32 v58, v6;
	v9 =	vadd.f32 v9, v60  }
0x26a: {  	v60 =	vperm.xlane v5, v11;
	v7 =	vadd.f32 v57, v7;
	v57 =	vperm.xlane v8, v2  }
0x26b: {  	v58 =	vmul.f32 v36, v50;
	v42 =	vperm.xlane v4, v2  }
0x26c: {  	v5 =	vadd.f32 v60, v5;
	v8 =	vadd.f32 v8, v57;
	v57 =	vperm.xlane v54, v2  }
0x26d: {  	v61 =	vld [tilespmem:$0x1FF80];
	v56 =	vmul.f32 v6, v62;
	v60 =	vperm.xlane v9, v2;
	v4 =	vadd.f32 v4, v42  }
0x26e: {  	v42 =	vperm.xlane v7, v2;
	v54 =	vadd.f32 v57, v54;
	v57 =	vperm.xlane v5, v2  }
0x26f: {  	v55 =	vmul.f32 v56, v45;
	v39 =	vmul.f32 v56, v39  }
0x270: {  	v9 =	vadd.f32 v9, v60;
	v60 =	vperm.xlane v8, v3;
	v5 =	vadd.f32 v57, v5  }
0x271: {  	v57 =	vsub.f32 v10, v43;
	v43 =	vsub.f32 v37, v40;
	v40 =	vperm.xlane v54, v3  }
0x272: {  	v56 =	vmul.f32 v36, v61;
	v7 =	vadd.f32 v42, v7;
	v42 =	vmul.f32 v58, v35  }
0x273: {  	v8 =	vadd.f32 v8, v60;
	v60 =	vmul.f32 v36, v62;
	v54 =	vadd.f32 v40, v54;
	v40 =	vld [tilespmem:$0x1FE90]  }
0x274: {  	v55 =	vsub.f32 v1, v55;
	v36 =	vmul.f32 v0, v33;
	v33 =	vmul.f32 v0, v32  }
0x275: {  	v35 =	vmul.f32 v56, v34;
	v34 =	vperm.xlane v9, v3  }
0x276: {  	[tilespmem:$0x1FE70] =	vst v27;
	v56 =	vmul.f32 v56, v32;
	v55 =	vadd.f32 v55, v39;
	v39 =	vperm.xlane v4, v3  }
0x277: {  	s16 =	simm.s32 $0xC280;
	[tilespmem:$0x1FE80] =	vst v21;
	v9 =	vadd.f32 v9, v34;
	v34 =	vsub.f32 v47, v33  }
0x278: {  	v33 =	vsub.f32 v10, v56;
	v4 =	vadd.f32 v4, v39;
	[tilespmem:s16+$0x70] =	vst v40  }
0x279: {  	v39 =	vsub.f32 v47, v44;
	v44 =	vsub.f32 v10, v41;
	v10 =	vld [tilespmem:$0x1FEA0]  }
0x27a: {  	v58 =	vmul.f32 v58, v32;
	v0 =	vmul.f32 v60, v32  }
0x27b: {  	v32 =	vsub.f32 v1, v48;
	v48 =	vmul.f32 $1.562500000e-02, v8;
	v41 =	vperm.xlane v7, v3  }
0x27c: {  	v31 =	vsub.f32 v1, v38;
	v38 =	vmul.f32 v60, v46;
	v46 =	vmul.f32 $1.562500000e-02, v9  }
0x27d: {  	v56 =	vmul.f32 v48, v48;
	v7 =	vadd.f32 v41, v7;
	v47 =	vmul.f32 $1.562500000e-02, v4  }
0x27e: {  	v37 =	vsub.f32 v37, v58;
	v41 =	vperm.xlane v5, v3;
	v4 =	vmul.f32 $1.562500000e-02, v54;
	[tilespmem:s16+$0x40] =	vst v10  }
0x27f: {  	v59 =	vsub.f32 v1, v0;
	v7 =	vmul.f32 $1.562500000e-02, v7;
	v58 =	vmul.f32 v47, v47;
	v0 =	vld [tilespmem:$0x1FEB0];
	[tilespmem:s16+$0x60] =	vst v49  }
0x280: {  	v57 =	vadd.f32 v57, v51;
	v51 =	vmul.f32 v6, v50;
	v5 =	vadd.f32 v41, v5;
	[tilespmem:s16+$0xFFFFFF80] =	vst v52  }
0x281: {  	s15 =	simm.s32 $0xC380;
	v60 =	vmul.f32 v46, v46;
	v4 =	vsub.f32 v4, v56;
	v7 =	vsub.f32 v7, v58;
	[tilespmem:s16+$0xFFFFFF90] =	vst v53  }
0x282: {  	v5 =	vmul.f32 $1.562500000e-02, v5;
	v49 =	vmul.f32 v6, v13;
	[tilespmem:s15+$0x70] =	vst v55  }
0x283: {  	v50 =	vmul.f32 v6, v61;
	v1 =	vmovc v11;
	v54 =	vadd.f32 $9.999999740e-06, v4;
	v56 =	vadd.f32 $9.999999740e-06, v7;
	[tilespmem:s16+$0xFFFFFFA0] =	vst v57  }
0x284: {  	s1 =	simm.s32 $0x4;
	v55 =	vsub.f32 v5, v60;
	v53 =	vmul.f32 v51, v45;
	v52 =	vmul.f32 v49, v45;
	[tilespmem:s16+$0x50] =	vst v0  }
.LBB2_5:
0x285: {  	v4 =	vshrl.u32 v54, $0x1  }
0x286: {  	v5 =	vmul.f32 $5.000000000e-01, v54;
	v6 =	vadd.f32 $9.999999740e-06, v55;
	v7 =	vshrl.u32 v56, $0x1  }
0x287: {  	s0 =	rddreg [dreg:$0x6];
	v0 =	vld [tilespmem:$0x1FE50];
	v8 =	vmul.f32 $5.000000000e-01, v56;
	v4 =	vsub.s32 $0x5F3759DF, v4;
	v7 =	vsub.s32 $0x5F3759DF, v7  }
0x288: {  	s0 =	sadd.s32 s1, s0;
	v9 =	vshrl.u32 v6, $0x1;
	v6 =	vmul.f32 $5.000000000e-01, v6;
	v5 =	vmul.f32 v4, v5  }
0x289: {  	v26 =	vmul.f32 v51, v26;
	s2 =	sadd.s32 $0x107, s0;
	v8 =	vmul.f32 v7, v8;
	v9 =	vsub.s32 $0x5F3759DF, v9  }
0x28a: {  	v13 =	vld [tilespmem:$0x1FFD0];
	s5 =	sand.u32 $0xFFF8, s2;
	v6 =	vmul.f32 v9, v6;
	v5 =	vmul.f32 v4, v5  }
0x28b: {  	v27 =	vadd.f32 v31, v28;
	v57 =	vadd.f32 v44, v29;
	v11 =	vld [tilespmem:$0x1FF70];
	s26 =	sadd.s32 $0x104, s0;
	s5 =	sshrl.u32 s5, $0x3;
	v8 =	vmul.f32 v7, v8  }
0x28c: {  	s24 =	sadd.s32 $0x105, s0;
	s17 =	sadd.s32 $0x106, s0;
	s0 =	smul.u32 $0x147B, s5;
	v55 =	vadd.f32 v43, v0;
	v0 =	vld [tilespmem:$0x1FFA0];
	v6 =	vmul.f32 v9, v6;
	v5 =	vsub.f32 $1.500000000e+00, v5  }
0x28d: {  	[tilespmem:$0x1FE40] =	vst v12;
	v12 =	vld [tilespmem:$0x1FFE0];
	v24 =	vmul.f32 v49, v24;
	v60 =	vadd.f32 v37, v42;
	v8 =	vsub.f32 $1.500000000e+00, v8  }
0x28e: {  	v15 =	vld [tilespmem:$0x1FFC0];
	v45 =	vmul.f32 v50, v45;
	s0 =	sshrl.u32 s0, $0x11;
	v6 =	vsub.f32 $1.500000000e+00, v6;
	v4 =	vmul.f32 v4, v5  }
0x28f: {  	s10 =	sadd.s32 $0x100, s10;
	v58 =	vld [tilespmem:$0x1FE60];
	v49 =	vadd.f32 v34, v36;
	v25 =	vmul.f32 v50, v25;
	s6 =	sand.u32 $0xFFF8, s26;
	s0 =	smul.u32 $0xC8, s0;
	v5 =	vmul.f32 v7, v8  }
0x290: {  	v56 =	vadd.f32 v39, v30;
	v30 =	vld [tilespmem:s10+$0x50];
	s6 =	sshrl.u32 s6, $0x3;
	v6 =	vmul.f32 v9, v6;
	v28 =	vmul.f32 v4, v11  }
0x291: {  	v37 =	vld [tilespmem:s10+$0x60];
	v50 =	vadd.f32 v33, v35;
	s6 =	smul.u32 $0x147B, s6;
	s0 =	ssub.s32 s2, s0;
	v29 =	vmul.f32 v4, v0;
	v31 =	vmul.f32 v4, v61  }
0x292: {  	v34 =	vld [tilespmem:s10+$0x70];
	[tilespmem:s16+$0xFFFFFFD0] =	vst v56;
	v56 =	vadd.f32 v59, v38;
	v4 =	vmul.f32 v4, v62;
	s0 =	sand.u32 $0xFFFF, s0;
	v42 =	vmul.f32 v5, v11  }
0x293: {  	[tilespmem:s16+$0xFFFFFFB0] =	vst v27;
	v27 =	vld [tilespmem:s10+$0x40];
	s31 =	sand.u32 $0xFFF8, s24;
	v53 =	vsub.f32 v13, v53;
	s6 =	sshrl.u32 s6, $0x11;
	v51 =	vmul.f32 v5, v0;
	v36 =	vmul.f32 v5, v61;
	s0 =	sshll.u32 s0, $0x6  }
0x294: {  	v52 =	vsub.f32 v12, v52;
	s5 =	sshrl.u32 s31, $0x3;
	s6 =	smul.u32 $0xC8, s6;
	v5 =	vmul.f32 v5, v62;
	v33 =	vld [tilespmem:s0+$0x10200];
	v35 =	vmul.f32 v6, v11  }
0x295: {  	[tilespmem:s16+$0xFFFFFFE0] =	vst v57;
	s29 =	sand.u32 $0xFFF8, s17;
	s5 =	smul.u32 $0x147B, s5;
	v7 =	vadd.f32 v32, v58;
	v54 =	vmul.f32 v6, v0;
	v32 =	vld [tilespmem:s0+$0x10210];
	v38 =	vmul.f32 v6, v61  }
0x296: {  	[tilespmem:s16+$0x0] =	vst v60;
	s29 =	sshrl.u32 s29, $0x3;
	v45 =	vsub.f32 v15, v45;
	s2 =	ssub.s32 s26, s6;
	v6 =	vmul.f32 v6, v62;
	v9 =	vld [tilespmem:s0+$0x10220];
	v57 =	vmul.f32 v28, v48  }
0x297: {  	s29 =	smul.u32 $0x147B, s29;
	v26 =	vadd.f32 v53, v26;
	s5 =	sshrl.u32 s5, $0x11;
	[tilespmem:s16+$0xFFFFFFF0] =	vst v7;
	s2 =	sand.u32 $0xFFFF, s2;
	v40 =	vmul.f32 v29, v48;
	v7 =	vld [tilespmem:s0+$0x10230];
	v41 =	vmul.f32 v31, v48  }
0x298: {  	v21 =	vld [tilespmem:$0x1FFB0];
	[tilespmem:s16+$0x30] =	vst v56;
	v24 =	vadd.f32 v52, v24;
	s5 =	smul.u32 $0xC8, s5;
	s2 =	sshll.u32 s2, $0x6;
	v43 =	vmul.f32 v4, v48;
	v44 =	vmul.f32 v42, v47  }
0x299: {  	[tilespmem:s16+$0xFFFFFFC0] =	vst v55;
	v25 =	vadd.f32 v45, v25;
	v8 =	vld [tilespmem:s2+$0x10200];
	v48 =	vmul.f32 v51, v47;
	v55 =	vmul.f32 v36, v47  }
0x29a: {  	s29 =	sshrl.u32 s29, $0x11;
	s5 =	ssub.s32 s24, s5;
	[tilespmem:s15+$0x40] =	vst v26;
	v52 =	vld [tilespmem:s2+$0x10210];
	v56 =	vmul.f32 v5, v47;
	v45 =	vsub.f32 v13, v57;
	v53 =	vsub.f32 v12, v40  }
0x29b: {  	s6 =	smul.u32 $0xC8, s29;
	s5 =	sand.u32 $0xFFFF, s5;
	[tilespmem:s15+$0x50] =	vst v24;
	v60 =	vld [tilespmem:s2+$0x10230];
	v23 =	vmul.f32 v28, v23;
	v26 =	vadd.f32 v33, v27;
	v24 =	vadd.f32 v32, v30  }
0x29c: {  	s5 =	sshll.u32 s5, $0x6;
	[tilespmem:s15+$0x60] =	vst v25;
	v5 =	vmul.f32 v5, v20;
	v20 =	vld [tilespmem:s10+$0xFFFFFFE0];
	v25 =	vadd.f32 v9, v37;
	v47 =	vadd.f32 v7, v34  }
0x29d: {  	[tilespmem:s16+$0x10] =	vst v49;
	s6 =	ssub.s32 s17, s6;
	v61 =	vld [tilespmem:s5+$0x10200];
	v49 =	vsub.f32 v15, v41;
	v59 =	vmul.f32 v54, v46;
	v27 =	vadd.f32 v24, v26  }
0x29e: {  	s6 =	sand.u32 $0xFFFF, s6;
	v62 =	vld [tilespmem:s5+$0x10230];
	v28 =	vadd.f32 v47, v25;
	v32 =	vmul.f32 v26, v26;
	v33 =	vmul.f32 v24, v24  }
0x29f: {  	[tilespmem:s16+$0x20] =	vst v50;
	s31 =	sshll.u32 s6, $0x6;
	v57 =	vld [tilespmem:s2+$0x10220];
	v39 =	vsub.f32 v12, v48;
	v34 =	vmul.f32 v25, v25;
	v37 =	vmul.f32 v47, v47  }
0x2a0: {  	v41 =	vld [tilespmem:s31+$0x10200];
	v10 =	vadd.f32 v28, v27;
	v28 =	vadd.f32 v33, v32  }
0x2a1: {  	v22 =	vmul.f32 v29, v22;
	v29 =	vadd.f32 v37, v34;
	v34 =	vsub.f32 v12, v59;
	v12 =	vld [tilespmem:$0x1FE70]  }
0x2a2: {  	v48 =	vld [tilespmem:s31+$0x10210]  }
0x2a3: {  	v50 =	vmul.f32 v31, v18;
	v40 =	vsub.f32 v21, v43;
	v18 =	vadd.f32 v29, v28;
	v28 =	vld [tilespmem:$0x1FFF0]  }
0x2a4: {  	v43 =	vsub.f32 v13, v44;
	v44 =	vsub.f32 v15, v55;
	v55 =	vld [tilespmem:s10+$0xFFFFFF80]  }
0x2a5: {  	[tilespmem:$0x1FE60] =	vst v5;
	v5 =	vld [tilespmem:s10+$0xFFFFFFC0]  }
0x2a6: {  	v58 =	vmul.f32 v35, v46;
	v29 =	vmul.f32 v36, v12;
	v12 =	vld [tilespmem:$0x1FE40]  }
0x2a7: {  	v31 =	vmul.f32 v4, v19;
	v23 =	vadd.f32 v45, v23;
	v45 =	vld [tilespmem:s10+$0xFFFFFFD0];
	v30 =	vmul.f32 v38, v46  }
0x2a8: {  	v37 =	vsub.f32 v13, v58;
	v13 =	vmul.f32 v42, v16;
	v16 =	vld [tilespmem:s10+$0xFFFFFF90];
	v19 =	vperm.xlane v10, v28  }
0x2a9: {  	v7 =	vmul.f32 v6, v46;
	v9 =	vld [tilespmem:s5+$0x10210];
	v32 =	vsub.f32 v21, v56;
	v33 =	vsub.f32 v15, v30  }
0x2aa: {  	v58 =	vld [tilespmem:s10+$0xFFFFFFA0];
	v30 =	vmul.f32 v51, v17;
	v10 =	vadd.f32 v10, v19;
	v19 =	vperm.xlane v18, v28  }
0x2ab: {  	v59 =	vsub.f32 v21, v7;
	v42 =	vmul.f32 v35, v63;
	v35 =	vmul.f32 v38, v12;
	v12 =	vld [tilespmem:$0x1FE80]  }
0x2ac: {  	v15 =	vld [tilespmem:s10+$0xFFFFFFB0];
	[tilespmem:s15+$0xFFFFFF80] =	vst v23;
	v23 =	vadd.f32 v8, v55;
	v17 =	vperm.xlane v10, v1;
	v19 =	vadd.f32 v19, v18  }
0x2ad: {  	v46 =	vld [tilespmem:s5+$0x10220];
	v36 =	vmul.f32 v54, v14;
	v18 =	vadd.f32 v53, v22;
	v22 =	vadd.f32 v52, v16  }
0x2ae: {  	v8 =	vld [tilespmem:s10+$0x20];
	[tilespmem:$0x1FE50] =	vst v13;
	v52 =	vmul.f32 v23, v23;
	v16 =	vadd.f32 v61, v5;
	v10 =	vadd.f32 v10, v17  }
0x2af: {  	v13 =	vperm.xlane v19, v1;
	[tilespmem:s15+$0xFFFFFF90] =	vst v18;
	v18 =	vadd.f32 v57, v58;
	v57 =	vld [tilespmem:s10+$0xFFFFFFF0];
	v51 =	vadd.f32 v22, v23  }
0x2b0: {  	v27 =	vmovc v11;
	v11 =	vld [tilespmem:s31+$0x10220];
	v54 =	vmul.f32 v22, v22;
	v17 =	vadd.f32 v9, v45;
	v38 =	vmul.f32 v6, v12  }
0x2b1: {  	v4 =	vld [tilespmem:s31+$0x10230];
	v58 =	vperm.xlane v10, v2;
	v12 =	vadd.f32 v13, v19;
	v19 =	vadd.f32 v60, v15  }
0x2b2: {  	v13 =	vld [tilespmem:s10+$0x0];
	v15 =	vadd.f32 v46, v20;
	v46 =	vmul.f32 v18, v18;
	v56 =	vadd.f32 v17, v16  }
0x2b3: {  	v9 =	vld [tilespmem:s10+$0x30];
	v52 =	vadd.f32 v54, v52;
	v7 =	vadd.f32 v10, v58;
	v63 =	vperm.xlane v12, v2  }
0x2b4: {  	v5 =	vld [tilespmem:s10+$0x10];
	v53 =	vadd.f32 v19, v18;
	v55 =	vmul.f32 v19, v19;
	v20 =	vadd.f32 v62, v57  }
0x2b5: {  	v10 =	vadd.f32 v63, v12;
	v12 =	vadd.f32 v11, v8  }
0x2b6: {  	v14 =	vperm.xlane v7, v3;
	v8 =	vadd.f32 v53, v51;
	v46 =	vadd.f32 v55, v46  }
0x2b7: {  	v57 =	vmul.f32 v16, v16;
	v63 =	vadd.f32 v41, v13;
	v6 =	vadd.f32 v20, v15  }
0x2b8: {  	v13 =	vadd.f32 v4, v9;
	v45 =	vadd.f32 v7, v14;
	v60 =	vperm.xlane v10, v3  }
0x2b9: {  	v9 =	vmul.f32 v15, v15;
	v14 =	vadd.f32 v48, v5;
	v7 =	vmul.f32 v17, v17  }
0x2ba: {  	v51 =	vmul.f32 v12, v12;
	v45 =	vmul.f32 $1.562500000e-02, v45;
	v5 =	vadd.f32 v60, v10  }
0x2bb: {  	v46 =	vadd.f32 v46, v52;
	v48 =	vmul.f32 v63, v63;
	v53 =	vmul.f32 v13, v13  }
0x2bc: {  	v11 =	vadd.f32 v13, v12;
	v5 =	vmul.f32 $1.562500000e-02, v5;
	v41 =	vmul.f32 v45, v45  }
0x2bd: {  	v6 =	vadd.f32 v6, v56;
	v4 =	vadd.f32 v14, v63;
	v10 =	vmul.f32 v20, v20  }
0x2be: {  	v58 =	vmul.f32 v14, v14;
	v7 =	vadd.f32 v7, v57;
	v5 =	vsub.f32 v5, v41  }
0x2bf: {  	v60 =	vperm.xlane v8, v28;
	v56 =	vadd.f32 v53, v51;
	v9 =	vadd.f32 v10, v9  }
0x2c0: {  	v57 =	vperm.xlane v6, v28;
	v4 =	vadd.f32 v11, v4;
	v5 =	vadd.f32 $9.999999740e-06, v5  }
0x2c1: {  	v55 =	vadd.f32 v58, v48;
	v8 =	vadd.f32 v8, v60;
	v60 =	vperm.xlane v46, v28  }
0x2c2: {  	v7 =	vadd.f32 v9, v7;
	v41 =	vshrl.u32 v5, $0x1;
	v5 =	vmul.f32 $5.000000000e-01, v5  }
0x2c3: {  	v6 =	vadd.f32 v6, v57;
	v58 =	vperm.xlane v4, v28;
	v10 =	vsub.s32 $0x5F3759DF, v41  }
0x2c4: {  	v11 =	vadd.f32 v56, v55;
	v41 =	vperm.xlane v7, v28;
	v5 =	vmul.f32 v10, v5  }
0x2c5: {  	v56 =	vperm.xlane v8, v1;
	v4 =	vadd.f32 v4, v58;
	v58 =	vperm.xlane v6, v1  }
0x2c6: {  	v46 =	vadd.f32 v60, v46;
	v7 =	vadd.f32 v41, v7;
	v5 =	vmul.f32 v10, v5  }
0x2c7: {  	v62 =	vld [tilespmem:$0x1FF90];
	v57 =	vperm.xlane v11, v28;
	v60 =	vperm.xlane v4, v1;
	v6 =	vadd.f32 v6, v58  }
0x2c8: {  	v8 =	vadd.f32 v8, v56;
	v28 =	vmovc v31;
	v41 =	vperm.xlane v7, v1;
	v5 =	vsub.f32 $1.500000000e+00, v5  }
0x2c9: {  	v31 =	vmovc v40;
	v40 =	vperm.xlane v46, v1;
	v4 =	vadd.f32 v4, v60;
	v60 =	vperm.xlane v6, v2  }
0x2ca: {  	v7 =	vadd.f32 v41, v7;
	v5 =	vmul.f32 v10, v5;
	v10 =	vadd.f32 v57, v11  }
0x2cb: {  	v57 =	vperm.xlane v8, v2;
	v11 =	vadd.f32 v40, v46;
	v40 =	vperm.xlane v4, v2  }
0x2cc: {  	v6 =	vadd.f32 v6, v60;
	v55 =	vperm.xlane v7, v2;
	v48 =	vmul.f32 v5, v62  }
0x2cd: {  	v56 =	vperm.xlane v10, v1;
	v8 =	vadd.f32 v8, v57;
	v54 =	vperm.xlane v11, v2  }
0x2ce: {  	v4 =	vadd.f32 v4, v40;
	v7 =	vadd.f32 v55, v7;
	v58 =	vmul.f32 v48, v45  }
0x2cf: {  	v9 =	vadd.f32 v56, v10;
	v41 =	vmul.f32 v48, v47;
	v56 =	vperm.xlane v8, v3  }
0x2d0: {  	v11 =	vadd.f32 v54, v11;
	v60 =	vperm.xlane v4, v3;
	v46 =	vsub.f32 v21, v58  }
0x2d1: {  	v57 =	vperm.xlane v9, v2;
	v58 =	vperm.xlane v6, v3;
	v8 =	vadd.f32 v8, v56  }
0x2d2: {  	v40 =	vperm.xlane v11, v3;
	v4 =	vadd.f32 v4, v60;
	v10 =	vadd.f32 v46, v41  }
0x2d3: {  	v9 =	vadd.f32 v57, v9;
	v6 =	vadd.f32 v6, v58;
	v41 =	vperm.xlane v7, v3  }
0x2d4: {  	v48 =	vmul.f32 $1.562500000e-02, v8;
	v51 =	vadd.f32 v40, v11;
	v46 =	vmul.f32 $1.562500000e-02, v4  }
0x2d5: {  	s1 =	sadd.s32 $0x4, s1;
	v61 =	vld [tilespmem:$0x1FF80];
	v52 =	vperm.xlane v9, v3;
	v47 =	vmul.f32 $1.562500000e-02, v6;
	v53 =	vadd.f32 v41, v7  }
0x2d6: {  	p0 =	slt.u32 s1, $0xFC;
	v57 =	vadd.f32 v49, v50;
	v4 =	vmul.f32 $1.562500000e-02, v51;
	v54 =	vmul.f32 v48, v48  }
.Ltmp1:
0x2d7: {  	v55 =	vadd.f32 v52, v9;
	v6 =	vmul.f32 $1.562500000e-02, v53;
	v56 =	vmul.f32 v47, v47;
	(pc) =	sbr.rel @p0 .LBB2_5-.Ltmp1, $4  }
0x2d8: {  	[tilespmem:$0x1FE70] =	vst v15;
	v49 =	vmul.f32 v5, v0;
	v51 =	vmul.f32 v5, v27;
	v4 =	vsub.f32 v4, v54  }
0x2d9: {  	s16 =	smov.u32 s15;
	s15 =	sadd.s32 $0x100, s15;
	[tilespmem:$0x1FE80] =	vst v13;
	v60 =	vmul.f32 v46, v46;
	v58 =	vmul.f32 $1.562500000e-02, v55;
	v6 =	vsub.f32 v6, v56  }
0x2da: {  	v50 =	vmul.f32 v5, v61;
	[tilespmem:s15+$0x70] =	vst v10;
	v53 =	vmul.f32 v51, v45;
	v54 =	vadd.f32 $9.999999740e-06, v4  }
0x2db: {  	[tilespmem:s16+$0xFFFFFFA0] =	vst v57;
	v52 =	vmul.f32 v49, v45;
	v55 =	vsub.f32 v58, v60;
	v56 =	vadd.f32 $9.999999740e-06, v6  }
0x2dc: {  	_ = 	snop  }
0x2dd: {  	v4 =	vshrl.u32 v54, $0x1;
	v7 =	vshrl.u32 v56, $0x1;
	v8 =	vmul.f32 $5.000000000e-01, v56  }
0x2de: {  	v5 =	vmul.f32 $5.000000000e-01, v54;
	v54 =	vld [tilespmem:$0x1FFD0];
	v6 =	vadd.f32 $9.999999740e-06, v55;
	v7 =	vsub.s32 $0x5F3759DF, v7  }
0x2df: {  	v4 =	vsub.s32 $0x5F3759DF, v4;
	v8 =	vmul.f32 v7, v8  }
0x2e0: {  	v0 =	vld [tilespmem:$0x1FE50];
	v5 =	vmul.f32 v4, v5;
	v9 =	vshrl.u32 v6, $0x1;
	v6 =	vmul.f32 $5.000000000e-01, v6  }
0x2e1: {  	v9 =	vsub.s32 $0x5F3759DF, v9;
	v8 =	vmul.f32 v7, v8  }
0x2e2: {  	v21 =	vld [tilespmem:$0x1FFC0];
	v56 =	vadd.f32 v44, v29;
	v5 =	vmul.f32 v4, v5;
	v6 =	vmul.f32 v9, v6  }
0x2e3: {  	v26 =	vmul.f32 v51, v26;
	v44 =	vld [tilespmem:$0x1FFA0];
	v10 =	vsub.f32 v54, v53;
	v8 =	vsub.f32 $1.500000000e+00, v8  }
0x2e4: {  	v13 =	vadd.f32 v59, v38;
	v53 =	vld [tilespmem:$0x1FFE0];
	v5 =	vsub.f32 $1.500000000e+00, v5;
	v6 =	vmul.f32 v9, v6  }
0x2e5: {  	v10 =	vadd.f32 v10, v26;
	v7 =	vmul.f32 v7, v8;
	v8 =	vadd.f32 v43, v0;
	v0 =	vld [tilespmem:$0x1FE60];
	[tilespmem:s16+$0xFFFFFFE0] =	vst v56  }
0x2e6: {  	v4 =	vmul.f32 v4, v5;
	v5 =	vadd.f32 v31, v28;
	[tilespmem:s16+$0x30] =	vst v13  }
0x2e7: {  	v6 =	vsub.f32 $1.500000000e+00, v6;
	[tilespmem:s15+$0x40] =	vst v10  }
0x2e8: {  	v11 =	vmul.f32 v50, v45;
	v24 =	vmul.f32 v49, v24;
	[tilespmem:s16+$0xFFFFFFB0] =	vst v5;
	v5 =	vadd.f32 v37, v42  }
0x2e9: {  	v55 =	vsub.f32 v53, v52;
	v6 =	vmul.f32 v9, v6;
	v9 =	vadd.f32 v39, v30;
	[tilespmem:s16+$0xFFFFFFC0] =	vst v8  }
0x2ea: {  	v25 =	vmul.f32 v50, v25;
	v29 =	vmul.f32 v4, v44;
	v8 =	vadd.f32 v34, v36;
	[tilespmem:s16+$0x0] =	vst v5  }
0x2eb: {  	v11 =	vsub.f32 v21, v11;
	v43 =	vmul.f32 v4, v27;
	v5 =	vadd.f32 v55, v24;
	[tilespmem:s16+$0xFFFFFFD0] =	vst v9  }
0x2ec: {  	v41 =	vmul.f32 v29, v48;
	v9 =	vadd.f32 v33, v35;
	[tilespmem:s16+$0x10] =	vst v8  }
0x2ed: {  	v15 =	vmul.f32 v43, v48;
	v8 =	vadd.f32 v11, v25;
	[tilespmem:s15+$0x50] =	vst v5  }
0x2ee: {  	v22 =	vmul.f32 v29, v22;
	v58 =	vadd.f32 v32, v0;
	v26 =	vsub.f32 v53, v41;
	[tilespmem:s16+$0x20] =	vst v9  }
0x2ef: {  	v57 =	vmul.f32 v4, v61;
	v23 =	vmul.f32 v43, v23;
	v9 =	vsub.f32 v54, v15;
	[tilespmem:s15+$0x60] =	vst v8  }
0x2f0: {  	[tilespmem:s16+$0xFFFFFFF0] =	vst v58;
	v58 =	vadd.f32 v26, v22  }
0x2f1: {  	v42 =	vmul.f32 v57, v48;
	v18 =	vmul.f32 v57, v18;
	v9 =	vadd.f32 v9, v23;
	v57 =	vld [tilespmem:$0x1FFB0]  }
0x2f2: {  	v4 =	vmul.f32 v4, v62;
	[tilespmem:s15+$0xFFFFFF90] =	vst v58  }
0x2f3: {  	v39 =	vmul.f32 v7, v27;
	v60 =	vmul.f32 v7, v44;
	[tilespmem:s15+$0xFFFFFF80] =	vst v9  }
0x2f4: {  	v40 =	vmul.f32 v7, v61;
	v48 =	vmul.f32 v4, v48;
	v13 =	vld [tilespmem:$0x1FE70]  }
0x2f5: {  	v4 =	vmul.f32 v4, v19;
	v49 =	vmul.f32 v39, v47;
	v10 =	vsub.f32 v21, v42  }
0x2f6: {  	v11 =	vmul.f32 v60, v47;
	v50 =	vmul.f32 v40, v47;
	v8 =	vsub.f32 v57, v48  }
0x2f7: {  	v16 =	vmul.f32 v39, v16;
	v59 =	vsub.f32 v54, v49;
	v9 =	vadd.f32 v10, v18  }
0x2f8: {  	v10 =	vsub.f32 v53, v11;
	v11 =	vmul.f32 v60, v17;
	v4 =	vadd.f32 v8, v4  }
0x2f9: {  	[tilespmem:s15+$0xFFFFFFA0] =	vst v9;
	v9 =	vadd.f32 v59, v16;
	v8 =	vsub.f32 v21, v50;
	v15 =	vmul.f32 v40, v13  }
0x2fa: {  	[tilespmem:s15+$0xFFFFFFB0] =	vst v4;
	v4 =	vadd.f32 v10, v11  }
0x2fb: {  	v7 =	vmul.f32 v7, v62;
	v34 =	vmul.f32 v6, v27;
	[tilespmem:s15+$0xFFFFFFC0] =	vst v9;
	v8 =	vadd.f32 v8, v15  }
0x2fc: {  	v33 =	vmul.f32 v6, v44;
	v35 =	vmul.f32 v6, v61;
	[tilespmem:s15+$0xFFFFFFD0] =	vst v4  }
0x2fd: {  	v6 =	vmul.f32 v6, v62;
	v51 =	vmul.f32 v7, v47;
	[tilespmem:s15+$0xFFFFFFE0] =	vst v8  }
0x2fe: {  	v7 =	vmul.f32 v7, v20;
	v52 =	vmul.f32 v34, v46;
	v8 =	vld [tilespmem:$0x1FE80]  }
0x2ff: {  	v55 =	vmul.f32 v33, v46;
	v56 =	vmul.f32 v35, v46;
	v60 =	vsub.f32 v57, v51  }
0x300: {  	v5 =	vmul.f32 v6, v46;
	v10 =	vsub.f32 v54, v52;
	v11 =	vmul.f32 v34, v63  }
0x301: {  	v12 =	vmul.f32 v35, v12;
	v7 =	vadd.f32 v60, v7;
	v4 =	vsub.f32 v21, v56  }
0x302: {  	v9 =	vsub.f32 v53, v55;
	v63 =	vmul.f32 v33, v14;
	v10 =	vadd.f32 v10, v11  }
0x303: {  	v5 =	vsub.f32 v57, v5;
	[tilespmem:s15+$0xFFFFFFF0] =	vst v7;
	v4 =	vadd.f32 v4, v12;
	v6 =	vmul.f32 v6, v8  }
0x304: {  	[tilespmem:s15+$0x0] =	vst v10;
	v8 =	vadd.f32 v9, v63  }
0x305: {  	s0 =	sshll.u32 s8, $0xC;
	[tilespmem:s15+$0x20] =	vst v4;
	v5 =	vadd.f32 v5, v6  }
0x306: {  	s0 =	sand.u32 $0x1FFFF000, s0;
	[tilespmem:s15+$0x10] =	vst v8  }
0x307: {  	s2 =	simm.s32 $0xC200;
	s20 =	sadd.s32 $0x1, s20;
	s1 =	sadd.s32 s9, s0;
	[tilespmem:s15+$0x30] =	vst v5  }
0x308: {  	[hbm4b:s1+s25] =	stream.strided.scatter [tilespmem:s2], [sflag:$0x4], $0x1000, s30, s25, $0x38;
	[tilespmem:$0x13480] =	vst v63  }
0x309: {  	s24 =	simm.s32 $0xD200;
	p0 =	sne.s32 s20, $0x32;
	s17 =	sadd.s32 s0, s11  }
0x30a: {  	[hbm4b:s17+s25] =	stream.strided.scatter [tilespmem:s24], [sflag:$0x4], $0x1000, s30, s25, $0x38;
	[tilespmem:$0x13480] =	vst v63  }
.Ltmp2:
0x30b: {  	_ = 	snop;
	(pc) =	sbr.rel @p0 .LBB2_2-.Ltmp2, $4  }
0x30c: {  	s29 =	simm.s32 $0xE200;
	s31 =	simm.s32 $0xF200;
	s26 =	sadd.s32 s0, s12  }
0x30d: {  	[hbm4b:s26+s25] =	stream.strided.scatter [tilespmem:s29], [sflag:$0x4], $0x1000, s30, s25, $0x38;
	[tilespmem:$0x13480] =	vst v63  }
0x30e: {  	s18 =	sadd.s32 $0x200, s18;
	s4 =	sadd.s32 $0x200, s4;
	s0 =	sadd.s32 s0, s13;
	v0 =	vmov v53;
	v7 =	vmov v1;
	v1 =	vmov v21  }
0x30f: {  	v10 =	vmovc v54;
	v4 =	vmovc v44;
	v8 =	vmov v2;
	v2 =	vmov v57;
	v6 =	vld [tilespmem:$0x1FFF0];
	v5 =	vmov v3;
	[hbm4b:s0+s25] =	stream.strided.scatter [tilespmem:s31], [sflag:$0x4], $0x1000, s30, s25, $0x38  }
0x310: {  	s0 =	simm.s32 $0x3  }
0x311: {  	_ =	swait.ge [sflag:s0], $0x1000  }
0x312: {  	[sflag:s0] =	ssyncset.done $0x0  }
0x313: {  	[sflag:s0] =	ssyncadd.s32 $0xFFFFF000  }
0x314: {  	_ =	swait.ge [sflag:s0], $0x1000  }
0x315: {  	[sflag:s0] =	ssyncset.done $0x0  }
0x316: {  	[sflag:s0] =	ssyncadd.s32 $0xFFFFF000  }
0x317: {  	_ =	swait.ge [sflag:s0], $0x1000  }
0x318: {  	[sflag:s0] =	ssyncset.done $0x0  }
0x319: {  	[sflag:s0] =	ssyncadd.s32 $0xFFFFF000  }
0x31a: {  	_ =	swait.ge [sflag:s0], $0x1000  }
0x31b: {  	[sflag:s0] =	ssyncset.done $0x0  }
0x31c: {  	[sflag:s0] =	ssyncadd.s32 $0xFFFFF000  }
0x31d: {  	_ =	swait.ge [sflag:s3], $0x1000  }
0x31e: {  	[sflag:s3] =	ssyncset.done $0x0  }
0x31f: {  	[sflag:s3] =	ssyncadd.s32 $0xFFFFF000  }
0x320: {  	_ =	swait.ge [sflag:s3], $0x1000  }
0x321: {  	[sflag:s3] =	ssyncset.done $0x0  }
0x322: {  	[sflag:s3] =	ssyncadd.s32 $0xFFFFF000  }
0x323: {  	_ =	swait.ge [sflag:s3], $0x1000  }
0x324: {  	[sflag:s3] =	ssyncset.done $0x0  }
0x325: {  	[sflag:s3] =	ssyncadd.s32 $0xFFFFF000  }
0x326: {  	_ =	swait.ge [sflag:s3], $0x1000  }
0x327: {  	s1 =	rddreg [dreg:$0xd]  }
0x328: {  	s31 =	rddreg [dreg:$0xa];
	s1 =	sadd.s32 $0x1, s1  }
0x329: {  	p0 =	sne.s32 s1, s31  }
.Ltmp3:
0x32a: {  	_ = 	snop;
	(pc) =	sbr.rel @p0 .LBB2_1-.Ltmp3, $3  }
0x32b: {  	_ =	sdelay $0x1  }
0x32c: {  	[sflag:s3] =	ssyncset.done $0x0  }
0x32d: {  	[sflag:s3] =	ssyncadd.s32 $0xFFFFF000  }
0x32e: {  	_ =	sfence.sel $0x180000  }
0x32f: {  	[bflag:$0x0] =	sbarrier.arrive $0xFFFF  }
0x330: {  	_ =	strace $0x9000004A  }
0x331: {  	s0 =	stileid.u32;
	[bflag:$0x2] =	sbarrier.arrive $0xFFFF  }
0x332: {  	p0 =	sne.s32 s0, $0x0;
	s0 =	rddreg [dreg:$0x4]  }
0x333: {  	s0 =	sadd.s32 @!p0 $0x100000, s0  }
0x334: {  	[sflag:s0] =	ssyncadd.tile.s32 @!p0 $0x1;
	_ =	shalt  }
.Lfunc_end2:
_tile_overlayer_lowered:
.L_overlay_start_2:
0x335: {  	(tag) =	ssettag $0x2  }
0x336: {  	s0 =	rddreg [dreg:$0x0];
	s2 =	stileid.u32  }
0x337: {  	s1 =	rddreg [dreg:$0x1];
	p0 =	sne.s32 s2, $0x0  }
0x338: {  	s3 =	rddreg [dreg:$0x2];
	[bflag:$0x3] =	sbarrier.arrive $0xFFFF;
	s2 =	simm.s32 @!p0 $0x1C05  }
0x339: {  	[timem:s3], [sflag:s2] =	dma.local @!p0 [hbm:s0], s1  }
0x33a: {  	s0 =	simm.s32 @!p0 $0x5  }
0x33b: {  	_ =	swait.ge @!p0 [sflag:s0], s1  }
0x33c: {  	s1 =	ssub.s32 @!p0 $0x0, s1;
	[sflag:s0] =	ssyncset.done @!p0 $0x0  }
0x33d: {  	[sflag:s0] =	ssyncadd.s32 @!p0 s1  }
0x33e: {  	[bflag:$0x3] =	sbarrier.arrive $0xFFFF  }
0x33f: {  	_ =	shalt  }

// kernel: sparse-core-data-format-call.1.cloned.1.call-start
scs
called_computation.1_lowered:
.L_overlay_start_0:
0x0: {  	s2 =	sld [smem:$0x3FD9]  }
0x1: {  	s3 =	sld [smem:$0x3FFE];
	_ =	sdelay $0x1  }
0x2: {  	s1 =	srdreg.scid  }
0x3: {  	s0 =	sand.u32 $0x1, s1  }
0x4: {  	s18 =	sshll.u32 s0, $0xA;
	s2 =	sadd.s32 s3, s2  }
0x5: {  	s2 =	sadd.s32 s2, s18  }
0x6: {  	[smem:$0x3FC4] =	sst s2  }
0x7: {  	_ = 	snop  }
0x8: {  	s2 =	sld [smem:$0x3FC8];
	(tm) =	ssettm $0x1  }
0x9: {  	s19 =	sld [smem:$0x3FFB];
	_ =	sdelay $0x3  }
0xa: {  	_ =	strace s19  }
0xb: {  	s3 =	sld [smem:$0x3FFC];
	_ =	sdelay $0x3  }
0xc: {  	_ =	strace s3  }
0xd: {  	s3 =	sld [smem:$0x3FFD];
	_ =	sdelay $0x3  }
0xe: {  	_ =	strace s3  }
0xf: {  	_ =	strace $0x8FFFFFFF  }
0x10: {  	s20 =	sld [smem:$0x3FDB];
	_ =	sdelay $0x1  }
0x11: {  	s4 =	simm.s32 $_scs_section_size  }
0x12: {  	s5 =	simm.s32 $_size__tile_overlayer_lowered;
	s6 =	simm.s32 $_tile_overlayer_lowered  }
0x13: {  	s23 =	simm.s32 $0x1BFF;
	s22 =	sshll.u32 s6, $0x1;
	s3 =	sadd.s32 s4, s20  }
0x14: {  	s7 =	simm.s32 $0x0;
	s21 =	sshll.u32 s5, $0x1;
	s5 =	sadd.s32 s22, s3  }
0x15: {  	[timem:s7], [sflag:s23] =	dma.local [hbm:s5], s21  }
0x16: {  	_ =	swait.ge [sflag:s23], s21  }
0x17: {  	s4 =	ssub.s32 $0x0, s21;
	[sflag:s23] =	ssyncset.done $0x0  }
0x18: {  	[sflag:s23] =	ssyncadd.s32 s4;
	_ =	sdelay $0x1  }
0x19: {  	s24 =	simm.s32 $0x1B8B  }
0x1a: {  	_ =	swait.ge [sflag:s24], $0x1  }
0x1b: {  	[sflag:s24] =	ssyncset.done $0x0  }
0x1c: {  	s26 =	simm.s32 $0x1B8E;
	s25 =	sld [smem:$0x3FFE];
	[sflag:s24] =	ssyncadd.s32 $0xFFFFFFFF  }
0x1d: {  	s27 =	simm.s32 $execute0_lowered;
	[smem:$0x3FD2] =	sst s26  }
0x1e: {  	s5 =	sshll.u32 s27, $0x1;
	_ =	strace $0x80000046;
	[dreg:$0x1] =	wrdreg $0xFFFFFFFF  }
0x1f: {  	s28 =	simm.s32 $_size_execute0_lowered;
	s3 =	sadd.s32 s3, s5;
	[dreg:$0x0] =	wrdreg $0x0  }
0x20: {  	s5 =	sshll.u32 s28, $0x1;
	[dreg:$0x2] =	wrdreg s3  }
0x21: {  	[dreg:$0x3] =	wrdreg s5  }
0x22: {  	[dreg:$0x4] =	wrdreg $0xC0  }
0x23: {  	_ =	task [dreg:s7], $0x5FFFF  }
0x24: {  	[dreg:$0x1] =	wrdreg $0xFFFFFFFF  }
0x25: {  	[dreg:$0x0] =	wrdreg $0x60  }
0x26: {  	[dreg:$0x2] =	wrdreg s2  }
0x27: {  	[dreg:$0x3] =	wrdreg s25  }
0x28: {  	[dreg:$0x4] =	wrdreg $0x9  }
0x29: {  	_ =	task.clear_ibuf [dreg:s7], $0x5FFFF;
	_ =	strace $0x90000046  }
0x2a: {  	s29 =	simm.s32 $0x9;
	_ =	strace $0x80000048  }
0x2b: {  	_ =	swait.ge [sflag:s29], $0x1  }
0x2c: {  	[sflag:s29] =	ssyncadd.s32 $0xFFFFFFFF  }
0x2d: {  	_ =	strace $0x90000048  }
0x2e: {  	_ =	sfence  }
0x2f: {  	s30 =	sld [smem:$0x0];
	_ =	sdelay $0x2  }
0x30: {  	s31 =	sshll.u32 s1, $0xD;
	s1 =	sshrl.u32 s1, $0x2  }
0x31: {  	s3 =	sand.u32 $0x4000, s31;
	s1 =	sadd.s32 s1, s30  }
0x32: {  	s0 =	sor.u32 s3, s0;
	s1 =	sshll.u32 s1, $0x11  }
0x33: {  	s0 =	sor.u32 s1, s0  }
0x34: {  	s0 =	sadd.s32 $0x8F2B, s0  }
0x35: {  	[sflag:s0] =	ssyncadd.remote.s32 $0x1  }
0x36: {  	_ =	sfence.sel $0xFFFF  }
0x37: {  	[dreg:$0x0] =	wrdreg $0xFFFFFFFF;
	(pc) =	sbr.abs _section_cstart, $3  }
0x38: {  	[dreg:$0x1] =	wrdreg $0xFFFFFFFF  }
0x39: {  	_ =	task.clear_ibuf [dreg:s7], $0x2FFFF;
	_ =	strace $0x9FFFFFFF  }
0x3a: {  	(tm) =	ssettm $0x7FFFFFFF  }
0x3b: {  	_ =	shalt  }
tec
execute0_lowered:
.L_overlay_start_1:
0x0: {  	(tag) =	ssettag $0x1  }
0x1: {  	s0 =	srdreg.scid;
	s2 =	rddreg [dreg:$0x0]  }
0x2: {  	s5 =	rddreg [dreg:$0x1];
	s1 =	stileid.u32  }
0x3: {  	s4 =	simm.s32 $0x1;
	s6 =	simm.s32 $0x2;
	s15 =	simm.s32 $0x0  }
0x4: {  	p0 =	por $0x0, $0x0;
	s8 =	simm.s32 $0x80;
	s0 =	sshll.u32 s0, $0x4  }
0x5: {  	s14 =	simm.s32 $0x0;
	s9 =	simm.s32 $0x0;
	s3 =	sand.u32 $0x10, s0  }
.Ltmp0:
0x6: {  	s10 =	simm.s32 $0x0;
	s3 =	sor.u32 s1, s3;
	(pc) =	sbr.rel .LBB1_1-.Ltmp0, $4  }
0x7: {  	s0 =	rddreg [dreg:$0x2];
	_ =	strace $0x80000047;
	s3 =	sshll.u32 s3, $0x7  }
0x8: {  	s12 =	simm.s32 $0x0;
	[sflag:s4] =	ssyncpa.u1 $0x0;
	s7 =	ssub.s32 $0xF4200, s3  }
0x9: {  	s13 =	simm.s32 $0x0;
	[sflag:s6] =	ssyncpa.u1 $0x0;
	s6 =	sshrl.u32 s7, $0xC  }
0xa: {  	s5 =	sadd.s32 $0x1000, s5;
	s11 =	smov.u32 s3;
	s7 =	sadd.s32 $0x2, s6  }
.LBB1_5:
0xb: {  	p1 =	slt.u32 s13, $0x2  }
0xc: {  	s17 =	smov.u32 s15;
	p2 =	sgt.s32 @!p1 s15, $0xF41C0;
	s16 =	sshra.s32 @!p1 s15, $0x1F  }
0xd: {  	p3 =	sgt.s32 @!p1 s14, $0x40;
	s18 =	sshra.s32 @!p1 s14, $0x1F;
	p2 =	por !p2, p1  }
0xe: {  	s15 =	sand.u32 @!p1 s16, s15;
	p3 =	por !p3, p1;
	s16 =	smov.u32 s14  }
0xf: {  	s14 =	sand.u32 @!p1 s18, s14;
	s17 =	simm.s32 @p2 $0xF41C0;
	s16 =	simm.s32 @p3 $0x40  }
0x10: {  	s15 =	ssub.s32 @!p1 s17, s15;
	s14 =	ssub.s32 @!p1 s16, s14  }
0x11: {  	s18 =	smov.u32 s12;
	s16 =	sadd.s32 @!p1 $0xFFF0BE40, s15;
	s17 =	sadd.s32 @!p1 $0xFFFFFFC0, s14  }
0x12: {  	s15 =	ssub.s32 @!p1 $0xF4240, s15;
	p2 =	sgt.s32 @!p1 s16, $0x7F;
	p3 =	sgt.s32 @!p1 s17, $0x3F  }
0x13: {  	s14 =	ssub.s32 @!p1 $0x80, s14;
	p2 =	por !p2, p1;
	p3 =	por !p3, p1  }
0x14: {  	s16 =	sadd.s32 $0x1000, s11;
	s15 =	simm.s32 @!p2 $0x0;
	s14 =	simm.s32 @!p3 $0x0  }
0x15: {  	p2 =	sgt.s32 s16, $0xF423F;
	s14 =	smul.u32 @!p1 s14, s15;
	s15 =	sadd.s32 $0x40, s12  }
0x16: {  	s18 =	smov.u32 @p2 s15  }
0x17: {  	s16 =	smov.u32 @p2 s3;
	p2 =	sgt.s32 s18, $0x3F  }
0x18: {  	s18 =	simm.s32 @p2 $0x0;
	p2 =	sne.s32 s13, s7  }
.Ltmp1:
0x19: {  	p0 =	por !p0, !p0;
	s17 =	simm.s32 @!p1 $0x2;
	(pc) =	sbr.rel @!p2 .LBB1_6-.Ltmp1, $4  }
0x1a: {  	s15 =	smov.u32 s9;
	s9 =	smov.u32 s11;
	s14 =	sand.u32 @!p1 $0x3FFFFFFF, s14  }
0x1b: {  	s11 =	smov.u32 s16;
	_ =	swait.ge @!p1 [sflag:s17], s14;
	s19 =	ssub.s32 @!p1 $0x0, s14  }
0x1c: {  	s14 =	smov.u32 s10;
	s13 =	sadd.s32 $0x1, s13;
	[sflag:s17] =	ssyncset.done @!p1 $0x0  }
0x1d: {  	s10 =	smov.u32 s12;
	s12 =	smov.u32 s18;
	[sflag:s17] =	ssyncadd.s32 @!p1 s19  }
.LBB1_1:
0x1e: {  	p1 =	sgt.u32 s13, s6  }
0x1f: {  	s16 =	sshrl.u32 @!p1 s12, $0x3  }
0x20: {  	s17 =	sshll.u32 @!p1 s11, $0x3;
	s16 =	smul.u32 @!p1 $0x7A1400, s16  }
0x21: {  	s18 =	sshll.u32 @!p1 s12, $0x7;
	s17 =	sand.u32 @!p1 $0xFFFFFC00, s17  }
0x22: {  	s16 =	sadd.s32 @!p1 s16, s17;
	s17 =	sand.u32 @!p1 $0x380, s18  }
0x23: {  	s18 =	sand.u32 @!p1 $0x7F, s11;
	s16 =	sor.u32 @!p1 s17, s16  }
0x24: {  	s17 =	sor.u32 @!p1 s18, s16  }
0x25: {  	s18 =	smulhi.u32 @!p1 $0x218D6287, s17;
	_ =	sdelay $0x1  }
0x26: {  	s16 =	smulhi.u32 @!p1 $0x218D6287, s16;
	s18 =	sshrl.u32 @!p1 s18, $0x11  }
0x27: {  	s18 =	smul.u32 @!p1 $0xF4280, s18  }
0x28: {  	s19 =	sxor.u32 @!p1 $0xFFFFFFFF, s13;
	s16 =	sshrl.u32 @!p1 s16, $0x11  }
0x29: {  	s19 =	sshll.u32 @!p1 s19, $0xD;
	s16 =	sand.u32 @!p1 $0x3F, s16;
	s17 =	ssub.s32 @!p1 s17, s18  }
0x2a: {  	s16 =	smul.u32 @!p1 $0x1E850, s16;
	s18 =	sshrl.u32 @!p1 s17, $0x3;
	s17 =	sand.u32 @!p1 $0x7, s17  }
0x2b: {  	s19 =	sand.u32 @!p1 $0x2000, s19;
	s18 =	sadd.s32 @!p1 s2, s18;
	s17 =	sshll.u32 @!p1 s17, $0x12  }
0x2c: {  	s16 =	sadd.s32 @!p1 s16, s18;
	s17 =	sor.u32 @!p1 $0x400, s17;
	s18 =	simm.s32 @!p1 $0x7A1400  }
0x2d: {  	[tilespmem:s19], [sflag:$0x1] =	stream.strided.gather @!p1 [hbm4b:s16+s17], $0x2000, s18, s17, $0x38;
	[tilespmem:$0x8100] =	vst v63  }
0x2e: {  	p1 =	seq.s32 s13, $0x0  }
0x2f: {  	p2 =	sge.u32 @!p1 s13, s7  }
0x30: {  	p1 =	por p1, p2  }
.Ltmp2:
0x31: {  	_ = 	snop;
	(pc) =	sbr.rel @p1 .LBB1_5-.Ltmp2, $1  }
0x32: {  	_ =	sdelay $0x3  }
0x33: {  	s16 =	simm.s32 $0x1  }
0x34: {  	_ =	swait.ge [sflag:s4], $0x2000;
	s16 =	simm.s32 @!p0 $0x0  }
0x35: {  	[sflag:s4] =	ssyncset.done $0x0;
	s17 =	sshll.u32 s16, $0xD  }
0x36: {  	[sflag:s4] =	ssyncadd.s32 $0xFFFFE000;
	s17 =	sor.u32 $0x40, s17  }
0x37: {  	s16 =	smul.u32 $0x8200, s16;
	v0 =	vld [tilespmem:s17+$0x30]  }
0x38: {  	v1 =	vld [tilespmem:s17+$0xFFFFFFD0]  }
0x39: {  	s16 =	sshrl.u32 s16, $0x2;
	v5 =	vld [tilespmem:s17+$0xFFFFFFE0]  }
0x3a: {  	v6 =	vld [tilespmem:s17+$0xFFFFFFF0];
	s19 =	sor.u32 $0x4000, s16  }
0x3b: {  	s31 =	sand.u32 $0x1, s13;
	v4 =	vld [tilespmem:s17+$0x0];
	s18 =	sadd.s32 $0x0, s19  }
0x3c: {  	v3 =	vld [tilespmem:s17+$0x10];
	s16 =	smul.u32 $0x8200, s31;
	[tilespmem:s18+$0x1C70 ss:$0x41] =	vst.msk $0xffff, v0  }
0x3d: {  	v2 =	vld [tilespmem:s17+$0x20];
	[tilespmem:s18+$0x410 ss:$0x41] =	vst.msk $0xffff, v1  }
0x3e: {  	s16 =	sshrl.u32 s16, $0x2;
	v1 =	vld [tilespmem:s17+$0xFFFFFFC0];
	[tilespmem:s18+$0x820 ss:$0x41] =	vst.msk $0xffff, v5;
	s17 =	sadd.s32 $0x80, s17  }
0x3f: {  	s20 =	simm.s32 $0x4;
	s21 =	simm.s32 $0x8;
	s16 =	sor.u32 $0x4000, s16;
	[tilespmem:s18+$0xC30 ss:$0x41] =	vst.msk $0xffff, v6;
	v0 =	vld [tilespmem:s17+$0x30]  }
.LBB1_3:
0x40: {  	p1 =	sne.s32 s21, $0xFC;
	v5 =	vld [tilespmem:s17+$0xFFFFFFD0];
	[tilespmem:s18+$0x1040 ss:$0x41] =	vst.msk $0xffff, v4  }
0x41: {  	v6 =	vld [tilespmem:s17+$0xFFFFFFE0];
	[tilespmem:s18+$0x1450 ss:$0x41] =	vst.msk $0xffff, v3  }
0x42: {  	s22 =	sshra.s32 s20, $0x2;
	s20 =	smov.u32 s21;
	v7 =	vld [tilespmem:s17+$0xFFFFFFF0];
	[tilespmem:s18+$0x1860 ss:$0x41] =	vst.msk $0xffff, v2  }
.Ltmp3:
0x43: {  	v4 =	vld [tilespmem:s17+$0x0];
	[tilespmem:s18+$0x0 ss:$0x41] =	vst.msk $0xffff, v1;
	s18 =	sadd.s32 s22, s19;
	(pc) =	sbr.rel @p1 .LBB1_3-.Ltmp3, $4  }
0x44: {  	v3 =	vld [tilespmem:s17+$0x10];
	[tilespmem:s18+$0x1C70 ss:$0x41] =	vst.msk $0xffff, v0  }
0x45: {  	[tilespmem:s18+$0x410 ss:$0x41] =	vst.msk $0xffff, v5;
	v2 =	vld [tilespmem:s17+$0x20]  }
0x46: {  	v1 =	vld [tilespmem:s17+$0xFFFFFFC0];
	[tilespmem:s18+$0x820 ss:$0x41] =	vst.msk $0xffff, v6;
	s17 =	sadd.s32 $0x80, s17  }
0x47: {  	s21 =	sadd.s32 $0x4, s21;
	v0 =	vld [tilespmem:s17+$0x30];
	[tilespmem:s18+$0xC30 ss:$0x41] =	vst.msk $0xffff, v7  }
0x48: {  	s21 =	sshll.u32 s9, $0x7;
	s22 =	sshll.u32 s10, $0x3;
	s20 =	sshra.s32 s20, $0x2  }
0x49: {  	p1 =	sgt.s32 s9, $0xF41C0;
	s30 =	sshra.s32 s9, $0x1F;
	s25 =	sshra.s32 s10, $0x1F  }
0x4a: {  	v5 =	vld [tilespmem:s17+$0xFFFFFFD0];
	s28 =	sshrl.u32 s10, $0x3;
	s23 =	sand.u32 $0xFFFFFC00, s21;
	s22 =	sand.u32 $0xFFFFFC00, s22  }
0x4b: {  	[tilespmem:s18+$0x1040 ss:$0x41] =	vst.msk $0xffff, v4;
	v58 =	vld [tilespmem:s17+$0xFFFFFFE0];
	s21 =	sand.u32 $0x380, s21;
	s19 =	sadd.s32 s20, s19;
	s22 =	sadd.s32 s22, s23  }
0x4c: {  	v59 =	vld [tilespmem:s17+$0xFFFFFFF0];
	[tilespmem:s18+$0x1450 ss:$0x41] =	vst.msk $0xffff, v3;
	s29 =	sor.u32 s21, s22;
	s21 =	smov.u32 s9;
	s22 =	sand.u32 s30, s9  }
0x4d: {  	v60 =	vld [tilespmem:s17+$0x0];
	[tilespmem:s18+$0x1860 ss:$0x41] =	vst.msk $0xffff, v2;
	s30 =	sand.u32 $0x7, s10;
	s20 =	sshrl.u32 s29, $0x7;
	s21 =	simm.s32 @!p1 $0xF41C0  }
0x4e: {  	v61 =	vld [tilespmem:s17+$0x10];
	[tilespmem:s18+$0x0 ss:$0x41] =	vst.msk $0xffff, v1;
	p1 =	sgt.s32 s10, $0x40;
	s24 =	ssub.s32 s21, s22;
	s21 =	smov.u32 s10  }
0x4f: {  	v62 =	vld [tilespmem:s17+$0x20];
	[tilespmem:s19+$0x1C70 ss:$0x41] =	vst.msk $0xffff, v0;
	s31 =	smulhi.u32 $0x218DEF5, s20;
	s22 =	sand.u32 s25, s10;
	s21 =	simm.s32 @!p1 $0x40  }
0x50: {  	v63 =	vld [tilespmem:s17+$0xFFFFFFC0];
	[tilespmem:s19+$0x410 ss:$0x41] =	vst.msk $0xffff, v5;
	s26 =	sadd.s32 $0xFFF0BE40, s24;
	s17 =	ssub.s32 $0xF4240, s24;
	s21 =	ssub.s32 s21, s22  }
0x51: {  	[tilespmem:s19+$0x820 ss:$0x41] =	vst.msk $0xffff, v58;
	s23 =	sshrl.u32 s31, $0xD;
	p1 =	sgt.s32 s26, $0x7F;
	s27 =	sadd.s32 $0xFFFFFFC0, s21  }
0x52: {  	[tilespmem:s19+$0xC30 ss:$0x41] =	vst.msk $0xffff, v59;
	s23 =	smul.u32 $0xF4240, s23;
	s18 =	ssub.s32 $0x80, s21;
	p2 =	sgt.s32 s27, $0x3F  }
.Ltmp4:
0x53: {  	[tilespmem:s19+$0x1040 ss:$0x41] =	vst.msk $0xffff, v60;
	s17 =	simm.s32 @p1 $0x0;
	s18 =	simm.s32 @p2 $0x0;
	(pc) =	sbr.rel .LBB1_5-.Ltmp4, $4  }
0x54: {  	s29 =	sand.u32 $0xF, s28;
	[tilespmem:s19+$0x1450 ss:$0x41] =	vst.msk $0xffff, v61;
	s20 =	ssub.s32 s20, s23;
	s17 =	smul.u32 s18, s17  }
0x55: {  	[tilespmem:s19+$0x1860 ss:$0x41] =	vst.msk $0xffff, v62;
	s21 =	sshll.u32 s30, $0x12;
	s20 =	sshll.u32 s20, $0x4;
	s18 =	sadd.s32 s5, s29  }
0x56: {  	[tilespmem:s19+$0x0 ss:$0x41] =	vst.msk $0xffff, v63;
	s31 =	sor.u32 $0x40, s21;
	s18 =	sadd.s32 s20, s18;
	s17 =	sand.u32 $0x3FFFFFFF, s17  }
0x57: {  	[hbm4b:s18+s31] =	stream.strided.scatter [tilespmem:s16], [sflag:$0x2], s17, s8, s31, $0x18;
	[tilespmem:$0x8100] =	vst v63  }
.LBB1_6:
0x58: {  	_ =	sfence.sel $0x180000  }
0x59: {  	s2 =	simm.s32 $0x1;
	[bflag:$0x0] =	sbarrier.arrive $0xFFFF  }
0x5a: {  	s31 =	simm.s32 $0x2;
	[sflag:s2] =	ssyncpa.u1 $0x1  }
0x5b: {  	[sflag:s31] =	ssyncpa.u1 $0x1  }
0x5c: {  	p0 =	sne.s32 s1, $0x0;
	_ =	strace $0x90000047  }
0x5d: {  	s0 =	sadd.s32 @!p0 $0x100000, s0;
	[bflag:$0x2] =	sbarrier.arrive $0xFFFF  }
0x5e: {  	[sflag:s0] =	ssyncadd.tile.s32 @!p0 $0x1;
	_ =	shalt  }
.Lfunc_end1:
_tile_overlayer_lowered:
.L_overlay_start_2:
0x5f: {  	(tag) =	ssettag $0x2  }
0x60: {  	s0 =	rddreg [dreg:$0x0];
	s2 =	stileid.u32  }
0x61: {  	s1 =	rddreg [dreg:$0x1];
	p0 =	sne.s32 s2, $0x0  }
0x62: {  	s3 =	rddreg [dreg:$0x2];
	[bflag:$0x3] =	sbarrier.arrive $0xFFFF;
	s2 =	simm.s32 @!p0 $0x1C01  }
0x63: {  	[timem:s3], [sflag:s2] =	dma.local @!p0 [hbm:s0], s1  }
0x64: {  	s0 =	simm.s32 @!p0 $0x1  }
0x65: {  	_ =	swait.ge @!p0 [sflag:s0], s1  }
0x66: {  	s1 =	ssub.s32 @!p0 $0x0, s1;
	[sflag:s0] =	ssyncset.done @!p0 $0x0  }
0x67: {  	[sflag:s0] =	ssyncadd.s32 @!p0 s1  }
0x68: {  	[bflag:$0x3] =	sbarrier.arrive $0xFFFF  }
0x69: {  	_ =	shalt  }

// kernel: sparse-core-data-format-call.cloned.1.call-start
scs
called_computation_lowered:
.L_overlay_start_0:
0x0: {  	s2 =	sld [smem:$0x3FD9]  }
0x1: {  	s3 =	sld [smem:$0x3FFE];
	_ =	sdelay $0x1  }
0x2: {  	s1 =	srdreg.scid  }
0x3: {  	s0 =	sand.u32 $0x1, s1  }
0x4: {  	s18 =	sshll.u32 s0, $0xA;
	s2 =	sadd.s32 s3, s2  }
0x5: {  	s2 =	sadd.s32 s2, s18  }
0x6: {  	[smem:$0x3FC4] =	sst s2  }
0x7: {  	_ = 	snop  }
0x8: {  	s2 =	sld [smem:$0x3FD0];
	(tm) =	ssettm $0x1  }
0x9: {  	s19 =	sld [smem:$0x3FFB];
	_ =	sdelay $0x3  }
0xa: {  	_ =	strace s19  }
0xb: {  	s3 =	sld [smem:$0x3FFC];
	_ =	sdelay $0x3  }
0xc: {  	_ =	strace s3  }
0xd: {  	s3 =	sld [smem:$0x3FFD];
	_ =	sdelay $0x3  }
0xe: {  	_ =	strace s3  }
0xf: {  	_ =	strace $0x8FFFFFFF  }
0x10: {  	s20 =	sld [smem:$0x3FDB];
	_ =	sdelay $0x1  }
0x11: {  	s4 =	simm.s32 $_scs_section_size  }
0x12: {  	s5 =	simm.s32 $_size__tile_overlayer_lowered;
	s6 =	simm.s32 $_tile_overlayer_lowered  }
0x13: {  	s23 =	simm.s32 $0x1BFF;
	s22 =	sshll.u32 s6, $0x1;
	s3 =	sadd.s32 s4, s20  }
0x14: {  	s7 =	simm.s32 $0x0;
	s21 =	sshll.u32 s5, $0x1;
	s5 =	sadd.s32 s22, s3  }
0x15: {  	[timem:s7], [sflag:s23] =	dma.local [hbm:s5], s21  }
0x16: {  	_ =	swait.ge [sflag:s23], s21  }
0x17: {  	s4 =	ssub.s32 $0x0, s21;
	[sflag:s23] =	ssyncset.done $0x0  }
0x18: {  	[sflag:s23] =	ssyncadd.s32 s4;
	_ =	sdelay $0x1  }
0x19: {  	s24 =	simm.s32 $0x1B8B  }
0x1a: {  	_ =	swait.ge [sflag:s24], $0x1  }
0x1b: {  	[sflag:s24] =	ssyncset.done $0x0  }
0x1c: {  	s26 =	simm.s32 $0x1B8E;
	s25 =	sld [smem:$0x3FFE];
	[sflag:s24] =	ssyncadd.s32 $0xFFFFFFFF  }
0x1d: {  	s27 =	simm.s32 $execute0_lowered;
	[smem:$0x3FD2] =	sst s26  }
0x1e: {  	s5 =	sshll.u32 s27, $0x1;
	_ =	strace $0x8000004C;
	[dreg:$0x1] =	wrdreg $0xFFFFFFFF  }
0x1f: {  	s28 =	simm.s32 $_size_execute0_lowered;
	s3 =	sadd.s32 s3, s5;
	[dreg:$0x0] =	wrdreg $0x0  }
0x20: {  	s5 =	sshll.u32 s28, $0x1;
	[dreg:$0x2] =	wrdreg s3  }
0x21: {  	[dreg:$0x3] =	wrdreg s5  }
0x22: {  	[dreg:$0x4] =	wrdreg $0xC0  }
0x23: {  	_ =	task [dreg:s7], $0x5FFFF  }
0x24: {  	[dreg:$0x1] =	wrdreg $0xFFFFFFFF  }
0x25: {  	[dreg:$0x0] =	wrdreg $0x60  }
0x26: {  	[dreg:$0x2] =	wrdreg s25  }
0x27: {  	[dreg:$0x3] =	wrdreg s2  }
0x28: {  	[dreg:$0x4] =	wrdreg $0x9  }
0x29: {  	_ =	task.clear_ibuf [dreg:s7], $0x5FFFF;
	_ =	strace $0x9000004C  }
0x2a: {  	s29 =	simm.s32 $0x9;
	_ =	strace $0x8000004E  }
0x2b: {  	_ =	swait.ge [sflag:s29], $0x1  }
0x2c: {  	[sflag:s29] =	ssyncadd.s32 $0xFFFFFFFF  }
0x2d: {  	_ =	strace $0x9000004E  }
0x2e: {  	_ =	sfence  }
0x2f: {  	s30 =	sld [smem:$0x0];
	_ =	sdelay $0x2  }
0x30: {  	s31 =	sshll.u32 s1, $0xD;
	s1 =	sshrl.u32 s1, $0x2  }
0x31: {  	s3 =	sand.u32 $0x4000, s31;
	s1 =	sadd.s32 s1, s30  }
0x32: {  	s0 =	sor.u32 s3, s0;
	s1 =	sshll.u32 s1, $0x11  }
0x33: {  	s0 =	sor.u32 s1, s0  }
0x34: {  	s0 =	sadd.s32 $0x8F2B, s0  }
0x35: {  	[sflag:s0] =	ssyncadd.remote.s32 $0x1  }
0x36: {  	_ =	sfence.sel $0xFFFF  }
0x37: {  	[dreg:$0x0] =	wrdreg $0xFFFFFFFF;
	(pc) =	sbr.abs _section_cstart, $3  }
0x38: {  	[dreg:$0x1] =	wrdreg $0xFFFFFFFF  }
0x39: {  	_ =	task.clear_ibuf [dreg:s7], $0x2FFFF;
	_ =	strace $0x9FFFFFFF  }
0x3a: {  	(tm) =	ssettm $0x7FFFFFFF  }
0x3b: {  	_ =	shalt  }
tec
execute0_lowered:
.L_overlay_start_1:
0x0: {  	(tag) =	ssettag $0x1  }
0x1: {  	s0 =	srdreg.scid  }
0x2: {  	s1 =	sshll.u32 s0, $0x4  }
0x3: {  	s0 =	stileid.u32;
	s1 =	sand.u32 $0x10, s1  }
0x4: {  	s1 =	sor.u32 s0, s1  }
0x5: {  	s6 =	rddreg [dreg:$0x0];
	s4 =	simm.s32 $0x1;
	s2 =	sshll.u32 s1, $0x7  }
0x6: {  	s7 =	simm.s32 $0x2;
	s12 =	simm.s32 $0x0;
	s1 =	ssub.s32 $0x1000, s2  }
0x7: {  	s8 =	simm.s32 $0x8000;
	s13 =	simm.s32 $0x0;
	s3 =	sand.u32 $0xF80, s1  }
0x8: {  	s9 =	simm.s32 $0x0;
	s5 =	sshrl.u32 s1, $0xC;
	p0 =	sne.s32 s3, $0x0  }
.Ltmp0:
0x9: {  	s1 =	rddreg [dreg:$0x2];
	s4 =	simm.s32 @!p0 $0x0;
	(pc) =	sbr.rel .LBB1_1-.Ltmp0, $4  }
0xa: {  	s11 =	simm.s32 $0x0;
	s3 =	rddreg [dreg:$0x1];
	s5 =	sadd.s32 s4, s5  }
0xb: {  	_ =	strace $0x8000004D;
	s4 =	simm.s32 $0x1;
	s5 =	smul.u32 $0xC8, s5  }
0xc: {  	s6 =	sadd.s32 $0x1000, s6;
	s10 =	smov.u32 s2;
	[sflag:s4] =	ssyncpa.u1 $0x0  }
0xd: {  	p0 =	por $0x0, $0x0;
	[sflag:s7] =	ssyncpa.u1 $0x0;
	s7 =	sor.u32 $0x1, s5  }
.LBB1_4:
0xe: {  	s16 =	sshll.u32 s13, $0x3;
	s17 =	sand.u32 $0x78, s13  }
0xf: {  	s30 =	sand.u32 $0x7E00, s13;
	s12 =	sshll.u32 s12, $0xF;
	s16 =	sand.u32 $0xC00, s16  }
0x10: {  	[tilespmem:s15+$0x810 ss:$0x81] =	vst.msk $0xffff, v2;
	s31 =	sand.u32 $0x7, s13;
	s16 =	sor.u32 s17, s16;
	s17 =	sadd.s32 s3, s30  }
0x11: {  	[tilespmem:s15+$0x1020 ss:$0x81] =	vst.msk $0xffff, v0;
	s13 =	sshll.u32 s31, $0x12;
	s12 =	sadd.s32 s12, s17;
	s16 =	sshrl.u32 s16, $0x3  }
0x12: {  	[tilespmem:s15+$0x0 ss:$0x81] =	vst.msk $0xffff, v1;
	s13 =	sor.u32 $0x400, s13;
	s12 =	sadd.s32 s16, s12  }
0x13: {  	[hbm4b:s12+s13] =	stream.strided.scatter [tilespmem:s14], [sflag:$0x2], $0x2000, s8, s13, $0x20;
	[tilespmem:$0x8080] =	vst v63  }
.LBB1_5:
0x14: {  	s14 =	sadd.s32 $0x1, s9  }
0x15: {  	s12 =	sadd.s32 $0x1000, s10;
	s16 =	smov.u32 s10;
	p2 =	sgt.s32 s14, $0xC7  }
0x16: {  	s16 =	smov.u32 @p2 s12  }
0x17: {  	s14 =	simm.s32 @p2 $0x0;
	p2 =	sgt.s32 s16, $0xFFF  }
0x18: {  	s16 =	smov.u32 @p2 s2;
	p2 =	sne.s32 s11, s7  }
.Ltmp1:
0x19: {  	p1 =	slt.u32 s11, $0x2;
	(pc) =	sbr.rel @!p2 .LBB1_6-.Ltmp1, $4  }
0x1a: {  	s15 =	simm.s32 @!p1 $0x2  }
0x1b: {  	s13 =	smov.u32 s10;
	p0 =	por !p0, !p0;
	_ =	swait.ge @!p1 [sflag:s15], $0x2000  }
0x1c: {  	s12 =	smov.u32 s9;
	[sflag:s15] =	ssyncset.done @!p1 $0x0;
	s9 =	smov.u32 s14  }
0x1d: {  	s11 =	sadd.s32 $0x1, s11;
	[sflag:s15] =	ssyncadd.s32 @!p1 $0xFFFFE000;
	s10 =	smov.u32 s16  }
.LBB1_1:
0x1e: {  	p1 =	sge.u32 s11, s5  }
0x1f: {  	s14 =	sand.u32 @!p1 $0x1FFFFFF, s9  }
0x20: {  	s15 =	smulhi.u32 @!p1 $0x147AE15, s14;
	_ =	sdelay $0x1  }
0x21: {  	s15 =	smul.u32 @!p1 $0xC8, s15  }
0x22: {  	s16 =	sxor.u32 @!p1 $0xFFFFFFFF, s11;
	s17 =	smul.u32 @!p1 $0xC80, s10  }
0x23: {  	s31 =	sadd.s32 $0xFFFFFFFF, s11;
	s16 =	sshll.u32 @!p1 s16, $0xD;
	s14 =	ssub.s32 @!p1 s14, s15  }
0x24: {  	s15 =	sand.u32 @!p1 $0x2000, s16;
	s16 =	sadd.s32 @!p1 s6, s17;
	s14 =	sshll.u32 @!p1 s14, $0x4  }
0x25: {  	s17 =	simm.s32 @!p1 $0x6400;
	s14 =	sadd.s32 @!p1 s14, s16;
	s16 =	simm.s32 @!p1 $0x40  }
0x26: {  	[tilespmem:s15], [sflag:$0x1] =	stream.strided.gather @!p1 [hbm4b:s14+s16], $0x2000, s17, s16, $0x38;
	[tilespmem:$0x8080] =	vst v63  }
0x27: {  	p1 =	sge.u32 s31, s5  }
.Ltmp2:
0x28: {  	_ = 	snop;
	(pc) =	sbr.rel @p1 .LBB1_5-.Ltmp2, $1  }
0x29: {  	_ =	sdelay $0x3  }
0x2a: {  	s14 =	simm.s32 $0x1  }
0x2b: {  	_ =	swait.ge [sflag:s4], $0x2000;
	s14 =	simm.s32 @!p0 $0x0  }
0x2c: {  	[sflag:s4] =	ssyncset.done $0x0;
	s15 =	sshll.u32 s14, $0xD  }
0x2d: {  	[sflag:s4] =	ssyncadd.s32 $0xFFFFE000;
	s18 =	sor.u32 $0x20, s15  }
0x2e: {  	s14 =	smul.u32 $0x8100, s14;
	v3 =	vld [tilespmem:s18+$0x10]  }
0x2f: {  	s30 =	sand.u32 $0x1, s11;
	v2 =	vld [tilespmem:s18+$0xFFFFFFF0]  }
0x30: {  	s15 =	smul.u32 $0x8100, s30;
	s14 =	sshrl.u32 s14, $0x2;
	v0 =	vld [tilespmem:s18+$0x0]  }
0x31: {  	v1 =	vld [tilespmem:s18+$0xFFFFFFE0];
	s16 =	sor.u32 $0x4000, s14  }
0x32: {  	s31 =	sshrl.u32 s15, $0x2;
	s15 =	sadd.s32 $0x0, s16  }
0x33: {  	s17 =	simm.s32 $0x4;
	s18 =	sadd.s32 $0x40, s18;
	s14 =	sor.u32 $0x4000, s31;
	[tilespmem:s15+$0x1830 ss:$0x81] =	vst.msk $0xffff, v3  }
.LBB1_3:
0x34: {  	v3 =	vld [tilespmem:s18+$0x10];
	p1 =	sne.s32 s17, $0x1FC;
	[tilespmem:s15+$0x810 ss:$0x81] =	vst.msk $0xffff, v2;
	s19 =	smov.u32 s17;
	s17 =	sadd.s32 $0x4, s17  }
.Ltmp3:
0x35: {  	v2 =	vld [tilespmem:s18+$0xFFFFFFF0];
	[tilespmem:s15+$0x1020 ss:$0x81] =	vst.msk $0xffff, v0;
	(pc) =	sbr.rel @p1 .LBB1_3-.Ltmp3, $4  }
0x36: {  	v0 =	vld [tilespmem:s18+$0x0];
	[tilespmem:s15+$0x0 ss:$0x81] =	vst.msk $0xffff, v1  }
0x37: {  	s15 =	sshra.s32 s19, $0x2;
	v1 =	vld [tilespmem:s18+$0xFFFFFFE0]  }
0x38: {  	s15 =	sadd.s32 s15, s16  }
0x39: {  	s18 =	sadd.s32 $0x40, s18;
	[tilespmem:s15+$0x1830 ss:$0x81] =	vst.msk $0xffff, v3  }
.Ltmp4:
0x3a: {  	_ = 	snop;
	(pc) =	sbr.rel .LBB1_4-.Ltmp4, $1  }
0x3b: {  	_ =	sdelay $0x3  }
.LBB1_6:
0x3c: {  	_ =	sfence.sel $0x180000  }
0x3d: {  	s2 =	simm.s32 $0x1;
	[bflag:$0x0] =	sbarrier.arrive $0xFFFF  }
0x3e: {  	s31 =	simm.s32 $0x2;
	[sflag:s2] =	ssyncpa.u1 $0x1  }
0x3f: {  	[sflag:s31] =	ssyncpa.u1 $0x1  }
0x40: {  	p0 =	sne.s32 s0, $0x0;
	_ =	strace $0x9000004D  }
0x41: {  	s0 =	sadd.s32 @!p0 $0x100000, s1;
	[bflag:$0x2] =	sbarrier.arrive $0xFFFF  }
0x42: {  	[sflag:s0] =	ssyncadd.tile.s32 @!p0 $0x1;
	_ =	shalt  }
.Lfunc_end1:
_tile_overlayer_lowered:
.L_overlay_start_2:
0x43: {  	(tag) =	ssettag $0x2  }
0x44: {  	s0 =	rddreg [dreg:$0x0];
	s2 =	stileid.u32  }
0x45: {  	s1 =	rddreg [dreg:$0x1];
	p0 =	sne.s32 s2, $0x0  }
0x46: {  	s3 =	rddreg [dreg:$0x2];
	[bflag:$0x3] =	sbarrier.arrive $0xFFFF;
	s2 =	simm.s32 @!p0 $0x1C01  }
0x47: {  	[timem:s3], [sflag:s2] =	dma.local @!p0 [hbm:s0], s1  }
0x48: {  	s0 =	simm.s32 @!p0 $0x1  }
0x49: {  	_ =	swait.ge @!p0 [sflag:s0], s1  }
0x4a: {  	s1 =	ssub.s32 @!p0 $0x0, s1;
	[sflag:s0] =	ssyncset.done @!p0 $0x0  }
0x4b: {  	[sflag:s0] =	ssyncadd.s32 @!p0 s1  }
0x4c: {  	[bflag:$0x3] =	sbarrier.arrive $0xFFFF  }
0x4d: {  	_ =	shalt  }

</sc_bundles>
